<compile_context>
chip_gen: v7x
topology: tpu7x:2x2x1
jax: 0.10.2.dev20260603
libtpu: 0.0.44.dev20260713+nightly
codegen_flags: <defaults>
</compile_context>

<pallas_src>
import functools

import jax
import jax.numpy as jnp
from jax import lax
from jax.experimental import pallas as pl
from jax.experimental.pallas import tpu as pltpu
from jax.experimental.pallas import tpu_sc as plsc

N = 10000
NP = 10240
R = 512
NB = NP // R
BLK = 128
DEPTH = 2
NSUB = 16
NCORE = 2
RPT = NP // NSUB

F0 = 128
F1, C1 = 128, 8
F2, C2 = 128, 16



def _mesh():
    return plsc.VectorSubcoreMesh(core_axis_name="c", subcore_axis_name="s")


def _make_deg_kernel(e_pad):
    ept = e_pad // (NCORE * NSUB)

    @functools.partial(
        pl.kernel,
        out_type=jax.ShapeDtypeStruct((NCORE * NSUB, NP), jnp.float32),
        mesh=_mesh(),
        compiler_params=pltpu.CompilerParams(needs_layout_passes=False),
        scratch_types=[
            pltpu.VMEM((ept,), jnp.int32),
            pltpu.VMEM((NP,), jnp.float32),
        ],
    )
    def deg_kernel(dst_hbm, hist_hbm, dstb, hist):
        core = lax.axis_index("c")
        sub = lax.axis_index("s")
        wid = sub * NCORE + core

        zeros16 = jnp.zeros((16,), jnp.float32)

        def zbody(i, carry):
            hist[pl.ds(i * 16, 16)] = zeros16
            return carry

        lax.fori_loop(0, NP // 16, zbody, 0)

        pltpu.sync_copy(dst_hbm.at[pl.ds(wid * ept, ept)], dstb)
        ones16 = jnp.ones((16,), jnp.float32)

        def body(i, carry):
            d16 = dstb[pl.ds(i * 16, 16)]
            plsc.addupdate_scatter(hist, [d16], ones16)
            return carry

        lax.fori_loop(0, ept // 16, body, 0)
        pltpu.sync_copy(hist, hist_hbm.at[wid])

    return deg_kernel


def _make_prop_kernel(e_pad, n_chunks, feat, split_edges=False):
    n_out = 2 if split_edges else n_chunks
    nblk_t = e_pad // (NSUB * (NCORE if split_edges else 1) * BLK)
    nstage = nblk_t // 4

    @functools.partial(
        pl.kernel,
        out_type=jax.ShapeDtypeStruct((n_out * NP, feat), jnp.float32),
        mesh=_mesh(),
        compiler_params=pltpu.CompilerParams(needs_layout_passes=False),
        scratch_types=[
            pltpu.VMEM((nstage, 1, BLK), jnp.int32),
            pltpu.VMEM((nstage, 1, BLK), jnp.int32),
        ] + [pltpu.VMEM((BLK,), jnp.int32)] * DEPTH
          + [pltpu.VMEM((BLK,), jnp.int32)]
          + [pltpu.VMEM((BLK, feat), jnp.float32)] * DEPTH
          + [pltpu.VMEM_SHARED((NP, feat), jnp.float32)]
          + [pltpu.SemaphoreType.DMA] * DEPTH,
    )
    def prop_kernel(z_hbm, src_hbm, dst_hbm, zero_hbm, y_hbm, srcS, dstS,
                    *bufs):
        gbufs = bufs[0:DEPTH]
        dbuf = bufs[DEPTH]
        rowss = bufs[DEPTH + 1:2 * DEPTH + 1]
        acc = bufs[2 * DEPTH + 1]
        gsems = bufs[2 * DEPTH + 2:]
        core = lax.axis_index("c")
        sub = lax.axis_index("s")

        def run_part(c, blk_base, with_offset):
            pltpu.sync_copy(src_hbm.at[pl.ds(blk_base, nstage)], srcS)
            pltpu.sync_copy(dst_hbm.at[pl.ds(blk_base, nstage)], dstS)

            def fire(g, i):
                gbuf = gbufs[i]
                for k in range(BLK // 16):
                    s16 = srcS[g, 0, pl.ds(k * 16, 16)]
                    gbuf[pl.ds(k * 16, 16)] = (
                        s16 + c * NP if with_offset else s16)
                pltpu.async_copy(z_hbm.at[gbuf], rowss[i], gsems[i])

            def wait_scatter(g, i):
                for k in range(BLK // 16):
                    dbuf[pl.ds(k * 16, 16)] = dstS[g, 0, pl.ds(k * 16, 16)]
                pltpu.make_async_copy(
                    z_hbm.at[gbufs[i]], rowss[i], gsems[i]).wait()
                pltpu.sync_copy(rowss[i], acc.at[dbuf], add=True)

            for i in range(DEPTH - 1):
                fire(i, i)

            def step(q, carry):
                a = DEPTH * q
                fire(a + DEPTH - 1, DEPTH - 1)
                for i in range(DEPTH):
                    wait_scatter(a + i, i)
                    if i < DEPTH - 1:
                        @pl.when(a + DEPTH + i < nstage)
                        def _(i=i):
                            fire(a + DEPTH + i, i)
                return carry

            lax.fori_loop(0, nstage // DEPTH, step, 0)

        def run_chunk(c, blk_base, out_base, with_offset):
            pltpu.sync_copy(zero_hbm, acc.at[pl.ds(sub * RPT, RPT)])
            plsc.subcore_barrier()

            def pbody(part, carry):
                run_part(c, blk_base + part * nstage, with_offset)
                return carry

            lax.fori_loop(0, 4, pbody, 0)
            plsc.subcore_barrier()
            pltpu.sync_copy(
                acc.at[pl.ds(sub * RPT, RPT)],
                y_hbm.at[pl.ds(pl.multiple_of(out_base + sub * RPT, 8), RPT)])
            plsc.subcore_barrier()

        if split_edges:
            run_chunk(0, (core * NSUB + sub) * nblk_t, core * NP, False)
        else:
            def cbody(j, carry):
                c = 2 * j + core
                run_chunk(c, sub * nblk_t, c * NP, True)
                return carry

            lax.fori_loop(0, n_chunks // NCORE, cbody, 0)

    return prop_kernel



def _row_mask(r_id, x):
    rows = lax.broadcasted_iota(jnp.int32, x.shape, 0) + r_id * R
    return jnp.where(rows < N, x, 0.0)


def _tc0_body(hist_ref, v_ref, z0_ref, deg_ref):
    deg = jnp.sum(hist_ref[...], axis=0) + 1.0
    dis = lax.rsqrt(deg)[:, None]
    z0_ref[...] = v_ref[...] * dis
    deg_ref[...] = deg[:, None]


def _tc1_body(y00, y01, z00, deg_ref, w_ref, b_ref, z1_ref):
    r = pl.program_id(0)
    dis = lax.rsqrt(deg_ref[...])
    t = (y00[...] + y01[...] + z00[...]) * dis
    x = jnp.dot(t.astype(jnp.bfloat16), w_ref[...],
                preferred_element_type=jnp.float32)
    x = jnp.maximum(x + b_ref[0], 0.0)
    z1_ref[...] = _row_mask(r, x) * dis


def _tc2a_body(y_ref, z_ref, deg_ref, w_ref, x_ref, acc):
    ci = pl.program_id(1)

    @pl.when(ci == 0)
    def _():
        acc[...] = jnp.zeros_like(acc)

    dis = lax.rsqrt(deg_ref[...])
    t = ((y_ref[...] + z_ref[...]) * dis).astype(jnp.bfloat16)
    acc[...] += jnp.dot(t, w_ref[...], preferred_element_type=jnp.float32)

    @pl.when(ci == C1 - 1)
    def _():
        x_ref[...] = acc[...]


def _tc2b_body(x_ref, deg_ref, b_ref, z2_ref):
    r = pl.program_id(0)
    dis = lax.rsqrt(deg_ref[...])
    x = jnp.maximum(x_ref[...] + b_ref[0], 0.0)
    z2_ref[...] = _row_mask(r, x) * dis


def _tc3_body(y_ref, z_ref, deg_ref, wmu_ref, wstd_ref, bmu_ref, bstd_ref,
              mu_ref, std_ref, accm, accs):
    ci = pl.program_id(1)

    @pl.when(ci == 0)
    def _():
        accm[...] = jnp.zeros_like(accm)
        accs[...] = jnp.zeros_like(accs)

    dis = lax.rsqrt(deg_ref[...])
    t = ((y_ref[...] + z_ref[...]) * dis).astype(jnp.bfloat16)
    accm[...] += jnp.dot(t, wmu_ref[...], preferred_element_type=jnp.float32)
    accs[...] += jnp.dot(t, wstd_ref[...], preferred_element_type=jnp.float32)

    @pl.when(ci == C2 - 1)
    def _():
        mu_ref[...] = accm[...] + bmu_ref[...]
        std_ref[...] = accs[...] + bstd_ref[...]



def kernel(v, edge_index, W1, b1, W2, b2, Wmu, bmu, Wstd, bstd):
    f32 = jnp.float32
    e = edge_index.shape[1]
    quantum = NSUB * NCORE * BLK * 8
    e_pad = -(-e // quantum) * quantum

    src = jnp.pad(edge_index[0], (0, e_pad - e), constant_values=N)
    dst = jnp.pad(edge_index[1], (0, e_pad - e), constant_values=N)
    src2 = src.reshape(-1, 1, BLK)
    dst2 = dst.reshape(-1, 1, BLK)
    v_pad = jnp.pad(v, ((0, NP - N), (0, 0)))
    W2p = jnp.pad(W2, ((0, 0), (0, C2 * F2 - W2.shape[1]))).astype(jnp.bfloat16)
    b2p = jnp.pad(b2, (0, C2 * F2 - b2.shape[0]))
    Wmu_p = jnp.pad(Wmu, ((0, C2 * F2 - Wmu.shape[0]), (0, 0))).astype(
        jnp.bfloat16)
    Wstd_p = jnp.pad(Wstd, ((0, C2 * F2 - Wstd.shape[0]), (0, 0))).astype(
        jnp.bfloat16)
    W1b = W1.astype(jnp.bfloat16)
    b1r = b1.reshape(C1, 1, F1)
    b2r = b2p.reshape(C2, 1, F2)

    hist = _make_deg_kernel(e_pad)(dst)

    z0, deg_col = pl.pallas_call(
        _tc0_body,
        grid=(NB,),
        in_specs=[
            pl.BlockSpec((NCORE * NSUB, R), lambda r: (0, r)),
            pl.BlockSpec((R, F0), lambda r: (r, 0)),
        ],
        out_specs=[
            pl.BlockSpec((R, F0), lambda r: (r, 0)),
            pl.BlockSpec((R, 1), lambda r: (r, 0)),
        ],
        out_shape=[
            jax.ShapeDtypeStruct((NP, F0), f32),
            jax.ShapeDtypeStruct((NP, 1), f32),
        ],
    )(hist, v_pad)

    zeros0 = jnp.zeros((RPT, F0), f32)
    y0 = _make_prop_kernel(e_pad, 1, F0, split_edges=True)(
        z0, src2, dst2, zeros0)

    z1 = pl.pallas_call(
        _tc1_body,
        grid=(NB, C1),
        in_specs=[
            pl.BlockSpec((R, F0), lambda r, co: (r, 0)),
            pl.BlockSpec((R, F0), lambda r, co: (NB + r, 0)),
            pl.BlockSpec((R, F0), lambda r, co: (r, 0)),
            pl.BlockSpec((R, 1), lambda r, co: (r, 0)),
            pl.BlockSpec((F0, F1), lambda r, co: (0, co)),
            pl.BlockSpec((1, 1, F1), lambda r, co: (co, 0, 0)),
        ],
        out_specs=pl.BlockSpec((R, F1), lambda r, co: (co * NB + r, 0)),
        out_shape=jax.ShapeDtypeStruct((C1 * NP, F1), f32),
    )(y0, y0, z0, deg_col, W1b, b1r)

    zeros1 = jnp.zeros((RPT, F1), f32)
    y1 = _make_prop_kernel(e_pad, C1, F1)(z1, src2, dst2, zeros1)

    x2pre = pl.pallas_call(
        _tc2a_body,
        grid=(NB, C1),
        in_specs=[
            pl.BlockSpec((R, F1), lambda r, ci: (ci * NB + r, 0)),
            pl.BlockSpec((R, F1), lambda r, ci: (ci * NB + r, 0)),
            pl.BlockSpec((R, 1), lambda r, ci: (r, 0)),
            pl.BlockSpec((F1, C2 * F2), lambda r, ci: (ci, 0)),
        ],
        out_specs=pl.BlockSpec((R, C2 * F2), lambda r, ci: (r, 0)),
        out_shape=jax.ShapeDtypeStruct((NP, C2 * F2), f32),
        scratch_shapes=[pltpu.VMEM((R, C2 * F2), f32)],
    )(y1, z1, deg_col, W2p)

    z2 = pl.pallas_call(
        _tc2b_body,
        grid=(NB, C2),
        in_specs=[
            pl.BlockSpec((R, F2), lambda r, co: (r, co)),
            pl.BlockSpec((R, 1), lambda r, co: (r, 0)),
            pl.BlockSpec((1, 1, F2), lambda r, co: (co, 0, 0)),
        ],
        out_specs=pl.BlockSpec((R, F2), lambda r, co: (co * NB + r, 0)),
        out_shape=jax.ShapeDtypeStruct((C2 * NP, F2), f32),
    )(x2pre, deg_col, b2r)

    zeros2 = jnp.zeros((RPT, F2), f32)
    y2 = _make_prop_kernel(e_pad, C2, F2)(z2, src2, dst2, zeros2)

    dout = Wmu.shape[1]
    mu_pad, std_pad = pl.pallas_call(
        _tc3_body,
        grid=(NB, C2),
        in_specs=[
            pl.BlockSpec((R, F2), lambda r, ci: (ci * NB + r, 0)),
            pl.BlockSpec((R, F2), lambda r, ci: (ci * NB + r, 0)),
            pl.BlockSpec((R, 1), lambda r, ci: (r, 0)),
            pl.BlockSpec((F2, dout), lambda r, ci: (ci, 0)),
            pl.BlockSpec((F2, dout), lambda r, ci: (ci, 0)),
            pl.BlockSpec((1, dout), lambda r, ci: (0, 0)),
            pl.BlockSpec((1, dout), lambda r, ci: (0, 0)),
        ],
        out_specs=[
            pl.BlockSpec((R, dout), lambda r, ci: (r, 0)),
            pl.BlockSpec((R, dout), lambda r, ci: (r, 0)),
        ],
        out_shape=[
            jax.ShapeDtypeStruct((NP, dout), f32),
            jax.ShapeDtypeStruct((NP, dout), f32),
        ],
        scratch_shapes=[pltpu.VMEM((R, dout), f32), pltpu.VMEM((R, dout), f32)],
    )(y2, z2, deg_col, Wmu_p, Wstd_p, bmu.reshape(1, dout),
      bstd.reshape(1, dout))

    return (mu_pad[:N], std_pad[:N])

# --- scband reference (transcript-rebuilt; emitter-appended) ---
"""Pipeline reference for scband-neuro-gender-tokenizer-47596827574733 (READ-ONLY COPY).

The authoritative reference and input builder live on the scoring server;
editing this copy changes nothing except your own understanding.
"""

import jax, jax.numpy as jnp
import numpy as np

N_NODES = 10000
N_EDGES = 320000


def glorot(key, shape):
    fan_in, fan_out = shape[0], shape[1]
    limit = float(np.sqrt(6.0 / (fan_in + fan_out)))
    return jax.random.uniform(key, shape, jnp.float32, -limit, limit)


def setup_inputs(seed: int = 0) -> dict:
    key = jax.random.key(seed)
    ks = jax.random.split(key, 12)
    v = jax.random.normal(ks[0], (N_NODES, 128), jnp.float32)
    edge_index = jax.random.randint(ks[1], (2, N_EDGES), 0, N_NODES, jnp.int32)
    return {
        "v": v,
        "edge_index": edge_index,
        "W1": glorot(ks[2], (128, 1024)),
        "b1": jnp.zeros((1024,), jnp.float32),
        "W2": glorot(ks[3], (1024, 2000)),
        "b2": jnp.zeros((2000,), jnp.float32),
        "Wmu": glorot(ks[4], (2000, 1024)),
        "bmu": jnp.zeros((1024,), jnp.float32),
        "Wstd": glorot(ks[5], (2000, 1024)),
        "bstd": jnp.zeros((1024,), jnp.float32),
    }


def gcn_conv(x, edge_index, W, b):
    # Faithful PyG GCNConv: linear transform, add self-loops, symmetric norm, scatter-add
    n = x.shape[0]
    x = x @ W
    src = edge_index[0]
    dst = edge_index[1]
    loop = jnp.arange(n, dtype=src.dtype)
    src = jnp.concatenate([src, loop])
    dst = jnp.concatenate([dst, loop])
    ones = jnp.ones(src.shape[0], dtype=x.dtype)
    deg = jax.ops.segment_sum(ones, dst, num_segments=n)
    deg_inv_sqrt = jnp.where(deg > 0, jax.lax.rsqrt(jnp.maximum(deg, 1e-12)), 0.0)
    norm = deg_inv_sqrt[src] * deg_inv_sqrt[dst]
    msgs = x[src] * norm[:, None]
    out = jax.ops.segment_sum(msgs, dst, num_segments=n)
    return out + b


def reference(v, edge_index, W1, b1, W2, b2, Wmu, bmu, Wstd, bstd):
    x = jax.nn.relu(gcn_conv(v, edge_index, W1, b1))
    x = jax.nn.relu(gcn_conv(x, edge_index, W2, b2))
    mu = gcn_conv(x, edge_index, Wmu, bmu)
    std = gcn_conv(x, edge_index, Wstd, bstd)
    return (mu, std)

if __name__ == "__main__":
    import jax
    _d = setup_inputs()
    print(jax.jit(kernel)(*tuple(_d.values())))

</pallas_src>

<mosaic_0001>
#map = affine_map<(d0, d1) -> (0)>
#map1 = affine_map<(d0, d1) -> (0, 0)>
module attributes {stable_mosaic.version = 14 : i64} {
  func.func @deg_kernel(%arg0: i32, %arg1: i32, %arg2: memref<327680xi32, #tpu.memory_space<hbm>>, %arg3: memref<32x10240xf32, #tpu.memory_space<hbm>>, %arg4: memref<10240xi32, #tpu.memory_space<vmem>>, %arg5: memref<10240xf32, #tpu.memory_space<vmem>>) attributes {dimension_semantics = [#tpu.dimension_semantics<core_parallel>, #tpu.dimension_semantics<subcore_parallel>], iteration_bounds = array<i64: 2, 16>, scalar_prefetch = 0 : i64, scratch_operands = 2 : i64, tpu.core_type = #tpu.core_type<sc_vector_subcore>, window_params = [{transform_indices = #map}, {transform_indices = #map1}]} {
    %mul3A = arith.constant 2 : i32
    %mul3A_0 = arith.muli %arg1, %mul3A : i32
    %add3A = arith.addi %mul3A_0, %arg0 : i32
    %broadcast_in_dim3A = arith.constant 0.000000e+00 : f32
    %broadcast_in_dim3A_1 = vector.broadcast %broadcast_in_dim3A : f32 to vector<16xf32>
    %scan3A = arith.constant 0 : i32
    %scan3A_2 = arith.constant 0 : i32
    %scan3A_3 = arith.constant 640 : i32
    %scan3A_4 = arith.addi %scan3A_2, %scan3A_3 : i32
    %scan3A_5 = arith.constant 1 : i32
    scf.for %scan3A_17 = %scan3A_2 to %scan3A_4 step %scan3A_5  : i32 {
      %mul3A_18 = arith.constant 16 : i32
      %mul3A_19 = arith.muli %scan3A_17, %mul3A_18 : i32
      %swap3A = arith.index_cast %mul3A_19 : i32 to index
      %swap3A_20 = tpu.vector_load %arg5[%swap3A] {strides = array<i32>} : memref<10240xf32, #tpu.memory_space<vmem>>, vector<16xf32>,
      tpu.vector_store %arg5[%swap3A], %broadcast_in_dim3A_1 {strides = array<i32>} : memref<10240xf32, #tpu.memory_space<vmem>>, vector<16xf32>,
    }
    %scan3A_6 = arith.constant 640 : i32
    %mul3A_7 = arith.constant 10240 : i32
    %mul3A_8 = arith.muli %add3A, %mul3A_7 : i32
    "tpu.region"() ({
      %run_scoped3A = tpu.sem_alloc : memref<!tpu.dma_semaphore, #tpu.memory_space<semaphore_mem>>
      %dma_start3A = tpu.memref_slice %arg2[%mul3A_8] : memref<327680xi32, #tpu.memory_space<hbm>> -> memref<10240xi32, #tpu.memory_space<hbm>>
      %dma_start3A_17 = tpu.memref_slice %arg2[%mul3A_8] : memref<327680xi32, #tpu.memory_space<hbm>> -> memref<10240xi32, #tpu.memory_space<hbm>>
      tpu.enqueue_dma source(%dma_start3A_17 : memref<10240xi32, #tpu.memory_space<hbm>>) target(%arg4 : memref<10240xi32, #tpu.memory_space<vmem>>) target_semaphore(%run_scoped3A : memref<!tpu.dma_semaphore, #tpu.memory_space<semaphore_mem>>)
      %dma_wait3A = tpu.memref_slice %arg2[%mul3A_8] : memref<327680xi32, #tpu.memory_space<hbm>> -> memref<10240xi32, #tpu.memory_space<hbm>>
      %dma_wait3A_18 = tpu.memref_slice %arg2[%mul3A_8] : memref<327680xi32, #tpu.memory_space<hbm>> -> memref<10240xi32, #tpu.memory_space<hbm>>
      tpu.wait_dma2 semaphore(%run_scoped3A : memref<!tpu.dma_semaphore, #tpu.memory_space<semaphore_mem>>) src(%dma_wait3A_18 : memref<10240xi32, #tpu.memory_space<hbm>>) dst(%arg4 : memref<10240xi32, #tpu.memory_space<vmem>>)
      tpu.yield
    }) : () -> ()
    %broadcast_in_dim3A_9 = arith.constant 1.000000e+00 : f32
    %broadcast_in_dim3A_10 = vector.broadcast %broadcast_in_dim3A_9 : f32 to vector<16xf32>
    %scan3A_11 = arith.constant 0 : i32
    %scan3A_12 = arith.constant 0 : i32
    %scan3A_13 = arith.constant 640 : i32
    %scan3A_14 = arith.addi %scan3A_12, %scan3A_13 : i32
    %scan3A_15 = arith.constant 1 : i32
    scf.for %scan3A_17 = %scan3A_12 to %scan3A_14 step %scan3A_15  : i32 {
      %mul3A_18 = arith.constant 16 : i32
      %mul3A_19 = arith.muli %scan3A_17, %mul3A_18 : i32
      %get3A = arith.index_cast %mul3A_19 : i32 to index
      %get3A_20 = tpu.vector_load %arg4[%get3A] {strides = array<i32>} : memref<10240xi32, #tpu.memory_space<vmem>>, vector<16xi32>,
      tpu.vector_store_idx %arg5[%get3A_20], %broadcast_in_dim3A_10 {add = true} : memref<10240xf32, #tpu.memory_space<vmem>>[vector<16xi32>], vector<16xf32>,
    }
    %scan3A_16 = arith.constant 640 : i32
    "tpu.region"() ({
      %run_scoped3A = tpu.sem_alloc : memref<!tpu.dma_semaphore, #tpu.memory_space<semaphore_mem>>
      %dma_start3A = arith.constant 0 : i32
      %dma_start3A_17 = tpu.memref_slice %arg3[%add3A, %dma_start3A] : memref<32x10240xf32, #tpu.memory_space<hbm>> -> memref<1x10240xf32, #tpu.memory_space<hbm>>
      %dma_start3A_18 = tpu.memref_squeeze %dma_start3A_17 : memref<1x10240xf32, #tpu.memory_space<hbm>> -> memref<10240xf32, #tpu.memory_space<hbm>>
      %dma_start3A_19 = arith.constant 0 : i32
      %dma_start3A_20 = tpu.memref_slice %arg3[%add3A, %dma_start3A_19] : memref<32x10240xf32, #tpu.memory_space<hbm>> -> memref<1x10240xf32, #tpu.memory_space<hbm>>
      %dma_start3A_21 = tpu.memref_squeeze %dma_start3A_20 : memref<1x10240xf32, #tpu.memory_space<hbm>> -> memref<10240xf32, #tpu.memory_space<hbm>>
      tpu.enqueue_dma source(%arg5 : memref<10240xf32, #tpu.memory_space<vmem>>) target(%dma_start3A_21 : memref<10240xf32, #tpu.memory_space<hbm>>) target_semaphore(%run_scoped3A : memref<!tpu.dma_semaphore, #tpu.memory_space<semaphore_mem>>)
      %dma_wait3A = arith.constant 0 : i32
      %dma_wait3A_22 = tpu.memref_slice %arg3[%add3A, %dma_wait3A] : memref<32x10240xf32, #tpu.memory_space<hbm>> -> memref<1x10240xf32, #tpu.memory_space<hbm>>
      %dma_wait3A_23 = tpu.memref_squeeze %dma_wait3A_22 : memref<1x10240xf32, #tpu.memory_space<hbm>> -> memref<10240xf32, #tpu.memory_space<hbm>>
      %dma_wait3A_24 = arith.constant 0 : i32
      %dma_wait3A_25 = tpu.memref_slice %arg3[%add3A, %dma_wait3A_24] : memref<32x10240xf32, #tpu.memory_space<hbm>> -> memref<1x10240xf32, #tpu.memory_space<hbm>>
      %dma_wait3A_26 = tpu.memref_squeeze %dma_wait3A_25 : memref<1x10240xf32, #tpu.memory_space<hbm>> -> memref<10240xf32, #tpu.memory_space<hbm>>
      tpu.wait_dma2 semaphore(%run_scoped3A : memref<!tpu.dma_semaphore, #tpu.memory_space<semaphore_mem>>) src(%arg5 : memref<10240xf32, #tpu.memory_space<vmem>>) dst(%dma_wait3A_26 : memref<10240xf32, #tpu.memory_space<hbm>>)
      tpu.yield
    }) : () -> ()
    return
  }
}

#map = affine_map<(d0, d1) -> (0, 0)>
#map1 = affine_map<(d0, d1) -> (0, 0, 0)>
module attributes {stable_mosaic.version = 14 : i64} {
  func.func @prop_kernel(%arg0: i32, %arg1: i32, %arg2: memref<163840x128xf32, #tpu.memory_space<hbm>>, %arg3: memref<2560x1x128xi32, #tpu.memory_space<hbm>>, %arg4: memref<2560x1x128xi32, #tpu.memory_space<hbm>>, %arg5: memref<640x128xf32, #tpu.memory_space<hbm>>, %arg6: memref<163840x128xf32, #tpu.memory_space<hbm>>, %arg7: memref<40x1x128xi32, #tpu.memory_space<vmem>>, %arg8: memref<40x1x128xi32, #tpu.memory_space<vmem>>, %arg9: memref<128xi32, #tpu.memory_space<vmem>>, %arg10: memref<128xi32, #tpu.memory_space<vmem>>, %arg11: memref<128xi32, #tpu.memory_space<vmem>>, %arg12: memref<128x128xf32, #tpu.memory_space<vmem>>, %arg13: memref<128x128xf32, #tpu.memory_space<vmem>>, %arg14: memref<10240x128xf32, #tpu.memory_space<vmem_shared>>, %arg15: memref<!tpu.dma_semaphore, #tpu.memory_space<semaphore_mem>>, %arg16: memref<!tpu.dma_semaphore, #tpu.memory_space<semaphore_mem>>) attributes {dimension_semantics = [#tpu.dimension_semantics<core_parallel>, #tpu.dimension_semantics<subcore_parallel>], iteration_bounds = array<i64: 2, 16>, scalar_prefetch = 0 : i64, scratch_operands = 10 : i64, tpu.core_type = #tpu.core_type<sc_vector_subcore>, window_params = [{transform_indices = #map}, {transform_indices = #map1}, {transform_indices = #map1}, {transform_indices = #map}, {transform_indices = #map}]} {
    %scan3A = arith.constant 0 : i32
    %scan3A_0 = arith.constant 0 : i32
    %scan3A_1 = arith.constant 8 : i32
    %scan3A_2 = arith.addi %scan3A_0, %scan3A_1 : i32
    %scan3A_3 = arith.constant 1 : i32
    scf.for %scan3A_5 = %scan3A_0 to %scan3A_2 step %scan3A_3  : i32 {
      %mul3A = arith.constant 2 : i32
      %mul3A_6 = arith.muli %mul3A, %scan3A_5 : i32
      %add3A = arith.addi %mul3A_6, %arg0 : i32
      %mul3A_7 = arith.constant 160 : i32
      %mul3A_8 = arith.muli %arg1, %mul3A_7 : i32
      %mul3A_9 = arith.constant 10240 : i32
      %mul3A_10 = arith.muli %add3A, %mul3A_9 : i32
      %mul3A_11 = arith.constant 640 : i32
      %mul3A_12 = arith.muli %arg1, %mul3A_11 : i32
      "tpu.region"() ({
        %run_scoped3A = tpu.sem_alloc : memref<!tpu.dma_semaphore, #tpu.memory_space<semaphore_mem>>
        %dma_start3A = arith.constant 0 : i32
        %dma_start3A_26 = tpu.memref_slice %arg14[%mul3A_12, %dma_start3A] : memref<10240x128xf32, #tpu.memory_space<vmem_shared>> -> memref<640x128xf32, #tpu.memory_space<vmem_shared>>
        tpu.enqueue_dma source(%arg5 : memref<640x128xf32, #tpu.memory_space<hbm>>) target(%dma_start3A_26 : memref<640x128xf32, #tpu.memory_space<vmem_shared>>) target_semaphore(%run_scoped3A : memref<!tpu.dma_semaphore, #tpu.memory_space<semaphore_mem>>)
        %dma_wait3A = arith.constant 0 : i32
        %dma_wait3A_27 = tpu.memref_slice %arg14[%mul3A_12, %dma_wait3A] : memref<10240x128xf32, #tpu.memory_space<vmem_shared>> -> memref<640x128xf32, #tpu.memory_space<vmem_shared>>
        tpu.wait_dma2 semaphore(%run_scoped3A : memref<!tpu.dma_semaphore, #tpu.memory_space<semaphore_mem>>) src(%arg5 : memref<640x128xf32, #tpu.memory_space<hbm>>) dst(%dma_wait3A_27 : memref<640x128xf32, #tpu.memory_space<vmem_shared>>)
        tpu.yield
      }) : () -> ()
      %barrier3A = arith.constant 0 : index
      tpu.barrier barrier_id(%barrier3A)
      %scan3A_13 = arith.constant 0 : i32
      %scan3A_14 = arith.constant 0 : i32
      %scan3A_15 = arith.constant 4 : i32
      %scan3A_16 = arith.addi %scan3A_14, %scan3A_15 : i32
      %scan3A_17 = arith.constant 1 : i32
      scf.for %scan3A_26 = %scan3A_14 to %scan3A_16 step %scan3A_17  : i32 {
        %mul3A_27 = arith.constant 40 : i32
        %mul3A_28 = arith.muli %scan3A_26, %mul3A_27 : i32
        %add3A_29 = arith.addi %mul3A_8, %mul3A_28 : i32
        "tpu.region"() ({
          %run_scoped3A = tpu.sem_alloc : memref<!tpu.dma_semaphore, #tpu.memory_space<semaphore_mem>>
          %dma_start3A_132 = arith.constant 0 : i32
          %dma_start3A_133 = arith.constant 0 : i32
          %dma_start3A_134 = tpu.memref_slice %arg3[%add3A_29, %dma_start3A_132, %dma_start3A_133] : memref<2560x1x128xi32, #tpu.memory_space<hbm>> -> memref<40x1x128xi32, #tpu.memory_space<hbm>>
          %dma_start3A_135 = arith.constant 0 : i32
          %dma_start3A_136 = arith.constant 0 : i32
          %dma_start3A_137 = tpu.memref_slice %arg3[%add3A_29, %dma_start3A_135, %dma_start3A_136] : memref<2560x1x128xi32, #tpu.memory_space<hbm>> -> memref<40x1x128xi32, #tpu.memory_space<hbm>>
          tpu.enqueue_dma source(%dma_start3A_137 : memref<40x1x128xi32, #tpu.memory_space<hbm>>) target(%arg7 : memref<40x1x128xi32, #tpu.memory_space<vmem>>) target_semaphore(%run_scoped3A : memref<!tpu.dma_semaphore, #tpu.memory_space<semaphore_mem>>)
          %dma_wait3A = arith.constant 0 : i32
          %dma_wait3A_138 = arith.constant 0 : i32
          %dma_wait3A_139 = tpu.memref_slice %arg3[%add3A_29, %dma_wait3A, %dma_wait3A_138] : memref<2560x1x128xi32, #tpu.memory_space<hbm>> -> memref<40x1x128xi32, #tpu.memory_space<hbm>>
          %dma_wait3A_140 = arith.constant 0 : i32
          %dma_wait3A_141 = arith.constant 0 : i32
          %dma_wait3A_142 = tpu.memref_slice %arg3[%add3A_29, %dma_wait3A_140, %dma_wait3A_141] : memref<2560x1x128xi32, #tpu.memory_space<hbm>> -> memref<40x1x128xi32, #tpu.memory_space<hbm>>
          tpu.wait_dma2 semaphore(%run_scoped3A : memref<!tpu.dma_semaphore, #tpu.memory_space<semaphore_mem>>) src(%dma_wait3A_142 : memref<40x1x128xi32, #tpu.memory_space<hbm>>) dst(%arg7 : memref<40x1x128xi32, #tpu.memory_space<vmem>>)
          tpu.yield
        }) : () -> ()
        "tpu.region"() ({
          %run_scoped3A = tpu.sem_alloc : memref<!tpu.dma_semaphore, #tpu.memory_space<semaphore_mem>>
          %dma_start3A_132 = arith.constant 0 : i32
          %dma_start3A_133 = arith.constant 0 : i32
          %dma_start3A_134 = tpu.memref_slice %arg4[%add3A_29, %dma_start3A_132, %dma_start3A_133] : memref<2560x1x128xi32, #tpu.memory_space<hbm>> -> memref<40x1x128xi32, #tpu.memory_space<hbm>>
          %dma_start3A_135 = arith.constant 0 : i32
          %dma_start3A_136 = arith.constant 0 : i32
          %dma_start3A_137 = tpu.memref_slice %arg4[%add3A_29, %dma_start3A_135, %dma_start3A_136] : memref<2560x1x128xi32, #tpu.memory_space<hbm>> -> memref<40x1x128xi32, #tpu.memory_space<hbm>>
          tpu.enqueue_dma source(%dma_start3A_137 : memref<40x1x128xi32, #tpu.memory_space<hbm>>) target(%arg8 : memref<40x1x128xi32, #tpu.memory_space<vmem>>) target_semaphore(%run_scoped3A : memref<!tpu.dma_semaphore, #tpu.memory_space<semaphore_mem>>)
          %dma_wait3A = arith.constant 0 : i32
          %dma_wait3A_138 = arith.constant 0 : i32
          %dma_wait3A_139 = tpu.memref_slice %arg4[%add3A_29, %dma_wait3A, %dma_wait3A_138] : memref<2560x1x128xi32, #tpu.memory_space<hbm>> -> memref<40x1x128xi32, #tpu.memory_space<hbm>>
          %dma_wait3A_140 = arith.constant 0 : i32
          %dma_wait3A_141 = arith.constant 0 : i32
          %dma_wait3A_142 = tpu.memref_slice %arg4[%add3A_29, %dma_wait3A_140, %dma_wait3A_141] : memref<2560x1x128xi32, #tpu.memory_space<hbm>> -> memref<40x1x128xi32, #tpu.memory_space<hbm>>
          tpu.wait_dma2 semaphore(%run_scoped3A : memref<!tpu.dma_semaphore, #tpu.memory_space<semaphore_mem>>) src(%dma_wait3A_142 : memref<40x1x128xi32, #tpu.memory_space<hbm>>) dst(%arg8 : memref<40x1x128xi32, #tpu.memory_space<vmem>>)
          tpu.yield
        }) : () -> ()
        %get3A = arith.constant 0 : i32
        %get3A_30 = arith.constant 0 : i32
        %get3A_31 = arith.index_cast %get3A : i32 to index
        %get3A_32 = arith.index_cast %get3A_30 : i32 to index
        %get3A_33 = arith.constant 0 : index
        %get3A_34 = tpu.vector_load %arg7[%get3A_31, %get3A_32, %get3A_33] {strides = array<i32>} : memref<40x1x128xi32, #tpu.memory_space<vmem>>, vector<16xi32>,
        %mul3A_35 = arith.constant 10240 : i32
        %mul3A_36 = arith.muli %add3A, %mul3A_35 : i32
        %add3A_37 = vector.broadcast %mul3A_36 : i32 to vector<16xi32>
        %add3A_38 = arith.addi %get3A_34, %add3A_37 : vector<16xi32>
        %swap3A = arith.constant 0 : index
        %swap3A_39 = tpu.vector_load %arg9[%swap3A] {strides = array<i32>} : memref<128xi32, #tpu.memory_space<vmem>>, vector<16xi32>,
        tpu.vector_store %arg9[%swap3A], %add3A_38 {strides = array<i32>} : memref<128xi32, #tpu.memory_space<vmem>>, vector<16xi32>,
        %get3A_40 = arith.constant 0 : i32
        %get3A_41 = arith.constant 0 : i32
        %get3A_42 = arith.index_cast %get3A_40 : i32 to index
        %get3A_43 = arith.index_cast %get3A_41 : i32 to index
        %get3A_44 = arith.constant 16 : index
        %get3A_45 = tpu.vector_load %arg7[%get3A_42, %get3A_43, %get3A_44] {strides = array<i32>} : memref<40x1x128xi32, #tpu.memory_space<vmem>>, vector<16xi32>,
        %mul3A_46 = arith.constant 10240 : i32
        %mul3A_47 = arith.muli %add3A, %mul3A_46 : i32
        %add3A_48 = vector.broadcast %mul3A_47 : i32 to vector<16xi32>
        %add3A_49 = arith.addi %get3A_45, %add3A_48 : vector<16xi32>
        %swap3A_50 = arith.constant 16 : index
        %swap3A_51 = tpu.vector_load %arg9[%swap3A_50] {strides = array<i32>} : memref<128xi32, #tpu.memory_space<vmem>>, vector<16xi32>,
        tpu.vector_store %arg9[%swap3A_50], %add3A_49 {strides = array<i32>} : memref<128xi32, #tpu.memory_space<vmem>>, vector<16xi32>,
        %get3A_52 = arith.constant 0 : i32
        %get3A_53 = arith.constant 0 : i32
        %get3A_54 = arith.index_cast %get3A_52 : i32 to index
        %get3A_55 = arith.index_cast %get3A_53 : i32 to index
        %get3A_56 = arith.constant 32 : index
        %get3A_57 = tpu.vector_load %arg7[%get3A_54, %get3A_55, %get3A_56] {strides = array<i32>} : memref<40x1x128xi32, #tpu.memory_space<vmem>>, vector<16xi32>,
        %mul3A_58 = arith.constant 10240 : i32
        %mul3A_59 = arith.muli %add3A, %mul3A_58 : i32
        %add3A_60 = vector.broadcast %mul3A_59 : i32 to vector<16xi32>
        %add3A_61 = arith.addi %get3A_57, %add3A_60 : vector<16xi32>
        %swap3A_62 = arith.constant 32 : index
        %swap3A_63 = tpu.vector_load %arg9[%swap3A_62] {strides = array<i32>} : memref<128xi32, #tpu.memory_space<vmem>>, vector<16xi32>,
        tpu.vector_store %arg9[%swap3A_62], %add3A_61 {strides = array<i32>} : memref<128xi32, #tpu.memory_space<vmem>>, vector<16xi32>,
        %get3A_64 = arith.constant 0 : i32
        %get3A_65 = arith.constant 0 : i32
        %get3A_66 = arith.index_cast %get3A_64 : i32 to index
        %get3A_67 = arith.index_cast %get3A_65 : i32 to index
        %get3A_68 = arith.constant 48 : index
        %get3A_69 = tpu.vector_load %arg7[%get3A_66, %get3A_67, %get3A_68] {strides = array<i32>} : memref<40x1x128xi32, #tpu.memory_space<vmem>>, vector<16xi32>,
        %mul3A_70 = arith.constant 10240 : i32
        %mul3A_71 = arith.muli %add3A, %mul3A_70 : i32
        %add3A_72 = vector.broadcast %mul3A_71 : i32 to vector<16xi32>
        %add3A_73 = arith.addi %get3A_69, %add3A_72 : vector<16xi32>
        %swap3A_74 = arith.constant 48 : index
        %swap3A_75 = tpu.vector_load %arg9[%swap3A_74] {strides = array<i32>} : memref<128xi32, #tpu.memory_space<vmem>>, vector<16xi32>,
        tpu.vector_store %arg9[%swap3A_74], %add3A_73 {strides = array<i32>} : memref<128xi32, #tpu.memory_space<vmem>>, vector<16xi32>,
        %get3A_76 = arith.constant 0 : i32
        %get3A_77 = arith.constant 0 : i32
        %get3A_78 = arith.index_cast %get3A_76 : i32 to index
        %get3A_79 = arith.index_cast %get3A_77 : i32 to index
        %get3A_80 = arith.constant 64 : index
        %get3A_81 = tpu.vector_load %arg7[%get3A_78, %get3A_79, %get3A_80] {strides = array<i32>} : memref<40x1x128xi32, #tpu.memory_space<vmem>>, vector<16xi32>,
        %mul3A_82 = arith.constant 10240 : i32
        %mul3A_83 = arith.muli %add3A, %mul3A_82 : i32
        %add3A_84 = vector.broadcast %mul3A_83 : i32 to vector<16xi32>
        %add3A_85 = arith.addi %get3A_81, %add3A_84 : vector<16xi32>
        %swap3A_86 = arith.constant 64 : index
        %swap3A_87 = tpu.vector_load %arg9[%swap3A_86] {strides = array<i32>} : memref<128xi32, #tpu.memory_space<vmem>>, vector<16xi32>,
        tpu.vector_store %arg9[%swap3A_86], %add3A_85 {strides = array<i32>} : memref<128xi32, #tpu.memory_space<vmem>>, vector<16xi32>,
        %get3A_88 = arith.constant 0 : i32
        %get3A_89 = arith.constant 0 : i32
        %get3A_90 = arith.index_cast %get3A_88 : i32 to index
        %get3A_91 = arith.index_cast %get3A_89 : i32 to index
        %get3A_92 = arith.constant 80 : index
        %get3A_93 = tpu.vector_load %arg7[%get3A_90, %get3A_91, %get3A_92] {strides = array<i32>} : memref<40x1x128xi32, #tpu.memory_space<vmem>>, vector<16xi32>,
        %mul3A_94 = arith.constant 10240 : i32
        %mul3A_95 = arith.muli %add3A, %mul3A_94 : i32
        %add3A_96 = vector.broadcast %mul3A_95 : i32 to vector<16xi32>
        %add3A_97 = arith.addi %get3A_93, %add3A_96 : vector<16xi32>
        %swap3A_98 = arith.constant 80 : index
        %swap3A_99 = tpu.vector_load %arg9[%swap3A_98] {strides = array<i32>} : memref<128xi32, #tpu.memory_space<vmem>>, vector<16xi32>,
        tpu.vector_store %arg9[%swap3A_98], %add3A_97 {strides = array<i32>} : memref<128xi32, #tpu.memory_space<vmem>>, vector<16xi32>,
        %get3A_100 = arith.constant 0 : i32
        %get3A_101 = arith.constant 0 : i32
        %get3A_102 = arith.index_cast %get3A_100 : i32 to index
        %get3A_103 = arith.index_cast %get3A_101 : i32 to index
        %get3A_104 = arith.constant 96 : index
        %get3A_105 = tpu.vector_load %arg7[%get3A_102, %get3A_103, %get3A_104] {strides = array<i32>} : memref<40x1x128xi32, #tpu.memory_space<vmem>>, vector<16xi32>,
        %mul3A_106 = arith.constant 10240 : i32
        %mul3A_107 = arith.muli %add3A, %mul3A_106 : i32
        %add3A_108 = vector.broadcast %mul3A_107 : i32 to vector<16xi32>
        %add3A_109 = arith.addi %get3A_105, %add3A_108 : vector<16xi32>
        %swap3A_110 = arith.constant 96 : index
        %swap3A_111 = tpu.vector_load %arg9[%swap3A_110] {strides = array<i32>} : memref<128xi32, #tpu.memory_space<vmem>>, vector<16xi32>,
        tpu.vector_store %arg9[%swap3A_110], %add3A_109 {strides = array<i32>} : memref<128xi32, #tpu.memory_space<vmem>>, vector<16xi32>,
        %get3A_112 = arith.constant 0 : i32
        %get3A_113 = arith.constant 0 : i32
        %get3A_114 = arith.index_cast %get3A_112 : i32 to index
        %get3A_115 = arith.index_cast %get3A_113 : i32 to index
        %get3A_116 = arith.constant 112 : index
        %get3A_117 = tpu.vector_load %arg7[%get3A_114, %get3A_115, %get3A_116] {strides = array<i32>} : memref<40x1x128xi32, #tpu.memory_space<vmem>>, vector<16xi32>,
        %mul3A_118 = arith.constant 10240 : i32
        %mul3A_119 = arith.muli %add3A, %mul3A_118 : i32
        %add3A_120 = vector.broadcast %mul3A_119 : i32 to vector<16xi32>
        %add3A_121 = arith.addi %get3A_117, %add3A_120 : vector<16xi32>
        %swap3A_122 = arith.constant 112 : index
        %swap3A_123 = tpu.vector_load %arg9[%swap3A_122] {strides = array<i32>} : memref<128xi32, #tpu.memory_space<vmem>>, vector<16xi32>,
        tpu.vector_store %arg9[%swap3A_122], %add3A_121 {strides = array<i32>} : memref<128xi32, #tpu.memory_space<vmem>>, vector<16xi32>,
        %dma_start3A = arith.constant 0 : i32
        %dma_start3A_124 = arith.constant 0 : i32
        %dma_start3A_125 = tpu.memref_slice %arg2[%dma_start3A, %dma_start3A_124] : memref<163840x128xf32, #tpu.memory_space<hbm>> -> memref<163840x128xf32, #tpu.memory_space<hbm>>
        tpu.enqueue_indirect_dma source(%dma_start3A_125 : memref<163840x128xf32, #tpu.memory_space<hbm>>) target(%arg12 : memref<128x128xf32, #tpu.memory_space<vmem>>) offsets(%arg9 : memref<128xi32, #tpu.memory_space<vmem>>) semaphore(%arg15 : memref<!tpu.dma_semaphore, #tpu.memory_space<semaphore_mem>>)
        %scan3A_126 = arith.constant 0 : i32
        %scan3A_127 = arith.constant 0 : i32
        %scan3A_128 = arith.constant 20 : i32
        %scan3A_129 = arith.addi %scan3A_127, %scan3A_128 : i32
        %scan3A_130 = arith.constant 1 : i32
        scf.for %scan3A_132 = %scan3A_127 to %scan3A_129 step %scan3A_130  : i32 {
          %mul3A_133 = arith.constant 2 : i32
          %mul3A_134 = arith.muli %mul3A_133, %scan3A_132 : i32
          %add3A_135 = arith.constant 2 : i32
          %add3A_136 = arith.addi %mul3A_134, %add3A_135 : i32
          %sub3A = arith.constant 1 : i32
          %sub3A_137 = arith.subi %add3A_136, %sub3A : i32
          %get3A_138 = arith.constant 0 : i32
          %get3A_139 = arith.index_cast %sub3A_137 : i32 to index
          %get3A_140 = arith.index_cast %get3A_138 : i32 to index
          %get3A_141 = arith.constant 0 : index
          %get3A_142 = tpu.vector_load %arg7[%get3A_139, %get3A_140, %get3A_141] {strides = array<i32>} : memref<40x1x128xi32, #tpu.memory_space<vmem>>, vector<16xi32>,
          %mul3A_143 = arith.constant 10240 : i32
          %mul3A_144 = arith.muli %add3A, %mul3A_143 : i32
          %add3A_145 = vector.broadcast %mul3A_144 : i32 to vector<16xi32>
          %add3A_146 = arith.addi %get3A_142, %add3A_145 : vector<16xi32>
          %swap3A_147 = arith.constant 0 : index
          %swap3A_148 = tpu.vector_load %arg10[%swap3A_147] {strides = array<i32>} : memref<128xi32, #tpu.memory_space<vmem>>, vector<16xi32>,
          tpu.vector_store %arg10[%swap3A_147], %add3A_146 {strides = array<i32>} : memref<128xi32, #tpu.memory_space<vmem>>, vector<16xi32>,
          %get3A_149 = arith.constant 0 : i32
          %get3A_150 = arith.index_cast %sub3A_137 : i32 to index
          %get3A_151 = arith.index_cast %get3A_149 : i32 to index
          %get3A_152 = arith.constant 16 : index
          %get3A_153 = tpu.vector_load %arg7[%get3A_150, %get3A_151, %get3A_152] {strides = array<i32>} : memref<40x1x128xi32, #tpu.memory_space<vmem>>, vector<16xi32>,
          %mul3A_154 = arith.constant 10240 : i32
          %mul3A_155 = arith.muli %add3A, %mul3A_154 : i32
          %add3A_156 = vector.broadcast %mul3A_155 : i32 to vector<16xi32>
          %add3A_157 = arith.addi %get3A_153, %add3A_156 : vector<16xi32>
          %swap3A_158 = arith.constant 16 : index
          %swap3A_159 = tpu.vector_load %arg10[%swap3A_158] {strides = array<i32>} : memref<128xi32, #tpu.memory_space<vmem>>, vector<16xi32>,
          tpu.vector_store %arg10[%swap3A_158], %add3A_157 {strides = array<i32>} : memref<128xi32, #tpu.memory_space<vmem>>, vector<16xi32>,
          %get3A_160 = arith.constant 0 : i32
          %get3A_161 = arith.index_cast %sub3A_137 : i32 to index
          %get3A_162 = arith.index_cast %get3A_160 : i32 to index
          %get3A_163 = arith.constant 32 : index
          %get3A_164 = tpu.vector_load %arg7[%get3A_161, %get3A_162, %get3A_163] {strides = array<i32>} : memref<40x1x128xi32, #tpu.memory_space<vmem>>, vector<16xi32>,
          %mul3A_165 = arith.constant 10240 : i32
          %mul3A_166 = arith.muli %add3A, %mul3A_165 : i32
          %add3A_167 = vector.broadcast %mul3A_166 : i32 to vector<16xi32>
          %add3A_168 = arith.addi %get3A_164, %add3A_167 : vector<16xi32>
          %swap3A_169 = arith.constant 32 : index
          %swap3A_170 = tpu.vector_load %arg10[%swap3A_169] {strides = array<i32>} : memref<128xi32, #tpu.memory_space<vmem>>, vector<16xi32>,
          tpu.vector_store %arg10[%swap3A_169], %add3A_168 {strides = array<i32>} : memref<128xi32, #tpu.memory_space<vmem>>, vector<16xi32>,
          %get3A_171 = arith.constant 0 : i32
          %get3A_172 = arith.index_cast %sub3A_137 : i32 to index
          %get3A_173 = arith.index_cast %get3A_171 : i32 to index
          %get3A_174 = arith.constant 48 : index
          %get3A_175 = tpu.vector_load %arg7[%get3A_172, %get3A_173, %get3A_174] {strides = array<i32>} : memref<40x1x128xi32, #tpu.memory_space<vmem>>, vector<16xi32>,
          %mul3A_176 = arith.constant 10240 : i32
          %mul3A_177 = arith.muli %add3A, %mul3A_176 : i32
          %add3A_178 = vector.broadcast %mul3A_177 : i32 to vector<16xi32>
          %add3A_179 = arith.addi %get3A_175, %add3A_178 : vector<16xi32>
          %swap3A_180 = arith.constant 48 : index
          %swap3A_181 = tpu.vector_load %arg10[%swap3A_180] {strides = array<i32>} : memref<128xi32, #tpu.memory_space<vmem>>, vector<16xi32>,
          tpu.vector_store %arg10[%swap3A_180], %add3A_179 {strides = array<i32>} : memref<128xi32, #tpu.memory_space<vmem>>, vector<16xi32>,
          %get3A_182 = arith.constant 0 : i32
          %get3A_183 = arith.index_cast %sub3A_137 : i32 to index
          %get3A_184 = arith.index_cast %get3A_182 : i32 to index
          %get3A_185 = arith.constant 64 : index
          %get3A_186 = tpu.vector_load %arg7[%get3A_183, %get3A_184, %get3A_185] {strides = array<i32>} : memref<40x1x128xi32, #tpu.memory_space<vmem>>, vector<16xi32>,
          %mul3A_187 = arith.constant 10240 : i32
          %mul3A_188 = arith.muli %add3A, %mul3A_187 : i32
          %add3A_189 = vector.broadcast %mul3A_188 : i32 to vector<16xi32>
          %add3A_190 = arith.addi %get3A_186, %add3A_189 : vector<16xi32>
          %swap3A_191 = arith.constant 64 : index
          %swap3A_192 = tpu.vector_load %arg10[%swap3A_191] {strides = array<i32>} : memref<128xi32, #tpu.memory_space<vmem>>, vector<16xi32>,
          tpu.vector_store %arg10[%swap3A_191], %add3A_190 {strides = array<i32>} : memref<128xi32, #tpu.memory_space<vmem>>, vector<16xi32>,
          %get3A_193 = arith.constant 0 : i32
          %get3A_194 = arith.index_cast %sub3A_137 : i32 to index
          %get3A_195 = arith.index_cast %get3A_193 : i32 to index
          %get3A_196 = arith.constant 80 : index
          %get3A_197 = tpu.vector_load %arg7[%get3A_194, %get3A_195, %get3A_196] {strides = array<i32>} : memref<40x1x128xi32, #tpu.memory_space<vmem>>, vector<16xi32>,
          %mul3A_198 = arith.constant 10240 : i32
          %mul3A_199 = arith.muli %add3A, %mul3A_198 : i32
          %add3A_200 = vector.broadcast %mul3A_199 : i32 to vector<16xi32>
          %add3A_201 = arith.addi %get3A_197, %add3A_200 : vector<16xi32>
          %swap3A_202 = arith.constant 80 : index
          %swap3A_203 = tpu.vector_load %arg10[%swap3A_202] {strides = array<i32>} : memref<128xi32, #tpu.memory_space<vmem>>, vector<16xi32>,
          tpu.vector_store %arg10[%swap3A_202], %add3A_201 {strides = array<i32>} : memref<128xi32, #tpu.memory_space<vmem>>, vector<16xi32>,
          %get3A_204 = arith.constant 0 : i32
          %get3A_205 = arith.index_cast %sub3A_137 : i32 to index
          %get3A_206 = arith.index_cast %get3A_204 : i32 to index
          %get3A_207 = arith.constant 96 : index
          %get3A_208 = tpu.vector_load %arg7[%get3A_205, %get3A_206, %get3A_207] {strides = array<i32>} : memref<40x1x128xi32, #tpu.memory_space<vmem>>, vector<16xi32>,
          %mul3A_209 = arith.constant 10240 : i32
          %mul3A_210 = arith.muli %add3A, %mul3A_209 : i32
          %add3A_211 = vector.broadcast %mul3A_210 : i32 to vector<16xi32>
          %add3A_212 = arith.addi %get3A_208, %add3A_211 : vector<16xi32>
          %swap3A_213 = arith.constant 96 : index
          %swap3A_214 = tpu.vector_load %arg10[%swap3A_213] {strides = array<i32>} : memref<128xi32, #tpu.memory_space<vmem>>, vector<16xi32>,
          tpu.vector_store %arg10[%swap3A_213], %add3A_212 {strides = array<i32>} : memref<128xi32, #tpu.memory_space<vmem>>, vector<16xi32>,
          %get3A_215 = arith.constant 0 : i32
          %get3A_216 = arith.index_cast %sub3A_137 : i32 to index
          %get3A_217 = arith.index_cast %get3A_215 : i32 to index
          %get3A_218 = arith.constant 112 : index
          %get3A_219 = tpu.vector_load %arg7[%get3A_216, %get3A_217, %get3A_218] {strides = array<i32>} : memref<40x1x128xi32, #tpu.memory_space<vmem>>, vector<16xi32>,
          %mul3A_220 = arith.constant 10240 : i32
          %mul3A_221 = arith.muli %add3A, %mul3A_220 : i32
          %add3A_222 = vector.broadcast %mul3A_221 : i32 to vector<16xi32>
          %add3A_223 = arith.addi %get3A_219, %add3A_222 : vector<16xi32>
          %swap3A_224 = arith.constant 112 : index
          %swap3A_225 = tpu.vector_load %arg10[%swap3A_224] {strides = array<i32>} : memref<128xi32, #tpu.memory_space<vmem>>, vector<16xi32>,
          tpu.vector_store %arg10[%swap3A_224], %add3A_223 {strides = array<i32>} : memref<128xi32, #tpu.memory_space<vmem>>, vector<16xi32>,
          %dma_start3A_226 = arith.constant 0 : i32
          %dma_start3A_227 = arith.constant 0 : i32
          %dma_start3A_228 = tpu.memref_slice %arg2[%dma_start3A_226, %dma_start3A_227] : memref<163840x128xf32, #tpu.memory_space<hbm>> -> memref<163840x128xf32, #tpu.memory_space<hbm>>
          tpu.enqueue_indirect_dma source(%dma_start3A_228 : memref<163840x128xf32, #tpu.memory_space<hbm>>) target(%arg13 : memref<128x128xf32, #tpu.memory_space<vmem>>) offsets(%arg10 : memref<128xi32, #tpu.memory_space<vmem>>) semaphore(%arg16 : memref<!tpu.dma_semaphore, #tpu.memory_space<semaphore_mem>>)
          %add3A_229 = arith.constant 0 : i32
          %add3A_230 = arith.addi %mul3A_134, %add3A_229 : i32
          %get3A_231 = arith.constant 0 : i32
          %get3A_232 = arith.index_cast %add3A_230 : i32 to index
          %get3A_233 = arith.index_cast %get3A_231 : i32 to index
          %get3A_234 = arith.constant 0 : index
          %get3A_235 = tpu.vector_load %arg8[%get3A_232, %get3A_233, %get3A_234] {strides = array<i32>} : memref<40x1x128xi32, #tpu.memory_space<vmem>>, vector<16xi32>,
          %swap3A_236 = arith.constant 0 : index
          %swap3A_237 = tpu.vector_load %arg11[%swap3A_236] {strides = array<i32>} : memref<128xi32, #tpu.memory_space<vmem>>, vector<16xi32>,
          tpu.vector_store %arg11[%swap3A_236], %get3A_235 {strides = array<i32>} : memref<128xi32, #tpu.memory_space<vmem>>, vector<16xi32>,
          %get3A_238 = arith.constant 0 : i32
          %get3A_239 = arith.index_cast %add3A_230 : i32 to index
          %get3A_240 = arith.index_cast %get3A_238 : i32 to index
          %get3A_241 = arith.constant 16 : index
          %get3A_242 = tpu.vector_load %arg8[%get3A_239, %get3A_240, %get3A_241] {strides = array<i32>} : memref<40x1x128xi32, #tpu.memory_space<vmem>>, vector<16xi32>,
          %swap3A_243 = arith.constant 16 : index
          %swap3A_244 = tpu.vector_load %arg11[%swap3A_243] {strides = array<i32>} : memref<128xi32, #tpu.memory_space<vmem>>, vector<16xi32>,
          tpu.vector_store %arg11[%swap3A_243], %get3A_242 {strides = array<i32>} : memref<128xi32, #tpu.memory_space<vmem>>, vector<16xi32>,
          %get3A_245 = arith.constant 0 : i32
          %get3A_246 = arith.index_cast %add3A_230 : i32 to index
          %get3A_247 = arith.index_cast %get3A_245 : i32 to index
          %get3A_248 = arith.constant 32 : index
          %get3A_249 = tpu.vector_load %arg8[%get3A_246, %get3A_247, %get3A_248] {strides = array<i32>} : memref<40x1x128xi32, #tpu.memory_space<vmem>>, vector<16xi32>,
          %swap3A_250 = arith.constant 32 : index
          %swap3A_251 = tpu.vector_load %arg11[%swap3A_250] {strides = array<i32>} : memref<128xi32, #tpu.memory_space<vmem>>, vector<16xi32>,
          tpu.vector_store %arg11[%swap3A_250], %get3A_249 {strides = array<i32>} : memref<128xi32, #tpu.memory_space<vmem>>, vector<16xi32>,
          %get3A_252 = arith.constant 0 : i32
          %get3A_253 = arith.index_cast %add3A_230 : i32 to index
          %get3A_254 = arith.index_cast %get3A_252 : i32 to index
          %get3A_255 = arith.constant 48 : index
          %get3A_256 = tpu.vector_load %arg8[%get3A_253, %get3A_254, %get3A_255] {strides = array<i32>} : memref<40x1x128xi32, #tpu.memory_space<vmem>>, vector<16xi32>,
          %swap3A_257 = arith.constant 48 : index
          %swap3A_258 = tpu.vector_load %arg11[%swap3A_257] {strides = array<i32>} : memref<128xi32, #tpu.memory_space<vmem>>, vector<16xi32>,
          tpu.vector_store %arg11[%swap3A_257], %get3A_256 {strides = array<i32>} : memref<128xi32, #tpu.memory_space<vmem>>, vector<16xi32>,
          %get3A_259 = arith.constant 0 : i32
          %get3A_260 = arith.index_cast %add3A_230 : i32 to index
          %get3A_261 = arith.index_cast %get3A_259 : i32 to index
          %get3A_262 = arith.constant 64 : index
          %get3A_263 = tpu.vector_load %arg8[%get3A_260, %get3A_261, %get3A_262] {strides = array<i32>} : memref<40x1x128xi32, #tpu.memory_space<vmem>>, vector<16xi32>,
          %swap3A_264 = arith.constant 64 : index
          %swap3A_265 = tpu.vector_load %arg11[%swap3A_264] {strides = array<i32>} : memref<128xi32, #tpu.memory_space<vmem>>, vector<16xi32>,
          tpu.vector_store %arg11[%swap3A_264], %get3A_263 {strides = array<i32>} : memref<128xi32, #tpu.memory_space<vmem>>, vector<16xi32>,
          %get3A_266 = arith.constant 0 : i32
          %get3A_267 = arith.index_cast %add3A_230 : i32 to index
          %get3A_268 = arith.index_cast %get3A_266 : i32 to index
          %get3A_269 = arith.constant 80 : index
          %get3A_270 = tpu.vector_load %arg8[%get3A_267, %get3A_268, %get3A_269] {strides = array<i32>} : memref<40x1x128xi32, #tpu.memory_space<vmem>>, vector<16xi32>,
          %swap3A_271 = arith.constant 80 : index
          %swap3A_272 = tpu.vector_load %arg11[%swap3A_271] {strides = array<i32>} : memref<128xi32, #tpu.memory_space<vmem>>, vector<16xi32>,
          tpu.vector_store %arg11[%swap3A_271], %get3A_270 {strides = array<i32>} : memref<128xi32, #tpu.memory_space<vmem>>, vector<16xi32>,
          %get3A_273 = arith.constant 0 : i32
          %get3A_274 = arith.index_cast %add3A_230 : i32 to index
          %get3A_275 = arith.index_cast %get3A_273 : i32 to index
          %get3A_276 = arith.constant 96 : index
          %get3A_277 = tpu.vector_load %arg8[%get3A_274, %get3A_275, %get3A_276] {strides = array<i32>} : memref<40x1x128xi32, #tpu.memory_space<vmem>>, vector<16xi32>,
          %swap3A_278 = arith.constant 96 : index
          %swap3A_279 = tpu.vector_load %arg11[%swap3A_278] {strides = array<i32>} : memref<128xi32, #tpu.memory_space<vmem>>, vector<16xi32>,
          tpu.vector_store %arg11[%swap3A_278], %get3A_277 {strides = array<i32>} : memref<128xi32, #tpu.memory_space<vmem>>, vector<16xi32>,
          %get3A_280 = arith.constant 0 : i32
          %get3A_281 = arith.index_cast %add3A_230 : i32 to index
          %get3A_282 = arith.index_cast %get3A_280 : i32 to index
          %get3A_283 = arith.constant 112 : index
          %get3A_284 = tpu.vector_load %arg8[%get3A_281, %get3A_282, %get3A_283] {strides = array<i32>} : memref<40x1x128xi32, #tpu.memory_space<vmem>>, vector<16xi32>,
          %swap3A_285 = arith.constant 112 : index
          %swap3A_286 = tpu.vector_load %arg11[%swap3A_285] {strides = array<i32>} : memref<128xi32, #tpu.memory_space<vmem>>, vector<16xi32>,
          tpu.vector_store %arg11[%swap3A_285], %get3A_284 {strides = array<i32>} : memref<128xi32, #tpu.memory_space<vmem>>, vector<16xi32>,
          %dma_wait3A = arith.constant 0 : i32
          %dma_wait3A_287 = arith.constant 0 : i32
          %dma_wait3A_288 = tpu.memref_slice %arg2[%dma_wait3A, %dma_wait3A_287] : memref<163840x128xf32, #tpu.memory_space<hbm>> -> memref<163840x128xf32, #tpu.memory_space<hbm>>
          tpu.wait_indirect_dma semaphore(%arg15 : memref<!tpu.dma_semaphore, #tpu.memory_space<semaphore_mem>>) src(%dma_wait3A_288 : memref<163840x128xf32, #tpu.memory_space<hbm>>) dst(%arg12 : memref<128x128xf32, #tpu.memory_space<vmem>>)
          "tpu.region"() ({
            %run_scoped3A = tpu.sem_alloc : memref<!tpu.dma_semaphore, #tpu.memory_space<semaphore_mem>>
            %dma_start3A_356 = arith.constant 0 : i32
            %dma_start3A_357 = arith.constant 0 : i32
            %dma_start3A_358 = tpu.memref_slice %arg14[%dma_start3A_356, %dma_start3A_357] : memref<10240x128xf32, #tpu.memory_space<vmem_shared>> -> memref<10240x128xf32, #tpu.memory_space<vmem_shared>>
            tpu.enqueue_indirect_dma source(%arg12 : memref<128x128xf32, #tpu.memory_space<vmem>>) target(%dma_start3A_358 : memref<10240x128xf32, #tpu.memory_space<vmem_shared>>) offsets(%arg11 : memref<128xi32, #tpu.memory_space<vmem>>) semaphore(%run_scoped3A : memref<!tpu.dma_semaphore, #tpu.memory_space<semaphore_mem>>) {add = true}
            %dma_wait3A_359 = arith.constant 0 : i32
            %dma_wait3A_360 = arith.constant 0 : i32
            %dma_wait3A_361 = tpu.memref_slice %arg14[%dma_wait3A_359, %dma_wait3A_360] : memref<10240x128xf32, #tpu.memory_space<vmem_shared>> -> memref<10240x128xf32, #tpu.memory_space<vmem_shared>>
            tpu.wait_indirect_dma semaphore(%run_scoped3A : memref<!tpu.dma_semaphore, #tpu.memory_space<semaphore_mem>>) src(%arg12 : memref<128x128xf32, #tpu.memory_space<vmem>>) dst(%dma_wait3A_361 : memref<10240x128xf32, #tpu.memory_space<vmem_shared>>)
            tpu.yield
          }) : () -> ()
          %add3A_289 = arith.constant 2 : i32
          %add3A_290 = arith.addi %mul3A_134, %add3A_289 : i32
          %add3A_291 = arith.constant 0 : i32
          %add3A_292 = arith.addi %add3A_290, %add3A_291 : i32
          %lt3A = arith.constant 40 : i32
          %lt3A_293 = arith.cmpi slt, %add3A_292, %lt3A : i32
          %convert_element_type3A = arith.extui %lt3A_293 : i1 to i32
          %cond3A = arith.constant 0 : i32
          %cond3A_294 = arith.cmpi ne, %convert_element_type3A, %cond3A : i32
          scf.if %cond3A_294 {
            %add3A_356 = arith.constant 2 : i32
            %add3A_357 = arith.addi %mul3A_134, %add3A_356 : i32
            %add3A_358 = arith.constant 0 : i32
            %add3A_359 = arith.addi %add3A_357, %add3A_358 : i32
            %get3A_360 = arith.constant 0 : i32
            %get3A_361 = arith.index_cast %add3A_359 : i32 to index
            %get3A_362 = arith.index_cast %get3A_360 : i32 to index
            %get3A_363 = arith.constant 0 : index
            %get3A_364 = tpu.vector_load %arg7[%get3A_361, %get3A_362, %get3A_363] {strides = array<i32>} : memref<40x1x128xi32, #tpu.memory_space<vmem>>, vector<16xi32>,
            %mul3A_365 = arith.constant 10240 : i32
            %mul3A_366 = arith.muli %add3A, %mul3A_365 : i32
            %add3A_367 = vector.broadcast %mul3A_366 : i32 to vector<16xi32>
            %add3A_368 = arith.addi %get3A_364, %add3A_367 : vector<16xi32>
            %swap3A_369 = arith.constant 0 : index
            %swap3A_370 = tpu.vector_load %arg9[%swap3A_369] {strides = array<i32>} : memref<128xi32, #tpu.memory_space<vmem>>, vector<16xi32>,
            tpu.vector_store %arg9[%swap3A_369], %add3A_368 {strides = array<i32>} : memref<128xi32, #tpu.memory_space<vmem>>, vector<16xi32>,
            %get3A_371 = arith.constant 0 : i32
            %get3A_372 = arith.index_cast %add3A_359 : i32 to index
            %get3A_373 = arith.index_cast %get3A_371 : i32 to index
            %get3A_374 = arith.constant 16 : index
            %get3A_375 = tpu.vector_load %arg7[%get3A_372, %get3A_373, %get3A_374] {strides = array<i32>} : memref<40x1x128xi32, #tpu.memory_space<vmem>>, vector<16xi32>,
            %mul3A_376 = arith.constant 10240 : i32
            %mul3A_377 = arith.muli %add3A, %mul3A_376 : i32
            %add3A_378 = vector.broadcast %mul3A_377 : i32 to vector<16xi32>
            %add3A_379 = arith.addi %get3A_375, %add3A_378 : vector<16xi32>
            %swap3A_380 = arith.constant 16 : index
            %swap3A_381 = tpu.vector_load %arg9[%swap3A_380] {strides = array<i32>} : memref<128xi32, #tpu.memory_space<vmem>>, vector<16xi32>,
            tpu.vector_store %arg9[%swap3A_380], %add3A_379 {strides = array<i32>} : memref<128xi32, #tpu.memory_space<vmem>>, vector<16xi32>,
            %get3A_382 = arith.constant 0 : i32
            %get3A_383 = arith.index_cast %add3A_359 : i32 to index
            %get3A_384 = arith.index_cast %get3A_382 : i32 to index
            %get3A_385 = arith.constant 32 : index
            %get3A_386 = tpu.vector_load %arg7[%get3A_383, %get3A_384, %get3A_385] {strides = array<i32>} : memref<40x1x128xi32, #tpu.memory_space<vmem>>, vector<16xi32>,
            %mul3A_387 = arith.constant 10240 : i32
            %mul3A_388 = arith.muli %add3A, %mul3A_387 : i32
            %add3A_389 = vector.broadcast %mul3A_388 : i32 to vector<16xi32>
            %add3A_390 = arith.addi %get3A_386, %add3A_389 : vector<16xi32>
            %swap3A_391 = arith.constant 32 : index
            %swap3A_392 = tpu.vector_load %arg9[%swap3A_391] {strides = array<i32>} : memref<128xi32, #tpu.memory_space<vmem>>, vector<16xi32>,
            tpu.vector_store %arg9[%swap3A_391], %add3A_390 {strides = array<i32>} : memref<128xi32, #tpu.memory_space<vmem>>, vector<16xi32>,
            %get3A_393 = arith.constant 0 : i32
            %get3A_394 = arith.index_cast %add3A_359 : i32 to index
            %get3A_395 = arith.index_cast %get3A_393 : i32 to index
            %get3A_396 = arith.constant 48 : index
            %get3A_397 = tpu.vector_load %arg7[%get3A_394, %get3A_395, %get3A_396] {strides = array<i32>} : memref<40x1x128xi32, #tpu.memory_space<vmem>>, vector<16xi32>,
            %mul3A_398 = arith.constant 10240 : i32
            %mul3A_399 = arith.muli %add3A, %mul3A_398 : i32
            %add3A_400 = vector.broadcast %mul3A_399 : i32 to vector<16xi32>
            %add3A_401 = arith.addi %get3A_397, %add3A_400 : vector<16xi32>
            %swap3A_402 = arith.constant 48 : index
            %swap3A_403 = tpu.vector_load %arg9[%swap3A_402] {strides = array<i32>} : memref<128xi32, #tpu.memory_space<vmem>>, vector<16xi32>,
            tpu.vector_store %arg9[%swap3A_402], %add3A_401 {strides = array<i32>} : memref<128xi32, #tpu.memory_space<vmem>>, vector<16xi32>,
            %get3A_404 = arith.constant 0 : i32
            %get3A_405 = arith.index_cast %add3A_359 : i32 to index
            %get3A_406 = arith.index_cast %get3A_404 : i32 to index
            %get3A_407 = arith.constant 64 : index
            %get3A_408 = tpu.vector_load %arg7[%get3A_405, %get3A_406, %get3A_407] {strides = array<i32>} : memref<40x1x128xi32, #tpu.memory_space<vmem>>, vector<16xi32>,
            %mul3A_409 = arith.constant 10240 : i32
            %mul3A_410 = arith.muli %add3A, %mul3A_409 : i32
            %add3A_411 = vector.broadcast %mul3A_410 : i32 to vector<16xi32>
            %add3A_412 = arith.addi %get3A_408, %add3A_411 : vector<16xi32>
            %swap3A_413 = arith.constant 64 : index
            %swap3A_414 = tpu.vector_load %arg9[%swap3A_413] {strides = array<i32>} : memref<128xi32, #tpu.memory_space<vmem>>, vector<16xi32>,
            tpu.vector_store %arg9[%swap3A_413], %add3A_412 {strides = array<i32>} : memref<128xi32, #tpu.memory_space<vmem>>, vector<16xi32>,
            %get3A_415 = arith.constant 0 : i32
            %get3A_416 = arith.index_cast %add3A_359 : i32 to index
            %get3A_417 = arith.index_cast %get3A_415 : i32 to index
            %get3A_418 = arith.constant 80 : index
            %get3A_419 = tpu.vector_load %arg7[%get3A_416, %get3A_417, %get3A_418] {strides = array<i32>} : memref<40x1x128xi32, #tpu.memory_space<vmem>>, vector<16xi32>,
            %mul3A_420 = arith.constant 10240 : i32
            %mul3A_421 = arith.muli %add3A, %mul3A_420 : i32
            %add3A_422 = vector.broadcast %mul3A_421 : i32 to vector<16xi32>
            %add3A_423 = arith.addi %get3A_419, %add3A_422 : vector<16xi32>
            %swap3A_424 = arith.constant 80 : index
            %swap3A_425 = tpu.vector_load %arg9[%swap3A_424] {strides = array<i32>} : memref<128xi32, #tpu.memory_space<vmem>>, vector<16xi32>,
            tpu.vector_store %arg9[%swap3A_424], %add3A_423 {strides = array<i32>} : memref<128xi32, #tpu.memory_space<vmem>>, vector<16xi32>,
            %get3A_426 = arith.constant 0 : i32
            %get3A_427 = arith.index_cast %add3A_359 : i32 to index
            %get3A_428 = arith.index_cast %get3A_426 : i32 to index
            %get3A_429 = arith.constant 96 : index
            %get3A_430 = tpu.vector_load %arg7[%get3A_427, %get3A_428, %get3A_429] {strides = array<i32>} : memref<40x1x128xi32, #tpu.memory_space<vmem>>, vector<16xi32>,
            %mul3A_431 = arith.constant 10240 : i32
            %mul3A_432 = arith.muli %add3A, %mul3A_431 : i32
            %add3A_433 = vector.broadcast %mul3A_432 : i32 to vector<16xi32>
            %add3A_434 = arith.addi %get3A_430, %add3A_433 : vector<16xi32>
            %swap3A_435 = arith.constant 96 : index
            %swap3A_436 = tpu.vector_load %arg9[%swap3A_435] {strides = array<i32>} : memref<128xi32, #tpu.memory_space<vmem>>, vector<16xi32>,
            tpu.vector_store %arg9[%swap3A_435], %add3A_434 {strides = array<i32>} : memref<128xi32, #tpu.memory_space<vmem>>, vector<16xi32>,
            %get3A_437 = arith.constant 0 : i32
            %get3A_438 = arith.index_cast %add3A_359 : i32 to index
            %get3A_439 = arith.index_cast %get3A_437 : i32 to index
            %get3A_440 = arith.constant 112 : index
            %get3A_441 = tpu.vector_load %arg7[%get3A_438, %get3A_439, %get3A_440] {strides = array<i32>} : memref<40x1x128xi32, #tpu.memory_space<vmem>>, vector<16xi32>,
            %mul3A_442 = arith.constant 10240 : i32
            %mul3A_443 = arith.muli %add3A, %mul3A_442 : i32
            %add3A_444 = vector.broadcast %mul3A_443 : i32 to vector<16xi32>
            %add3A_445 = arith.addi %get3A_441, %add3A_444 : vector<16xi32>
            %swap3A_446 = arith.constant 112 : index
            %swap3A_447 = tpu.vector_load %arg9[%swap3A_446] {strides = array<i32>} : memref<128xi32, #tpu.memory_space<vmem>>, vector<16xi32>,
            tpu.vector_store %arg9[%swap3A_446], %add3A_445 {strides = array<i32>} : memref<128xi32, #tpu.memory_space<vmem>>, vector<16xi32>,
            %dma_start3A_448 = arith.constant 0 : i32
            %dma_start3A_449 = arith.constant 0 : i32
            %dma_start3A_450 = tpu.memref_slice %arg2[%dma_start3A_448, %dma_start3A_449] : memref<163840x128xf32, #tpu.memory_space<hbm>> -> memref<163840x128xf32, #tpu.memory_space<hbm>>
            tpu.enqueue_indirect_dma source(%dma_start3A_450 : memref<163840x128xf32, #tpu.memory_space<hbm>>) target(%arg12 : memref<128x128xf32, #tpu.memory_space<vmem>>) offsets(%arg9 : memref<128xi32, #tpu.memory_space<vmem>>) semaphore(%arg15 : memref<!tpu.dma_semaphore, #tpu.memory_space<semaphore_mem>>)
          } else {
          }
          %add3A_295 = arith.constant 1 : i32
          %add3A_296 = arith.addi %mul3A_134, %add3A_295 : i32
          %get3A_297 = arith.constant 0 : i32
          %get3A_298 = arith.index_cast %add3A_296 : i32 to index
          %get3A_299 = arith.index_cast %get3A_297 : i32 to index
          %get3A_300 = arith.constant 0 : index
          %get3A_301 = tpu.vector_load %arg8[%get3A_298, %get3A_299, %get3A_300] {strides = array<i32>} : memref<40x1x128xi32, #tpu.memory_space<vmem>>, vector<16xi32>,
          %swap3A_302 = arith.constant 0 : index
          %swap3A_303 = tpu.vector_load %arg11[%swap3A_302] {strides = array<i32>} : memref<128xi32, #tpu.memory_space<vmem>>, vector<16xi32>,
          tpu.vector_store %arg11[%swap3A_302], %get3A_301 {strides = array<i32>} : memref<128xi32, #tpu.memory_space<vmem>>, vector<16xi32>,
          %get3A_304 = arith.constant 0 : i32
          %get3A_305 = arith.index_cast %add3A_296 : i32 to index
          %get3A_306 = arith.index_cast %get3A_304 : i32 to index
          %get3A_307 = arith.constant 16 : index
          %get3A_308 = tpu.vector_load %arg8[%get3A_305, %get3A_306, %get3A_307] {strides = array<i32>} : memref<40x1x128xi32, #tpu.memory_space<vmem>>, vector<16xi32>,
          %swap3A_309 = arith.constant 16 : index
          %swap3A_310 = tpu.vector_load %arg11[%swap3A_309] {strides = array<i32>} : memref<128xi32, #tpu.memory_space<vmem>>, vector<16xi32>,
          tpu.vector_store %arg11[%swap3A_309], %get3A_308 {strides = array<i32>} : memref<128xi32, #tpu.memory_space<vmem>>, vector<16xi32>,
          %get3A_311 = arith.constant 0 : i32
          %get3A_312 = arith.index_cast %add3A_296 : i32 to index
          %get3A_313 = arith.index_cast %get3A_311 : i32 to index
          %get3A_314 = arith.constant 32 : index
          %get3A_315 = tpu.vector_load %arg8[%get3A_312, %get3A_313, %get3A_314] {strides = array<i32>} : memref<40x1x128xi32, #tpu.memory_space<vmem>>, vector<16xi32>,
          %swap3A_316 = arith.constant 32 : index
          %swap3A_317 = tpu.vector_load %arg11[%swap3A_316] {strides = array<i32>} : memref<128xi32, #tpu.memory_space<vmem>>, vector<16xi32>,
          tpu.vector_store %arg11[%swap3A_316], %get3A_315 {strides = array<i32>} : memref<128xi32, #tpu.memory_space<vmem>>, vector<16xi32>,
          %get3A_318 = arith.constant 0 : i32
          %get3A_319 = arith.index_cast %add3A_296 : i32 to index
          %get3A_320 = arith.index_cast %get3A_318 : i32 to index
          %get3A_321 = arith.constant 48 : index
          %get3A_322 = tpu.vector_load %arg8[%get3A_319, %get3A_320, %get3A_321] {strides = array<i32>} : memref<40x1x128xi32, #tpu.memory_space<vmem>>, vector<16xi32>,
          %swap3A_323 = arith.constant 48 : index
          %swap3A_324 = tpu.vector_load %arg11[%swap3A_323] {strides = array<i32>} : memref<128xi32, #tpu.memory_space<vmem>>, vector<16xi32>,
          tpu.vector_store %arg11[%swap3A_323], %get3A_322 {strides = array<i32>} : memref<128xi32, #tpu.memory_space<vmem>>, vector<16xi32>,
          %get3A_325 = arith.constant 0 : i32
          %get3A_326 = arith.index_cast %add3A_296 : i32 to index
          %get3A_327 = arith.index_cast %get3A_325 : i32 to index
          %get3A_328 = arith.constant 64 : index
          %get3A_329 = tpu.vector_load %arg8[%get3A_326, %get3A_327, %get3A_328] {strides = array<i32>} : memref<40x1x128xi32, #tpu.memory_space<vmem>>, vector<16xi32>,
          %swap3A_330 = arith.constant 64 : index
          %swap3A_331 = tpu.vector_load %arg11[%swap3A_330] {strides = array<i32>} : memref<128xi32, #tpu.memory_space<vmem>>, vector<16xi32>,
          tpu.vector_store %arg11[%swap3A_330], %get3A_329 {strides = array<i32>} : memref<128xi32, #tpu.memory_space<vmem>>, vector<16xi32>,
          %get3A_332 = arith.constant 0 : i32
          %get3A_333 = arith.index_cast %add3A_296 : i32 to index
          %get3A_334 = arith.index_cast %get3A_332 : i32 to index
          %get3A_335 = arith.constant 80 : index
          %get3A_336 = tpu.vector_load %arg8[%get3A_333, %get3A_334, %get3A_335] {strides = array<i32>} : memref<40x1x128xi32, #tpu.memory_space<vmem>>, vector<16xi32>,
          %swap3A_337 = arith.constant 80 : index
          %swap3A_338 = tpu.vector_load %arg11[%swap3A_337] {strides = array<i32>} : memref<128xi32, #tpu.memory_space<vmem>>, vector<16xi32>,
          tpu.vector_store %arg11[%swap3A_337], %get3A_336 {strides = array<i32>} : memref<128xi32, #tpu.memory_space<vmem>>, vector<16xi32>,
          %get3A_339 = arith.constant 0 : i32
          %get3A_340 = arith.index_cast %add3A_296 : i32 to index
          %get3A_341 = arith.index_cast %get3A_339 : i32 to index
          %get3A_342 = arith.constant 96 : index
          %get3A_343 = tpu.vector_load %arg8[%get3A_340, %get3A_341, %get3A_342] {strides = array<i32>} : memref<40x1x128xi32, #tpu.memory_space<vmem>>, vector<16xi32>,
          %swap3A_344 = arith.constant 96 : index
          %swap3A_345 = tpu.vector_load %arg11[%swap3A_344] {strides = array<i32>} : memref<128xi32, #tpu.memory_space<vmem>>, vector<16xi32>,
          tpu.vector_store %arg11[%swap3A_344], %get3A_343 {strides = array<i32>} : memref<128xi32, #tpu.memory_space<vmem>>, vector<16xi32>,
          %get3A_346 = arith.constant 0 : i32
          %get3A_347 = arith.index_cast %add3A_296 : i32 to index
          %get3A_348 = arith.index_cast %get3A_346 : i32 to index
          %get3A_349 = arith.constant 112 : index
          %get3A_350 = tpu.vector_load %arg8[%get3A_347, %get3A_348, %get3A_349] {strides = array<i32>} : memref<40x1x128xi32, #tpu.memory_space<vmem>>, vector<16xi32>,
          %swap3A_351 = arith.constant 112 : index
          %swap3A_352 = tpu.vector_load %arg11[%swap3A_351] {strides = array<i32>} : memref<128xi32, #tpu.memory_space<vmem>>, vector<16xi32>,
          tpu.vector_store %arg11[%swap3A_351], %get3A_350 {strides = array<i32>} : memref<128xi32, #tpu.memory_space<vmem>>, vector<16xi32>,
          %dma_wait3A_353 = arith.constant 0 : i32
          %dma_wait3A_354 = arith.constant 0 : i32
          %dma_wait3A_355 = tpu.memref_slice %arg2[%dma_wait3A_353, %dma_wait3A_354] : memref<163840x128xf32, #tpu.memory_space<hbm>> -> memref<163840x128xf32, #tpu.memory_space<hbm>>
          tpu.wait_indirect_dma semaphore(%arg16 : memref<!tpu.dma_semaphore, #tpu.memory_space<semaphore_mem>>) src(%dma_wait3A_355 : memref<163840x128xf32, #tpu.memory_space<hbm>>) dst(%arg13 : memref<128x128xf32, #tpu.memory_space<vmem>>)
          "tpu.region"() ({
            %run_scoped3A = tpu.sem_alloc : memref<!tpu.dma_semaphore, #tpu.memory_space<semaphore_mem>>
            %dma_start3A_356 = arith.constant 0 : i32
            %dma_start3A_357 = arith.constant 0 : i32
            %dma_start3A_358 = tpu.memref_slice %arg14[%dma_start3A_356, %dma_start3A_357] : memref<10240x128xf32, #tpu.memory_space<vmem_shared>> -> memref<10240x128xf32, #tpu.memory_space<vmem_shared>>
            tpu.enqueue_indirect_dma source(%arg13 : memref<128x128xf32, #tpu.memory_space<vmem>>) target(%dma_start3A_358 : memref<10240x128xf32, #tpu.memory_space<vmem_shared>>) offsets(%arg11 : memref<128xi32, #tpu.memory_space<vmem>>) semaphore(%run_scoped3A : memref<!tpu.dma_semaphore, #tpu.memory_space<semaphore_mem>>) {add = true}
            %dma_wait3A_359 = arith.constant 0 : i32
            %dma_wait3A_360 = arith.constant 0 : i32
            %dma_wait3A_361 = tpu.memref_slice %arg14[%dma_wait3A_359, %dma_wait3A_360] : memref<10240x128xf32, #tpu.memory_space<vmem_shared>> -> memref<10240x128xf32, #tpu.memory_space<vmem_shared>>
            tpu.wait_indirect_dma semaphore(%run_scoped3A : memref<!tpu.dma_semaphore, #tpu.memory_space<semaphore_mem>>) src(%arg13 : memref<128x128xf32, #tpu.memory_space<vmem>>) dst(%dma_wait3A_361 : memref<10240x128xf32, #tpu.memory_space<vmem_shared>>)
            tpu.yield
          }) : () -> ()
        }
        %scan3A_131 = arith.constant 20 : i32
      }
      %scan3A_18 = arith.constant 4 : i32
      %barrier3A_19 = arith.constant 0 : index
      tpu.barrier barrier_id(%barrier3A_19)
      %mul3A_20 = arith.constant 640 : i32
      %mul3A_21 = arith.muli %arg1, %mul3A_20 : i32
      %mul3A_22 = arith.constant 640 : i32
      %mul3A_23 = arith.muli %arg1, %mul3A_22 : i32
      %add3A_24 = arith.addi %mul3A_10, %mul3A_23 : i32
      %multiple_of3A = tpu.assume_multiple %add3A_24, 8 : i32
      "tpu.region"() ({
        %run_scoped3A = tpu.sem_alloc : memref<!tpu.dma_semaphore, #tpu.memory_space<semaphore_mem>>
        %dma_start3A = arith.constant 0 : i32
        %dma_start3A_26 = tpu.memref_slice %arg6[%multiple_of3A, %dma_start3A] : memref<163840x128xf32, #tpu.memory_space<hbm>> -> memref<640x128xf32, #tpu.memory_space<hbm>>
        %dma_start3A_27 = arith.constant 0 : i32
        %dma_start3A_28 = tpu.memref_slice %arg14[%mul3A_21, %dma_start3A_27] : memref<10240x128xf32, #tpu.memory_space<vmem_shared>> -> memref<640x128xf32, #tpu.memory_space<vmem_shared>>
        tpu.enqueue_dma source(%dma_start3A_28 : memref<640x128xf32, #tpu.memory_space<vmem_shared>>) target(%dma_start3A_26 : memref<640x128xf32, #tpu.memory_space<hbm>>) target_semaphore(%run_scoped3A : memref<!tpu.dma_semaphore, #tpu.memory_space<semaphore_mem>>)
        %dma_wait3A = arith.constant 0 : i32
        %dma_wait3A_29 = tpu.memref_slice %arg6[%multiple_of3A, %dma_wait3A] : memref<163840x128xf32, #tpu.memory_space<hbm>> -> memref<640x128xf32, #tpu.memory_space<hbm>>
        %dma_wait3A_30 = arith.constant 0 : i32
        %dma_wait3A_31 = tpu.memref_slice %arg14[%mul3A_21, %dma_wait3A_30] : memref<10240x128xf32, #tpu.memory_space<vmem_shared>> -> memref<640x128xf32, #tpu.memory_space<vmem_shared>>
        tpu.wait_dma2 semaphore(%run_scoped3A : memref<!tpu.dma_semaphore, #tpu.memory_space<semaphore_mem>>) src(%dma_wait3A_31 : memref<640x128xf32, #tpu.memory_space<vmem_shared>>) dst(%dma_wait3A_29 : memref<640x128xf32, #tpu.memory_space<hbm>>)
        tpu.yield
      }) : () -> ()
      %barrier3A_25 = arith.constant 0 : index
      tpu.barrier barrier_id(%barrier3A_25)
    }
    %scan3A_4 = arith.constant 8 : i32
    return
  }
}

#map = affine_map<(d0, d1) -> (0, 0)>
#map1 = affine_map<(d0, d1) -> (0, 0, 0)>
module attributes {stable_mosaic.version = 14 : i64} {
  func.func @prop_kernel(%arg0: i32, %arg1: i32, %arg2: memref<10240x128xf32, #tpu.memory_space<hbm>>, %arg3: memref<2560x1x128xi32, #tpu.memory_space<hbm>>, %arg4: memref<2560x1x128xi32, #tpu.memory_space<hbm>>, %arg5: memref<640x128xf32, #tpu.memory_space<hbm>>, %arg6: memref<20480x128xf32, #tpu.memory_space<hbm>>, %arg7: memref<20x1x128xi32, #tpu.memory_space<vmem>>, %arg8: memref<20x1x128xi32, #tpu.memory_space<vmem>>, %arg9: memref<128xi32, #tpu.memory_space<vmem>>, %arg10: memref<128xi32, #tpu.memory_space<vmem>>, %arg11: memref<128xi32, #tpu.memory_space<vmem>>, %arg12: memref<128x128xf32, #tpu.memory_space<vmem>>, %arg13: memref<128x128xf32, #tpu.memory_space<vmem>>, %arg14: memref<10240x128xf32, #tpu.memory_space<vmem_shared>>, %arg15: memref<!tpu.dma_semaphore, #tpu.memory_space<semaphore_mem>>, %arg16: memref<!tpu.dma_semaphore, #tpu.memory_space<semaphore_mem>>) attributes {dimension_semantics = [#tpu.dimension_semantics<core_parallel>, #tpu.dimension_semantics<subcore_parallel>], iteration_bounds = array<i64: 2, 16>, scalar_prefetch = 0 : i64, scratch_operands = 10 : i64, tpu.core_type = #tpu.core_type<sc_vector_subcore>, window_params = [{transform_indices = #map}, {transform_indices = #map1}, {transform_indices = #map1}, {transform_indices = #map}, {transform_indices = #map}]} {
    %mul3A = arith.constant 16 : i32
    %mul3A_0 = arith.muli %arg0, %mul3A : i32
    %add3A = arith.addi %mul3A_0, %arg1 : i32
    %mul3A_1 = arith.constant 80 : i32
    %mul3A_2 = arith.muli %add3A, %mul3A_1 : i32
    %mul3A_3 = arith.constant 10240 : i32
    %mul3A_4 = arith.muli %arg0, %mul3A_3 : i32
    %mul3A_5 = arith.constant 640 : i32
    %mul3A_6 = arith.muli %arg1, %mul3A_5 : i32
    "tpu.region"() ({
      %run_scoped3A = tpu.sem_alloc : memref<!tpu.dma_semaphore, #tpu.memory_space<semaphore_mem>>
      %dma_start3A = arith.constant 0 : i32
      %dma_start3A_19 = tpu.memref_slice %arg14[%mul3A_6, %dma_start3A] : memref<10240x128xf32, #tpu.memory_space<vmem_shared>> -> memref<640x128xf32, #tpu.memory_space<vmem_shared>>
      tpu.enqueue_dma source(%arg5 : memref<640x128xf32, #tpu.memory_space<hbm>>) target(%dma_start3A_19 : memref<640x128xf32, #tpu.memory_space<vmem_shared>>) target_semaphore(%run_scoped3A : memref<!tpu.dma_semaphore, #tpu.memory_space<semaphore_mem>>)
      %dma_wait3A = arith.constant 0 : i32
      %dma_wait3A_20 = tpu.memref_slice %arg14[%mul3A_6, %dma_wait3A] : memref<10240x128xf32, #tpu.memory_space<vmem_shared>> -> memref<640x128xf32, #tpu.memory_space<vmem_shared>>
      tpu.wait_dma2 semaphore(%run_scoped3A : memref<!tpu.dma_semaphore, #tpu.memory_space<semaphore_mem>>) src(%arg5 : memref<640x128xf32, #tpu.memory_space<hbm>>) dst(%dma_wait3A_20 : memref<640x128xf32, #tpu.memory_space<vmem_shared>>)
      tpu.yield
    }) : () -> ()
    %barrier3A = arith.constant 0 : index
    tpu.barrier barrier_id(%barrier3A)
    %scan3A = arith.constant 0 : i32
    %scan3A_7 = arith.constant 0 : i32
    %scan3A_8 = arith.constant 4 : i32
    %scan3A_9 = arith.addi %scan3A_7, %scan3A_8 : i32
    %scan3A_10 = arith.constant 1 : i32
    scf.for %scan3A_19 = %scan3A_7 to %scan3A_9 step %scan3A_10  : i32 {
      %mul3A_20 = arith.constant 20 : i32
      %mul3A_21 = arith.muli %scan3A_19, %mul3A_20 : i32
      %add3A_22 = arith.addi %mul3A_2, %mul3A_21 : i32
      "tpu.region"() ({
        %run_scoped3A = tpu.sem_alloc : memref<!tpu.dma_semaphore, #tpu.memory_space<semaphore_mem>>
        %dma_start3A_93 = arith.constant 0 : i32
        %dma_start3A_94 = arith.constant 0 : i32
        %dma_start3A_95 = tpu.memref_slice %arg3[%add3A_22, %dma_start3A_93, %dma_start3A_94] : memref<2560x1x128xi32, #tpu.memory_space<hbm>> -> memref<20x1x128xi32, #tpu.memory_space<hbm>>
        %dma_start3A_96 = arith.constant 0 : i32
        %dma_start3A_97 = arith.constant 0 : i32
        %dma_start3A_98 = tpu.memref_slice %arg3[%add3A_22, %dma_start3A_96, %dma_start3A_97] : memref<2560x1x128xi32, #tpu.memory_space<hbm>> -> memref<20x1x128xi32, #tpu.memory_space<hbm>>
        tpu.enqueue_dma source(%dma_start3A_98 : memref<20x1x128xi32, #tpu.memory_space<hbm>>) target(%arg7 : memref<20x1x128xi32, #tpu.memory_space<vmem>>) target_semaphore(%run_scoped3A : memref<!tpu.dma_semaphore, #tpu.memory_space<semaphore_mem>>)
        %dma_wait3A = arith.constant 0 : i32
        %dma_wait3A_99 = arith.constant 0 : i32
        %dma_wait3A_100 = tpu.memref_slice %arg3[%add3A_22, %dma_wait3A, %dma_wait3A_99] : memref<2560x1x128xi32, #tpu.memory_space<hbm>> -> memref<20x1x128xi32, #tpu.memory_space<hbm>>
        %dma_wait3A_101 = arith.constant 0 : i32
        %dma_wait3A_102 = arith.constant 0 : i32
        %dma_wait3A_103 = tpu.memref_slice %arg3[%add3A_22, %dma_wait3A_101, %dma_wait3A_102] : memref<2560x1x128xi32, #tpu.memory_space<hbm>> -> memref<20x1x128xi32, #tpu.memory_space<hbm>>
        tpu.wait_dma2 semaphore(%run_scoped3A : memref<!tpu.dma_semaphore, #tpu.memory_space<semaphore_mem>>) src(%dma_wait3A_103 : memref<20x1x128xi32, #tpu.memory_space<hbm>>) dst(%arg7 : memref<20x1x128xi32, #tpu.memory_space<vmem>>)
        tpu.yield
      }) : () -> ()
      "tpu.region"() ({
        %run_scoped3A = tpu.sem_alloc : memref<!tpu.dma_semaphore, #tpu.memory_space<semaphore_mem>>
        %dma_start3A_93 = arith.constant 0 : i32
        %dma_start3A_94 = arith.constant 0 : i32
        %dma_start3A_95 = tpu.memref_slice %arg4[%add3A_22, %dma_start3A_93, %dma_start3A_94] : memref<2560x1x128xi32, #tpu.memory_space<hbm>> -> memref<20x1x128xi32, #tpu.memory_space<hbm>>
        %dma_start3A_96 = arith.constant 0 : i32
        %dma_start3A_97 = arith.constant 0 : i32
        %dma_start3A_98 = tpu.memref_slice %arg4[%add3A_22, %dma_start3A_96, %dma_start3A_97] : memref<2560x1x128xi32, #tpu.memory_space<hbm>> -> memref<20x1x128xi32, #tpu.memory_space<hbm>>
        tpu.enqueue_dma source(%dma_start3A_98 : memref<20x1x128xi32, #tpu.memory_space<hbm>>) target(%arg8 : memref<20x1x128xi32, #tpu.memory_space<vmem>>) target_semaphore(%run_scoped3A : memref<!tpu.dma_semaphore, #tpu.memory_space<semaphore_mem>>)
        %dma_wait3A = arith.constant 0 : i32
        %dma_wait3A_99 = arith.constant 0 : i32
        %dma_wait3A_100 = tpu.memref_slice %arg4[%add3A_22, %dma_wait3A, %dma_wait3A_99] : memref<2560x1x128xi32, #tpu.memory_space<hbm>> -> memref<20x1x128xi32, #tpu.memory_space<hbm>>
        %dma_wait3A_101 = arith.constant 0 : i32
        %dma_wait3A_102 = arith.constant 0 : i32
        %dma_wait3A_103 = tpu.memref_slice %arg4[%add3A_22, %dma_wait3A_101, %dma_wait3A_102] : memref<2560x1x128xi32, #tpu.memory_space<hbm>> -> memref<20x1x128xi32, #tpu.memory_space<hbm>>
        tpu.wait_dma2 semaphore(%run_scoped3A : memref<!tpu.dma_semaphore, #tpu.memory_space<semaphore_mem>>) src(%dma_wait3A_103 : memref<20x1x128xi32, #tpu.memory_space<hbm>>) dst(%arg8 : memref<20x1x128xi32, #tpu.memory_space<vmem>>)
        tpu.yield
      }) : () -> ()
      %get3A = arith.constant 0 : i32
      %get3A_23 = arith.constant 0 : i32
      %get3A_24 = arith.index_cast %get3A : i32 to index
      %get3A_25 = arith.index_cast %get3A_23 : i32 to index
      %get3A_26 = arith.constant 0 : index
      %get3A_27 = tpu.vector_load %arg7[%get3A_24, %get3A_25, %get3A_26] {strides = array<i32>} : memref<20x1x128xi32, #tpu.memory_space<vmem>>, vector<16xi32>,
      %swap3A = arith.constant 0 : index
      %swap3A_28 = tpu.vector_load %arg9[%swap3A] {strides = array<i32>} : memref<128xi32, #tpu.memory_space<vmem>>, vector<16xi32>,
      tpu.vector_store %arg9[%swap3A], %get3A_27 {strides = array<i32>} : memref<128xi32, #tpu.memory_space<vmem>>, vector<16xi32>,
      %get3A_29 = arith.constant 0 : i32
      %get3A_30 = arith.constant 0 : i32
      %get3A_31 = arith.index_cast %get3A_29 : i32 to index
      %get3A_32 = arith.index_cast %get3A_30 : i32 to index
      %get3A_33 = arith.constant 16 : index
      %get3A_34 = tpu.vector_load %arg7[%get3A_31, %get3A_32, %get3A_33] {strides = array<i32>} : memref<20x1x128xi32, #tpu.memory_space<vmem>>, vector<16xi32>,
      %swap3A_35 = arith.constant 16 : index
      %swap3A_36 = tpu.vector_load %arg9[%swap3A_35] {strides = array<i32>} : memref<128xi32, #tpu.memory_space<vmem>>, vector<16xi32>,
      tpu.vector_store %arg9[%swap3A_35], %get3A_34 {strides = array<i32>} : memref<128xi32, #tpu.memory_space<vmem>>, vector<16xi32>,
      %get3A_37 = arith.constant 0 : i32
      %get3A_38 = arith.constant 0 : i32
      %get3A_39 = arith.index_cast %get3A_37 : i32 to index
      %get3A_40 = arith.index_cast %get3A_38 : i32 to index
      %get3A_41 = arith.constant 32 : index
      %get3A_42 = tpu.vector_load %arg7[%get3A_39, %get3A_40, %get3A_41] {strides = array<i32>} : memref<20x1x128xi32, #tpu.memory_space<vmem>>, vector<16xi32>,
      %swap3A_43 = arith.constant 32 : index
      %swap3A_44 = tpu.vector_load %arg9[%swap3A_43] {strides = array<i32>} : memref<128xi32, #tpu.memory_space<vmem>>, vector<16xi32>,
      tpu.vector_store %arg9[%swap3A_43], %get3A_42 {strides = array<i32>} : memref<128xi32, #tpu.memory_space<vmem>>, vector<16xi32>,
      %get3A_45 = arith.constant 0 : i32
      %get3A_46 = arith.constant 0 : i32
      %get3A_47 = arith.index_cast %get3A_45 : i32 to index
      %get3A_48 = arith.index_cast %get3A_46 : i32 to index
      %get3A_49 = arith.constant 48 : index
      %get3A_50 = tpu.vector_load %arg7[%get3A_47, %get3A_48, %get3A_49] {strides = array<i32>} : memref<20x1x128xi32, #tpu.memory_space<vmem>>, vector<16xi32>,
      %swap3A_51 = arith.constant 48 : index
      %swap3A_52 = tpu.vector_load %arg9[%swap3A_51] {strides = array<i32>} : memref<128xi32, #tpu.memory_space<vmem>>, vector<16xi32>,
      tpu.vector_store %arg9[%swap3A_51], %get3A_50 {strides = array<i32>} : memref<128xi32, #tpu.memory_space<vmem>>, vector<16xi32>,
      %get3A_53 = arith.constant 0 : i32
      %get3A_54 = arith.constant 0 : i32
      %get3A_55 = arith.index_cast %get3A_53 : i32 to index
      %get3A_56 = arith.index_cast %get3A_54 : i32 to index
      %get3A_57 = arith.constant 64 : index
      %get3A_58 = tpu.vector_load %arg7[%get3A_55, %get3A_56, %get3A_57] {strides = array<i32>} : memref<20x1x128xi32, #tpu.memory_space<vmem>>, vector<16xi32>,
      %swap3A_59 = arith.constant 64 : index
      %swap3A_60 = tpu.vector_load %arg9[%swap3A_59] {strides = array<i32>} : memref<128xi32, #tpu.memory_space<vmem>>, vector<16xi32>,
      tpu.vector_store %arg9[%swap3A_59], %get3A_58 {strides = array<i32>} : memref<128xi32, #tpu.memory_space<vmem>>, vector<16xi32>,
      %get3A_61 = arith.constant 0 : i32
      %get3A_62 = arith.constant 0 : i32
      %get3A_63 = arith.index_cast %get3A_61 : i32 to index
      %get3A_64 = arith.index_cast %get3A_62 : i32 to index
      %get3A_65 = arith.constant 80 : index
      %get3A_66 = tpu.vector_load %arg7[%get3A_63, %get3A_64, %get3A_65] {strides = array<i32>} : memref<20x1x128xi32, #tpu.memory_space<vmem>>, vector<16xi32>,
      %swap3A_67 = arith.constant 80 : index
      %swap3A_68 = tpu.vector_load %arg9[%swap3A_67] {strides = array<i32>} : memref<128xi32, #tpu.memory_space<vmem>>, vector<16xi32>,
      tpu.vector_store %arg9[%swap3A_67], %get3A_66 {strides = array<i32>} : memref<128xi32, #tpu.memory_space<vmem>>, vector<16xi32>,
      %get3A_69 = arith.constant 0 : i32
      %get3A_70 = arith.constant 0 : i32
      %get3A_71 = arith.index_cast %get3A_69 : i32 to index
      %get3A_72 = arith.index_cast %get3A_70 : i32 to index
      %get3A_73 = arith.constant 96 : index
      %get3A_74 = tpu.vector_load %arg7[%get3A_71, %get3A_72, %get3A_73] {strides = array<i32>} : memref<20x1x128xi32, #tpu.memory_space<vmem>>, vector<16xi32>,
      %swap3A_75 = arith.constant 96 : index
      %swap3A_76 = tpu.vector_load %arg9[%swap3A_75] {strides = array<i32>} : memref<128xi32, #tpu.memory_space<vmem>>, vector<16xi32>,
      tpu.vector_store %arg9[%swap3A_75], %get3A_74 {strides = array<i32>} : memref<128xi32, #tpu.memory_space<vmem>>, vector<16xi32>,
      %get3A_77 = arith.constant 0 : i32
      %get3A_78 = arith.constant 0 : i32
      %get3A_79 = arith.index_cast %get3A_77 : i32 to index
      %get3A_80 = arith.index_cast %get3A_78 : i32 to index
      %get3A_81 = arith.constant 112 : index
      %get3A_82 = tpu.vector_load %arg7[%get3A_79, %get3A_80, %get3A_81] {strides = array<i32>} : memref<20x1x128xi32, #tpu.memory_space<vmem>>, vector<16xi32>,
      %swap3A_83 = arith.constant 112 : index
      %swap3A_84 = tpu.vector_load %arg9[%swap3A_83] {strides = array<i32>} : memref<128xi32, #tpu.memory_space<vmem>>, vector<16xi32>,
      tpu.vector_store %arg9[%swap3A_83], %get3A_82 {strides = array<i32>} : memref<128xi32, #tpu.memory_space<vmem>>, vector<16xi32>,
      %dma_start3A = arith.constant 0 : i32
      %dma_start3A_85 = arith.constant 0 : i32
      %dma_start3A_86 = tpu.memref_slice %arg2[%dma_start3A, %dma_start3A_85] : memref<10240x128xf32, #tpu.memory_space<hbm>> -> memref<10240x128xf32, #tpu.memory_space<hbm>>
      tpu.enqueue_indirect_dma source(%dma_start3A_86 : memref<10240x128xf32, #tpu.memory_space<hbm>>) target(%arg12 : memref<128x128xf32, #tpu.memory_space<vmem>>) offsets(%arg9 : memref<128xi32, #tpu.memory_space<vmem>>) semaphore(%arg15 : memref<!tpu.dma_semaphore, #tpu.memory_space<semaphore_mem>>)
      %scan3A_87 = arith.constant 0 : i32
      %scan3A_88 = arith.constant 0 : i32
      %scan3A_89 = arith.constant 10 : i32
      %scan3A_90 = arith.addi %scan3A_88, %scan3A_89 : i32
      %scan3A_91 = arith.constant 1 : i32
      scf.for %scan3A_93 = %scan3A_88 to %scan3A_90 step %scan3A_91  : i32 {
        %mul3A_94 = arith.constant 2 : i32
        %mul3A_95 = arith.muli %mul3A_94, %scan3A_93 : i32
        %add3A_96 = arith.constant 2 : i32
        %add3A_97 = arith.addi %mul3A_95, %add3A_96 : i32
        %sub3A = arith.constant 1 : i32
        %sub3A_98 = arith.subi %add3A_97, %sub3A : i32
        %get3A_99 = arith.constant 0 : i32
        %get3A_100 = arith.index_cast %sub3A_98 : i32 to index
        %get3A_101 = arith.index_cast %get3A_99 : i32 to index
        %get3A_102 = arith.constant 0 : index
        %get3A_103 = tpu.vector_load %arg7[%get3A_100, %get3A_101, %get3A_102] {strides = array<i32>} : memref<20x1x128xi32, #tpu.memory_space<vmem>>, vector<16xi32>,
        %swap3A_104 = arith.constant 0 : index
        %swap3A_105 = tpu.vector_load %arg10[%swap3A_104] {strides = array<i32>} : memref<128xi32, #tpu.memory_space<vmem>>, vector<16xi32>,
        tpu.vector_store %arg10[%swap3A_104], %get3A_103 {strides = array<i32>} : memref<128xi32, #tpu.memory_space<vmem>>, vector<16xi32>,
        %get3A_106 = arith.constant 0 : i32
        %get3A_107 = arith.index_cast %sub3A_98 : i32 to index
        %get3A_108 = arith.index_cast %get3A_106 : i32 to index
        %get3A_109 = arith.constant 16 : index
        %get3A_110 = tpu.vector_load %arg7[%get3A_107, %get3A_108, %get3A_109] {strides = array<i32>} : memref<20x1x128xi32, #tpu.memory_space<vmem>>, vector<16xi32>,
        %swap3A_111 = arith.constant 16 : index
        %swap3A_112 = tpu.vector_load %arg10[%swap3A_111] {strides = array<i32>} : memref<128xi32, #tpu.memory_space<vmem>>, vector<16xi32>,
        tpu.vector_store %arg10[%swap3A_111], %get3A_110 {strides = array<i32>} : memref<128xi32, #tpu.memory_space<vmem>>, vector<16xi32>,
        %get3A_113 = arith.constant 0 : i32
        %get3A_114 = arith.index_cast %sub3A_98 : i32 to index
        %get3A_115 = arith.index_cast %get3A_113 : i32 to index
        %get3A_116 = arith.constant 32 : index
        %get3A_117 = tpu.vector_load %arg7[%get3A_114, %get3A_115, %get3A_116] {strides = array<i32>} : memref<20x1x128xi32, #tpu.memory_space<vmem>>, vector<16xi32>,
        %swap3A_118 = arith.constant 32 : index
        %swap3A_119 = tpu.vector_load %arg10[%swap3A_118] {strides = array<i32>} : memref<128xi32, #tpu.memory_space<vmem>>, vector<16xi32>,
        tpu.vector_store %arg10[%swap3A_118], %get3A_117 {strides = array<i32>} : memref<128xi32, #tpu.memory_space<vmem>>, vector<16xi32>,
        %get3A_120 = arith.constant 0 : i32
        %get3A_121 = arith.index_cast %sub3A_98 : i32 to index
        %get3A_122 = arith.index_cast %get3A_120 : i32 to index
        %get3A_123 = arith.constant 48 : index
        %get3A_124 = tpu.vector_load %arg7[%get3A_121, %get3A_122, %get3A_123] {strides = array<i32>} : memref<20x1x128xi32, #tpu.memory_space<vmem>>, vector<16xi32>,
        %swap3A_125 = arith.constant 48 : index
        %swap3A_126 = tpu.vector_load %arg10[%swap3A_125] {strides = array<i32>} : memref<128xi32, #tpu.memory_space<vmem>>, vector<16xi32>,
        tpu.vector_store %arg10[%swap3A_125], %get3A_124 {strides = array<i32>} : memref<128xi32, #tpu.memory_space<vmem>>, vector<16xi32>,
        %get3A_127 = arith.constant 0 : i32
        %get3A_128 = arith.index_cast %sub3A_98 : i32 to index
        %get3A_129 = arith.index_cast %get3A_127 : i32 to index
        %get3A_130 = arith.constant 64 : index
        %get3A_131 = tpu.vector_load %arg7[%get3A_128, %get3A_129, %get3A_130] {strides = array<i32>} : memref<20x1x128xi32, #tpu.memory_space<vmem>>, vector<16xi32>,
        %swap3A_132 = arith.constant 64 : index
        %swap3A_133 = tpu.vector_load %arg10[%swap3A_132] {strides = array<i32>} : memref<128xi32, #tpu.memory_space<vmem>>, vector<16xi32>,
        tpu.vector_store %arg10[%swap3A_132], %get3A_131 {strides = array<i32>} : memref<128xi32, #tpu.memory_space<vmem>>, vector<16xi32>,
        %get3A_134 = arith.constant 0 : i32
        %get3A_135 = arith.index_cast %sub3A_98 : i32 to index
        %get3A_136 = arith.index_cast %get3A_134 : i32 to index
        %get3A_137 = arith.constant 80 : index
        %get3A_138 = tpu.vector_load %arg7[%get3A_135, %get3A_136, %get3A_137] {strides = array<i32>} : memref<20x1x128xi32, #tpu.memory_space<vmem>>, vector<16xi32>,
        %swap3A_139 = arith.constant 80 : index
        %swap3A_140 = tpu.vector_load %arg10[%swap3A_139] {strides = array<i32>} : memref<128xi32, #tpu.memory_space<vmem>>, vector<16xi32>,
        tpu.vector_store %arg10[%swap3A_139], %get3A_138 {strides = array<i32>} : memref<128xi32, #tpu.memory_space<vmem>>, vector<16xi32>,
        %get3A_141 = arith.constant 0 : i32
        %get3A_142 = arith.index_cast %sub3A_98 : i32 to index
        %get3A_143 = arith.index_cast %get3A_141 : i32 to index
        %get3A_144 = arith.constant 96 : index
        %get3A_145 = tpu.vector_load %arg7[%get3A_142, %get3A_143, %get3A_144] {strides = array<i32>} : memref<20x1x128xi32, #tpu.memory_space<vmem>>, vector<16xi32>,
        %swap3A_146 = arith.constant 96 : index
        %swap3A_147 = tpu.vector_load %arg10[%swap3A_146] {strides = array<i32>} : memref<128xi32, #tpu.memory_space<vmem>>, vector<16xi32>,
        tpu.vector_store %arg10[%swap3A_146], %get3A_145 {strides = array<i32>} : memref<128xi32, #tpu.memory_space<vmem>>, vector<16xi32>,
        %get3A_148 = arith.constant 0 : i32
        %get3A_149 = arith.index_cast %sub3A_98 : i32 to index
        %get3A_150 = arith.index_cast %get3A_148 : i32 to index
        %get3A_151 = arith.constant 112 : index
        %get3A_152 = tpu.vector_load %arg7[%get3A_149, %get3A_150, %get3A_151] {strides = array<i32>} : memref<20x1x128xi32, #tpu.memory_space<vmem>>, vector<16xi32>,
        %swap3A_153 = arith.constant 112 : index
        %swap3A_154 = tpu.vector_load %arg10[%swap3A_153] {strides = array<i32>} : memref<128xi32, #tpu.memory_space<vmem>>, vector<16xi32>,
        tpu.vector_store %arg10[%swap3A_153], %get3A_152 {strides = array<i32>} : memref<128xi32, #tpu.memory_space<vmem>>, vector<16xi32>,
        %dma_start3A_155 = arith.constant 0 : i32
        %dma_start3A_156 = arith.constant 0 : i32
        %dma_start3A_157 = tpu.memref_slice %arg2[%dma_start3A_155, %dma_start3A_156] : memref<10240x128xf32, #tpu.memory_space<hbm>> -> memref<10240x128xf32, #tpu.memory_space<hbm>>
        tpu.enqueue_indirect_dma source(%dma_start3A_157 : memref<10240x128xf32, #tpu.memory_space<hbm>>) target(%arg13 : memref<128x128xf32, #tpu.memory_space<vmem>>) offsets(%arg10 : memref<128xi32, #tpu.memory_space<vmem>>) semaphore(%arg16 : memref<!tpu.dma_semaphore, #tpu.memory_space<semaphore_mem>>)
        %add3A_158 = arith.constant 0 : i32
        %add3A_159 = arith.addi %mul3A_95, %add3A_158 : i32
        %get3A_160 = arith.constant 0 : i32
        %get3A_161 = arith.index_cast %add3A_159 : i32 to index
        %get3A_162 = arith.index_cast %get3A_160 : i32 to index
        %get3A_163 = arith.constant 0 : index
        %get3A_164 = tpu.vector_load %arg8[%get3A_161, %get3A_162, %get3A_163] {strides = array<i32>} : memref<20x1x128xi32, #tpu.memory_space<vmem>>, vector<16xi32>,
        %swap3A_165 = arith.constant 0 : index
        %swap3A_166 = tpu.vector_load %arg11[%swap3A_165] {strides = array<i32>} : memref<128xi32, #tpu.memory_space<vmem>>, vector<16xi32>,
        tpu.vector_store %arg11[%swap3A_165], %get3A_164 {strides = array<i32>} : memref<128xi32, #tpu.memory_space<vmem>>, vector<16xi32>,
        %get3A_167 = arith.constant 0 : i32
        %get3A_168 = arith.index_cast %add3A_159 : i32 to index
        %get3A_169 = arith.index_cast %get3A_167 : i32 to index
        %get3A_170 = arith.constant 16 : index
        %get3A_171 = tpu.vector_load %arg8[%get3A_168, %get3A_169, %get3A_170] {strides = array<i32>} : memref<20x1x128xi32, #tpu.memory_space<vmem>>, vector<16xi32>,
        %swap3A_172 = arith.constant 16 : index
        %swap3A_173 = tpu.vector_load %arg11[%swap3A_172] {strides = array<i32>} : memref<128xi32, #tpu.memory_space<vmem>>, vector<16xi32>,
        tpu.vector_store %arg11[%swap3A_172], %get3A_171 {strides = array<i32>} : memref<128xi32, #tpu.memory_space<vmem>>, vector<16xi32>,
        %get3A_174 = arith.constant 0 : i32
        %get3A_175 = arith.index_cast %add3A_159 : i32 to index
        %get3A_176 = arith.index_cast %get3A_174 : i32 to index
        %get3A_177 = arith.constant 32 : index
        %get3A_178 = tpu.vector_load %arg8[%get3A_175, %get3A_176, %get3A_177] {strides = array<i32>} : memref<20x1x128xi32, #tpu.memory_space<vmem>>, vector<16xi32>,
        %swap3A_179 = arith.constant 32 : index
        %swap3A_180 = tpu.vector_load %arg11[%swap3A_179] {strides = array<i32>} : memref<128xi32, #tpu.memory_space<vmem>>, vector<16xi32>,
        tpu.vector_store %arg11[%swap3A_179], %get3A_178 {strides = array<i32>} : memref<128xi32, #tpu.memory_space<vmem>>, vector<16xi32>,
        %get3A_181 = arith.constant 0 : i32
        %get3A_182 = arith.index_cast %add3A_159 : i32 to index
        %get3A_183 = arith.index_cast %get3A_181 : i32 to index
        %get3A_184 = arith.constant 48 : index
        %get3A_185 = tpu.vector_load %arg8[%get3A_182, %get3A_183, %get3A_184] {strides = array<i32>} : memref<20x1x128xi32, #tpu.memory_space<vmem>>, vector<16xi32>,
        %swap3A_186 = arith.constant 48 : index
        %swap3A_187 = tpu.vector_load %arg11[%swap3A_186] {strides = array<i32>} : memref<128xi32, #tpu.memory_space<vmem>>, vector<16xi32>,
        tpu.vector_store %arg11[%swap3A_186], %get3A_185 {strides = array<i32>} : memref<128xi32, #tpu.memory_space<vmem>>, vector<16xi32>,
        %get3A_188 = arith.constant 0 : i32
        %get3A_189 = arith.index_cast %add3A_159 : i32 to index
        %get3A_190 = arith.index_cast %get3A_188 : i32 to index
        %get3A_191 = arith.constant 64 : index
        %get3A_192 = tpu.vector_load %arg8[%get3A_189, %get3A_190, %get3A_191] {strides = array<i32>} : memref<20x1x128xi32, #tpu.memory_space<vmem>>, vector<16xi32>,
        %swap3A_193 = arith.constant 64 : index
        %swap3A_194 = tpu.vector_load %arg11[%swap3A_193] {strides = array<i32>} : memref<128xi32, #tpu.memory_space<vmem>>, vector<16xi32>,
        tpu.vector_store %arg11[%swap3A_193], %get3A_192 {strides = array<i32>} : memref<128xi32, #tpu.memory_space<vmem>>, vector<16xi32>,
        %get3A_195 = arith.constant 0 : i32
        %get3A_196 = arith.index_cast %add3A_159 : i32 to index
        %get3A_197 = arith.index_cast %get3A_195 : i32 to index
        %get3A_198 = arith.constant 80 : index
        %get3A_199 = tpu.vector_load %arg8[%get3A_196, %get3A_197, %get3A_198] {strides = array<i32>} : memref<20x1x128xi32, #tpu.memory_space<vmem>>, vector<16xi32>,
        %swap3A_200 = arith.constant 80 : index
        %swap3A_201 = tpu.vector_load %arg11[%swap3A_200] {strides = array<i32>} : memref<128xi32, #tpu.memory_space<vmem>>, vector<16xi32>,
        tpu.vector_store %arg11[%swap3A_200], %get3A_199 {strides = array<i32>} : memref<128xi32, #tpu.memory_space<vmem>>, vector<16xi32>,
        %get3A_202 = arith.constant 0 : i32
        %get3A_203 = arith.index_cast %add3A_159 : i32 to index
        %get3A_204 = arith.index_cast %get3A_202 : i32 to index
        %get3A_205 = arith.constant 96 : index
        %get3A_206 = tpu.vector_load %arg8[%get3A_203, %get3A_204, %get3A_205] {strides = array<i32>} : memref<20x1x128xi32, #tpu.memory_space<vmem>>, vector<16xi32>,
        %swap3A_207 = arith.constant 96 : index
        %swap3A_208 = tpu.vector_load %arg11[%swap3A_207] {strides = array<i32>} : memref<128xi32, #tpu.memory_space<vmem>>, vector<16xi32>,
        tpu.vector_store %arg11[%swap3A_207], %get3A_206 {strides = array<i32>} : memref<128xi32, #tpu.memory_space<vmem>>, vector<16xi32>,
        %get3A_209 = arith.constant 0 : i32
        %get3A_210 = arith.index_cast %add3A_159 : i32 to index
        %get3A_211 = arith.index_cast %get3A_209 : i32 to index
        %get3A_212 = arith.constant 112 : index
        %get3A_213 = tpu.vector_load %arg8[%get3A_210, %get3A_211, %get3A_212] {strides = array<i32>} : memref<20x1x128xi32, #tpu.memory_space<vmem>>, vector<16xi32>,
        %swap3A_214 = arith.constant 112 : index
        %swap3A_215 = tpu.vector_load %arg11[%swap3A_214] {strides = array<i32>} : memref<128xi32, #tpu.memory_space<vmem>>, vector<16xi32>,
        tpu.vector_store %arg11[%swap3A_214], %get3A_213 {strides = array<i32>} : memref<128xi32, #tpu.memory_space<vmem>>, vector<16xi32>,
        %dma_wait3A = arith.constant 0 : i32
        %dma_wait3A_216 = arith.constant 0 : i32
        %dma_wait3A_217 = tpu.memref_slice %arg2[%dma_wait3A, %dma_wait3A_216] : memref<10240x128xf32, #tpu.memory_space<hbm>> -> memref<10240x128xf32, #tpu.memory_space<hbm>>
        tpu.wait_indirect_dma semaphore(%arg15 : memref<!tpu.dma_semaphore, #tpu.memory_space<semaphore_mem>>) src(%dma_wait3A_217 : memref<10240x128xf32, #tpu.memory_space<hbm>>) dst(%arg12 : memref<128x128xf32, #tpu.memory_space<vmem>>)
        "tpu.region"() ({
          %run_scoped3A = tpu.sem_alloc : memref<!tpu.dma_semaphore, #tpu.memory_space<semaphore_mem>>
          %dma_start3A_285 = arith.constant 0 : i32
          %dma_start3A_286 = arith.constant 0 : i32
          %dma_start3A_287 = tpu.memref_slice %arg14[%dma_start3A_285, %dma_start3A_286] : memref<10240x128xf32, #tpu.memory_space<vmem_shared>> -> memref<10240x128xf32, #tpu.memory_space<vmem_shared>>
          tpu.enqueue_indirect_dma source(%arg12 : memref<128x128xf32, #tpu.memory_space<vmem>>) target(%dma_start3A_287 : memref<10240x128xf32, #tpu.memory_space<vmem_shared>>) offsets(%arg11 : memref<128xi32, #tpu.memory_space<vmem>>) semaphore(%run_scoped3A : memref<!tpu.dma_semaphore, #tpu.memory_space<semaphore_mem>>) {add = true}
          %dma_wait3A_288 = arith.constant 0 : i32
          %dma_wait3A_289 = arith.constant 0 : i32
          %dma_wait3A_290 = tpu.memref_slice %arg14[%dma_wait3A_288, %dma_wait3A_289] : memref<10240x128xf32, #tpu.memory_space<vmem_shared>> -> memref<10240x128xf32, #tpu.memory_space<vmem_shared>>
          tpu.wait_indirect_dma semaphore(%run_scoped3A : memref<!tpu.dma_semaphore, #tpu.memory_space<semaphore_mem>>) src(%arg12 : memref<128x128xf32, #tpu.memory_space<vmem>>) dst(%dma_wait3A_290 : memref<10240x128xf32, #tpu.memory_space<vmem_shared>>)
          tpu.yield
        }) : () -> ()
        %add3A_218 = arith.constant 2 : i32
        %add3A_219 = arith.addi %mul3A_95, %add3A_218 : i32
        %add3A_220 = arith.constant 0 : i32
        %add3A_221 = arith.addi %add3A_219, %add3A_220 : i32
        %lt3A = arith.constant 20 : i32
        %lt3A_222 = arith.cmpi slt, %add3A_221, %lt3A : i32
        %convert_element_type3A = arith.extui %lt3A_222 : i1 to i32
        %cond3A = arith.constant 0 : i32
        %cond3A_223 = arith.cmpi ne, %convert_element_type3A, %cond3A : i32
        scf.if %cond3A_223 {
          %add3A_285 = arith.constant 2 : i32
          %add3A_286 = arith.addi %mul3A_95, %add3A_285 : i32
          %add3A_287 = arith.constant 0 : i32
          %add3A_288 = arith.addi %add3A_286, %add3A_287 : i32
          %get3A_289 = arith.constant 0 : i32
          %get3A_290 = arith.index_cast %add3A_288 : i32 to index
          %get3A_291 = arith.index_cast %get3A_289 : i32 to index
          %get3A_292 = arith.constant 0 : index
          %get3A_293 = tpu.vector_load %arg7[%get3A_290, %get3A_291, %get3A_292] {strides = array<i32>} : memref<20x1x128xi32, #tpu.memory_space<vmem>>, vector<16xi32>,
          %swap3A_294 = arith.constant 0 : index
          %swap3A_295 = tpu.vector_load %arg9[%swap3A_294] {strides = array<i32>} : memref<128xi32, #tpu.memory_space<vmem>>, vector<16xi32>,
          tpu.vector_store %arg9[%swap3A_294], %get3A_293 {strides = array<i32>} : memref<128xi32, #tpu.memory_space<vmem>>, vector<16xi32>,
          %get3A_296 = arith.constant 0 : i32
          %get3A_297 = arith.index_cast %add3A_288 : i32 to index
          %get3A_298 = arith.index_cast %get3A_296 : i32 to index
          %get3A_299 = arith.constant 16 : index
          %get3A_300 = tpu.vector_load %arg7[%get3A_297, %get3A_298, %get3A_299] {strides = array<i32>} : memref<20x1x128xi32, #tpu.memory_space<vmem>>, vector<16xi32>,
          %swap3A_301 = arith.constant 16 : index
          %swap3A_302 = tpu.vector_load %arg9[%swap3A_301] {strides = array<i32>} : memref<128xi32, #tpu.memory_space<vmem>>, vector<16xi32>,
          tpu.vector_store %arg9[%swap3A_301], %get3A_300 {strides = array<i32>} : memref<128xi32, #tpu.memory_space<vmem>>, vector<16xi32>,
          %get3A_303 = arith.constant 0 : i32
          %get3A_304 = arith.index_cast %add3A_288 : i32 to index
          %get3A_305 = arith.index_cast %get3A_303 : i32 to index
          %get3A_306 = arith.constant 32 : index
          %get3A_307 = tpu.vector_load %arg7[%get3A_304, %get3A_305, %get3A_306] {strides = array<i32>} : memref<20x1x128xi32, #tpu.memory_space<vmem>>, vector<16xi32>,
          %swap3A_308 = arith.constant 32 : index
          %swap3A_309 = tpu.vector_load %arg9[%swap3A_308] {strides = array<i32>} : memref<128xi32, #tpu.memory_space<vmem>>, vector<16xi32>,
          tpu.vector_store %arg9[%swap3A_308], %get3A_307 {strides = array<i32>} : memref<128xi32, #tpu.memory_space<vmem>>, vector<16xi32>,
          %get3A_310 = arith.constant 0 : i32
          %get3A_311 = arith.index_cast %add3A_288 : i32 to index
          %get3A_312 = arith.index_cast %get3A_310 : i32 to index
          %get3A_313 = arith.constant 48 : index
          %get3A_314 = tpu.vector_load %arg7[%get3A_311, %get3A_312, %get3A_313] {strides = array<i32>} : memref<20x1x128xi32, #tpu.memory_space<vmem>>, vector<16xi32>,
          %swap3A_315 = arith.constant 48 : index
          %swap3A_316 = tpu.vector_load %arg9[%swap3A_315] {strides = array<i32>} : memref<128xi32, #tpu.memory_space<vmem>>, vector<16xi32>,
          tpu.vector_store %arg9[%swap3A_315], %get3A_314 {strides = array<i32>} : memref<128xi32, #tpu.memory_space<vmem>>, vector<16xi32>,
          %get3A_317 = arith.constant 0 : i32
          %get3A_318 = arith.index_cast %add3A_288 : i32 to index
          %get3A_319 = arith.index_cast %get3A_317 : i32 to index
          %get3A_320 = arith.constant 64 : index
          %get3A_321 = tpu.vector_load %arg7[%get3A_318, %get3A_319, %get3A_320] {strides = array<i32>} : memref<20x1x128xi32, #tpu.memory_space<vmem>>, vector<16xi32>,
          %swap3A_322 = arith.constant 64 : index
          %swap3A_323 = tpu.vector_load %arg9[%swap3A_322] {strides = array<i32>} : memref<128xi32, #tpu.memory_space<vmem>>, vector<16xi32>,
          tpu.vector_store %arg9[%swap3A_322], %get3A_321 {strides = array<i32>} : memref<128xi32, #tpu.memory_space<vmem>>, vector<16xi32>,
          %get3A_324 = arith.constant 0 : i32
          %get3A_325 = arith.index_cast %add3A_288 : i32 to index
          %get3A_326 = arith.index_cast %get3A_324 : i32 to index
          %get3A_327 = arith.constant 80 : index
          %get3A_328 = tpu.vector_load %arg7[%get3A_325, %get3A_326, %get3A_327] {strides = array<i32>} : memref<20x1x128xi32, #tpu.memory_space<vmem>>, vector<16xi32>,
          %swap3A_329 = arith.constant 80 : index
          %swap3A_330 = tpu.vector_load %arg9[%swap3A_329] {strides = array<i32>} : memref<128xi32, #tpu.memory_space<vmem>>, vector<16xi32>,
          tpu.vector_store %arg9[%swap3A_329], %get3A_328 {strides = array<i32>} : memref<128xi32, #tpu.memory_space<vmem>>, vector<16xi32>,
          %get3A_331 = arith.constant 0 : i32
          %get3A_332 = arith.index_cast %add3A_288 : i32 to index
          %get3A_333 = arith.index_cast %get3A_331 : i32 to index
          %get3A_334 = arith.constant 96 : index
          %get3A_335 = tpu.vector_load %arg7[%get3A_332, %get3A_333, %get3A_334] {strides = array<i32>} : memref<20x1x128xi32, #tpu.memory_space<vmem>>, vector<16xi32>,
          %swap3A_336 = arith.constant 96 : index
          %swap3A_337 = tpu.vector_load %arg9[%swap3A_336] {strides = array<i32>} : memref<128xi32, #tpu.memory_space<vmem>>, vector<16xi32>,
          tpu.vector_store %arg9[%swap3A_336], %get3A_335 {strides = array<i32>} : memref<128xi32, #tpu.memory_space<vmem>>, vector<16xi32>,
          %get3A_338 = arith.constant 0 : i32
          %get3A_339 = arith.index_cast %add3A_288 : i32 to index
          %get3A_340 = arith.index_cast %get3A_338 : i32 to index
          %get3A_341 = arith.constant 112 : index
          %get3A_342 = tpu.vector_load %arg7[%get3A_339, %get3A_340, %get3A_341] {strides = array<i32>} : memref<20x1x128xi32, #tpu.memory_space<vmem>>, vector<16xi32>,
          %swap3A_343 = arith.constant 112 : index
          %swap3A_344 = tpu.vector_load %arg9[%swap3A_343] {strides = array<i32>} : memref<128xi32, #tpu.memory_space<vmem>>, vector<16xi32>,
          tpu.vector_store %arg9[%swap3A_343], %get3A_342 {strides = array<i32>} : memref<128xi32, #tpu.memory_space<vmem>>, vector<16xi32>,
          %dma_start3A_345 = arith.constant 0 : i32
          %dma_start3A_346 = arith.constant 0 : i32
          %dma_start3A_347 = tpu.memref_slice %arg2[%dma_start3A_345, %dma_start3A_346] : memref<10240x128xf32, #tpu.memory_space<hbm>> -> memref<10240x128xf32, #tpu.memory_space<hbm>>
          tpu.enqueue_indirect_dma source(%dma_start3A_347 : memref<10240x128xf32, #tpu.memory_space<hbm>>) target(%arg12 : memref<128x128xf32, #tpu.memory_space<vmem>>) offsets(%arg9 : memref<128xi32, #tpu.memory_space<vmem>>) semaphore(%arg15 : memref<!tpu.dma_semaphore, #tpu.memory_space<semaphore_mem>>)
        } else {
        }
        %add3A_224 = arith.constant 1 : i32
        %add3A_225 = arith.addi %mul3A_95, %add3A_224 : i32
        %get3A_226 = arith.constant 0 : i32
        %get3A_227 = arith.index_cast %add3A_225 : i32 to index
        %get3A_228 = arith.index_cast %get3A_226 : i32 to index
        %get3A_229 = arith.constant 0 : index
        %get3A_230 = tpu.vector_load %arg8[%get3A_227, %get3A_228, %get3A_229] {strides = array<i32>} : memref<20x1x128xi32, #tpu.memory_space<vmem>>, vector<16xi32>,
        %swap3A_231 = arith.constant 0 : index
        %swap3A_232 = tpu.vector_load %arg11[%swap3A_231] {strides = array<i32>} : memref<128xi32, #tpu.memory_space<vmem>>, vector<16xi32>,
        tpu.vector_store %arg11[%swap3A_231], %get3A_230 {strides = array<i32>} : memref<128xi32, #tpu.memory_space<vmem>>, vector<16xi32>,
        %get3A_233 = arith.constant 0 : i32
        %get3A_234 = arith.index_cast %add3A_225 : i32 to index
        %get3A_235 = arith.index_cast %get3A_233 : i32 to index
        %get3A_236 = arith.constant 16 : index
        %get3A_237 = tpu.vector_load %arg8[%get3A_234, %get3A_235, %get3A_236] {strides = array<i32>} : memref<20x1x128xi32, #tpu.memory_space<vmem>>, vector<16xi32>,
        %swap3A_238 = arith.constant 16 : index
        %swap3A_239 = tpu.vector_load %arg11[%swap3A_238] {strides = array<i32>} : memref<128xi32, #tpu.memory_space<vmem>>, vector<16xi32>,
        tpu.vector_store %arg11[%swap3A_238], %get3A_237 {strides = array<i32>} : memref<128xi32, #tpu.memory_space<vmem>>, vector<16xi32>,
        %get3A_240 = arith.constant 0 : i32
        %get3A_241 = arith.index_cast %add3A_225 : i32 to index
        %get3A_242 = arith.index_cast %get3A_240 : i32 to index
        %get3A_243 = arith.constant 32 : index
        %get3A_244 = tpu.vector_load %arg8[%get3A_241, %get3A_242, %get3A_243] {strides = array<i32>} : memref<20x1x128xi32, #tpu.memory_space<vmem>>, vector<16xi32>,
        %swap3A_245 = arith.constant 32 : index
        %swap3A_246 = tpu.vector_load %arg11[%swap3A_245] {strides = array<i32>} : memref<128xi32, #tpu.memory_space<vmem>>, vector<16xi32>,
        tpu.vector_store %arg11[%swap3A_245], %get3A_244 {strides = array<i32>} : memref<128xi32, #tpu.memory_space<vmem>>, vector<16xi32>,
        %get3A_247 = arith.constant 0 : i32
        %get3A_248 = arith.index_cast %add3A_225 : i32 to index
        %get3A_249 = arith.index_cast %get3A_247 : i32 to index
        %get3A_250 = arith.constant 48 : index
        %get3A_251 = tpu.vector_load %arg8[%get3A_248, %get3A_249, %get3A_250] {strides = array<i32>} : memref<20x1x128xi32, #tpu.memory_space<vmem>>, vector<16xi32>,
        %swap3A_252 = arith.constant 48 : index
        %swap3A_253 = tpu.vector_load %arg11[%swap3A_252] {strides = array<i32>} : memref<128xi32, #tpu.memory_space<vmem>>, vector<16xi32>,
        tpu.vector_store %arg11[%swap3A_252], %get3A_251 {strides = array<i32>} : memref<128xi32, #tpu.memory_space<vmem>>, vector<16xi32>,
        %get3A_254 = arith.constant 0 : i32
        %get3A_255 = arith.index_cast %add3A_225 : i32 to index
        %get3A_256 = arith.index_cast %get3A_254 : i32 to index
        %get3A_257 = arith.constant 64 : index
        %get3A_258 = tpu.vector_load %arg8[%get3A_255, %get3A_256, %get3A_257] {strides = array<i32>} : memref<20x1x128xi32, #tpu.memory_space<vmem>>, vector<16xi32>,
        %swap3A_259 = arith.constant 64 : index
        %swap3A_260 = tpu.vector_load %arg11[%swap3A_259] {strides = array<i32>} : memref<128xi32, #tpu.memory_space<vmem>>, vector<16xi32>,
        tpu.vector_store %arg11[%swap3A_259], %get3A_258 {strides = array<i32>} : memref<128xi32, #tpu.memory_space<vmem>>, vector<16xi32>,
        %get3A_261 = arith.constant 0 : i32
        %get3A_262 = arith.index_cast %add3A_225 : i32 to index
        %get3A_263 = arith.index_cast %get3A_261 : i32 to index
        %get3A_264 = arith.constant 80 : index
        %get3A_265 = tpu.vector_load %arg8[%get3A_262, %get3A_263, %get3A_264] {strides = array<i32>} : memref<20x1x128xi32, #tpu.memory_space<vmem>>, vector<16xi32>,
        %swap3A_266 = arith.constant 80 : index
        %swap3A_267 = tpu.vector_load %arg11[%swap3A_266] {strides = array<i32>} : memref<128xi32, #tpu.memory_space<vmem>>, vector<16xi32>,
        tpu.vector_store %arg11[%swap3A_266], %get3A_265 {strides = array<i32>} : memref<128xi32, #tpu.memory_space<vmem>>, vector<16xi32>,
        %get3A_268 = arith.constant 0 : i32
        %get3A_269 = arith.index_cast %add3A_225 : i32 to index
        %get3A_270 = arith.index_cast %get3A_268 : i32 to index
        %get3A_271 = arith.constant 96 : index
        %get3A_272 = tpu.vector_load %arg8[%get3A_269, %get3A_270, %get3A_271] {strides = array<i32>} : memref<20x1x128xi32, #tpu.memory_space<vmem>>, vector<16xi32>,
        %swap3A_273 = arith.constant 96 : index
        %swap3A_274 = tpu.vector_load %arg11[%swap3A_273] {strides = array<i32>} : memref<128xi32, #tpu.memory_space<vmem>>, vector<16xi32>,
        tpu.vector_store %arg11[%swap3A_273], %get3A_272 {strides = array<i32>} : memref<128xi32, #tpu.memory_space<vmem>>, vector<16xi32>,
        %get3A_275 = arith.constant 0 : i32
        %get3A_276 = arith.index_cast %add3A_225 : i32 to index
        %get3A_277 = arith.index_cast %get3A_275 : i32 to index
        %get3A_278 = arith.constant 112 : index
        %get3A_279 = tpu.vector_load %arg8[%get3A_276, %get3A_277, %get3A_278] {strides = array<i32>} : memref<20x1x128xi32, #tpu.memory_space<vmem>>, vector<16xi32>,
        %swap3A_280 = arith.constant 112 : index
        %swap3A_281 = tpu.vector_load %arg11[%swap3A_280] {strides = array<i32>} : memref<128xi32, #tpu.memory_space<vmem>>, vector<16xi32>,
        tpu.vector_store %arg11[%swap3A_280], %get3A_279 {strides = array<i32>} : memref<128xi32, #tpu.memory_space<vmem>>, vector<16xi32>,
        %dma_wait3A_282 = arith.constant 0 : i32
        %dma_wait3A_283 = arith.constant 0 : i32
        %dma_wait3A_284 = tpu.memref_slice %arg2[%dma_wait3A_282, %dma_wait3A_283] : memref<10240x128xf32, #tpu.memory_space<hbm>> -> memref<10240x128xf32, #tpu.memory_space<hbm>>
        tpu.wait_indirect_dma semaphore(%arg16 : memref<!tpu.dma_semaphore, #tpu.memory_space<semaphore_mem>>) src(%dma_wait3A_284 : memref<10240x128xf32, #tpu.memory_space<hbm>>) dst(%arg13 : memref<128x128xf32, #tpu.memory_space<vmem>>)
        "tpu.region"() ({
          %run_scoped3A = tpu.sem_alloc : memref<!tpu.dma_semaphore, #tpu.memory_space<semaphore_mem>>
          %dma_start3A_285 = arith.constant 0 : i32
          %dma_start3A_286 = arith.constant 0 : i32
          %dma_start3A_287 = tpu.memref_slice %arg14[%dma_start3A_285, %dma_start3A_286] : memref<10240x128xf32, #tpu.memory_space<vmem_shared>> -> memref<10240x128xf32, #tpu.memory_space<vmem_shared>>
          tpu.enqueue_indirect_dma source(%arg13 : memref<128x128xf32, #tpu.memory_space<vmem>>) target(%dma_start3A_287 : memref<10240x128xf32, #tpu.memory_space<vmem_shared>>) offsets(%arg11 : memref<128xi32, #tpu.memory_space<vmem>>) semaphore(%run_scoped3A : memref<!tpu.dma_semaphore, #tpu.memory_space<semaphore_mem>>) {add = true}
          %dma_wait3A_288 = arith.constant 0 : i32
          %dma_wait3A_289 = arith.constant 0 : i32
          %dma_wait3A_290 = tpu.memref_slice %arg14[%dma_wait3A_288, %dma_wait3A_289] : memref<10240x128xf32, #tpu.memory_space<vmem_shared>> -> memref<10240x128xf32, #tpu.memory_space<vmem_shared>>
          tpu.wait_indirect_dma semaphore(%run_scoped3A : memref<!tpu.dma_semaphore, #tpu.memory_space<semaphore_mem>>) src(%arg13 : memref<128x128xf32, #tpu.memory_space<vmem>>) dst(%dma_wait3A_290 : memref<10240x128xf32, #tpu.memory_space<vmem_shared>>)
          tpu.yield
        }) : () -> ()
      }
      %scan3A_92 = arith.constant 10 : i32
    }
    %scan3A_11 = arith.constant 4 : i32
    %barrier3A_12 = arith.constant 0 : index
    tpu.barrier barrier_id(%barrier3A_12)
    %mul3A_13 = arith.constant 640 : i32
    %mul3A_14 = arith.muli %arg1, %mul3A_13 : i32
    %mul3A_15 = arith.constant 640 : i32
    %mul3A_16 = arith.muli %arg1, %mul3A_15 : i32
    %add3A_17 = arith.addi %mul3A_4, %mul3A_16 : i32
    %multiple_of3A = tpu.assume_multiple %add3A_17, 8 : i32
    "tpu.region"() ({
      %run_scoped3A = tpu.sem_alloc : memref<!tpu.dma_semaphore, #tpu.memory_space<semaphore_mem>>
      %dma_start3A = arith.constant 0 : i32
      %dma_start3A_19 = tpu.memref_slice %arg6[%multiple_of3A, %dma_start3A] : memref<20480x128xf32, #tpu.memory_space<hbm>> -> memref<640x128xf32, #tpu.memory_space<hbm>>
      %dma_start3A_20 = arith.constant 0 : i32
      %dma_start3A_21 = tpu.memref_slice %arg14[%mul3A_14, %dma_start3A_20] : memref<10240x128xf32, #tpu.memory_space<vmem_shared>> -> memref<640x128xf32, #tpu.memory_space<vmem_shared>>
      tpu.enqueue_dma source(%dma_start3A_21 : memref<640x128xf32, #tpu.memory_space<vmem_shared>>) target(%dma_start3A_19 : memref<640x128xf32, #tpu.memory_space<hbm>>) target_semaphore(%run_scoped3A : memref<!tpu.dma_semaphore, #tpu.memory_space<semaphore_mem>>)
      %dma_wait3A = arith.constant 0 : i32
      %dma_wait3A_22 = tpu.memref_slice %arg6[%multiple_of3A, %dma_wait3A] : memref<20480x128xf32, #tpu.memory_space<hbm>> -> memref<640x128xf32, #tpu.memory_space<hbm>>
      %dma_wait3A_23 = arith.constant 0 : i32
      %dma_wait3A_24 = tpu.memref_slice %arg14[%mul3A_14, %dma_wait3A_23] : memref<10240x128xf32, #tpu.memory_space<vmem_shared>> -> memref<640x128xf32, #tpu.memory_space<vmem_shared>>
      tpu.wait_dma2 semaphore(%run_scoped3A : memref<!tpu.dma_semaphore, #tpu.memory_space<semaphore_mem>>) src(%dma_wait3A_24 : memref<640x128xf32, #tpu.memory_space<vmem_shared>>) dst(%dma_wait3A_22 : memref<640x128xf32, #tpu.memory_space<hbm>>)
      tpu.yield
    }) : () -> ()
    %barrier3A_18 = arith.constant 0 : index
    tpu.barrier barrier_id(%barrier3A_18)
    return
  }
}

#map = affine_map<(d0, d1) -> (0, 0)>
#map1 = affine_map<(d0, d1) -> (0, 0, 0)>
module attributes {stable_mosaic.version = 14 : i64} {
  func.func @prop_kernel(%arg0: i32, %arg1: i32, %arg2: memref<81920x128xf32, #tpu.memory_space<hbm>>, %arg3: memref<2560x1x128xi32, #tpu.memory_space<hbm>>, %arg4: memref<2560x1x128xi32, #tpu.memory_space<hbm>>, %arg5: memref<640x128xf32, #tpu.memory_space<hbm>>, %arg6: memref<81920x128xf32, #tpu.memory_space<hbm>>, %arg7: memref<40x1x128xi32, #tpu.memory_space<vmem>>, %arg8: memref<40x1x128xi32, #tpu.memory_space<vmem>>, %arg9: memref<128xi32, #tpu.memory_space<vmem>>, %arg10: memref<128xi32, #tpu.memory_space<vmem>>, %arg11: memref<128xi32, #tpu.memory_space<vmem>>, %arg12: memref<128x128xf32, #tpu.memory_space<vmem>>, %arg13: memref<128x128xf32, #tpu.memory_space<vmem>>, %arg14: memref<10240x128xf32, #tpu.memory_space<vmem_shared>>, %arg15: memref<!tpu.dma_semaphore, #tpu.memory_space<semaphore_mem>>, %arg16: memref<!tpu.dma_semaphore, #tpu.memory_space<semaphore_mem>>) attributes {dimension_semantics = [#tpu.dimension_semantics<core_parallel>, #tpu.dimension_semantics<subcore_parallel>], iteration_bounds = array<i64: 2, 16>, scalar_prefetch = 0 : i64, scratch_operands = 10 : i64, tpu.core_type = #tpu.core_type<sc_vector_subcore>, window_params = [{transform_indices = #map}, {transform_indices = #map1}, {transform_indices = #map1}, {transform_indices = #map}, {transform_indices = #map}]} {
    %scan3A = arith.constant 0 : i32
    %scan3A_0 = arith.constant 0 : i32
    %scan3A_1 = arith.constant 4 : i32
    %scan3A_2 = arith.addi %scan3A_0, %scan3A_1 : i32
    %scan3A_3 = arith.constant 1 : i32
    scf.for %scan3A_5 = %scan3A_0 to %scan3A_2 step %scan3A_3  : i32 {
      %mul3A = arith.constant 2 : i32
      %mul3A_6 = arith.muli %mul3A, %scan3A_5 : i32
      %add3A = arith.addi %mul3A_6, %arg0 : i32
      %mul3A_7 = arith.constant 160 : i32
      %mul3A_8 = arith.muli %arg1, %mul3A_7 : i32
      %mul3A_9 = arith.constant 10240 : i32
      %mul3A_10 = arith.muli %add3A, %mul3A_9 : i32
      %mul3A_11 = arith.constant 640 : i32
      %mul3A_12 = arith.muli %arg1, %mul3A_11 : i32
      "tpu.region"() ({
        %run_scoped3A = tpu.sem_alloc : memref<!tpu.dma_semaphore, #tpu.memory_space<semaphore_mem>>
        %dma_start3A = arith.constant 0 : i32
        %dma_start3A_26 = tpu.memref_slice %arg14[%mul3A_12, %dma_start3A] : memref<10240x128xf32, #tpu.memory_space<vmem_shared>> -> memref<640x128xf32, #tpu.memory_space<vmem_shared>>
        tpu.enqueue_dma source(%arg5 : memref<640x128xf32, #tpu.memory_space<hbm>>) target(%dma_start3A_26 : memref<640x128xf32, #tpu.memory_space<vmem_shared>>) target_semaphore(%run_scoped3A : memref<!tpu.dma_semaphore, #tpu.memory_space<semaphore_mem>>)
        %dma_wait3A = arith.constant 0 : i32
        %dma_wait3A_27 = tpu.memref_slice %arg14[%mul3A_12, %dma_wait3A] : memref<10240x128xf32, #tpu.memory_space<vmem_shared>> -> memref<640x128xf32, #tpu.memory_space<vmem_shared>>
        tpu.wait_dma2 semaphore(%run_scoped3A : memref<!tpu.dma_semaphore, #tpu.memory_space<semaphore_mem>>) src(%arg5 : memref<640x128xf32, #tpu.memory_space<hbm>>) dst(%dma_wait3A_27 : memref<640x128xf32, #tpu.memory_space<vmem_shared>>)
        tpu.yield
      }) : () -> ()
      %barrier3A = arith.constant 0 : index
      tpu.barrier barrier_id(%barrier3A)
      %scan3A_13 = arith.constant 0 : i32
      %scan3A_14 = arith.constant 0 : i32
      %scan3A_15 = arith.constant 4 : i32
      %scan3A_16 = arith.addi %scan3A_14, %scan3A_15 : i32
      %scan3A_17 = arith.constant 1 : i32
      scf.for %scan3A_26 = %scan3A_14 to %scan3A_16 step %scan3A_17  : i32 {
        %mul3A_27 = arith.constant 40 : i32
        %mul3A_28 = arith.muli %scan3A_26, %mul3A_27 : i32
        %add3A_29 = arith.addi %mul3A_8, %mul3A_28 : i32
        "tpu.region"() ({
          %run_scoped3A = tpu.sem_alloc : memref<!tpu.dma_semaphore, #tpu.memory_space<semaphore_mem>>
          %dma_start3A_132 = arith.constant 0 : i32
          %dma_start3A_133 = arith.constant 0 : i32
          %dma_start3A_134 = tpu.memref_slice %arg3[%add3A_29, %dma_start3A_132, %dma_start3A_133] : memref<2560x1x128xi32, #tpu.memory_space<hbm>> -> memref<40x1x128xi32, #tpu.memory_space<hbm>>
          %dma_start3A_135 = arith.constant 0 : i32
          %dma_start3A_136 = arith.constant 0 : i32
          %dma_start3A_137 = tpu.memref_slice %arg3[%add3A_29, %dma_start3A_135, %dma_start3A_136] : memref<2560x1x128xi32, #tpu.memory_space<hbm>> -> memref<40x1x128xi32, #tpu.memory_space<hbm>>
          tpu.enqueue_dma source(%dma_start3A_137 : memref<40x1x128xi32, #tpu.memory_space<hbm>>) target(%arg7 : memref<40x1x128xi32, #tpu.memory_space<vmem>>) target_semaphore(%run_scoped3A : memref<!tpu.dma_semaphore, #tpu.memory_space<semaphore_mem>>)
          %dma_wait3A = arith.constant 0 : i32
          %dma_wait3A_138 = arith.constant 0 : i32
          %dma_wait3A_139 = tpu.memref_slice %arg3[%add3A_29, %dma_wait3A, %dma_wait3A_138] : memref<2560x1x128xi32, #tpu.memory_space<hbm>> -> memref<40x1x128xi32, #tpu.memory_space<hbm>>
          %dma_wait3A_140 = arith.constant 0 : i32
          %dma_wait3A_141 = arith.constant 0 : i32
          %dma_wait3A_142 = tpu.memref_slice %arg3[%add3A_29, %dma_wait3A_140, %dma_wait3A_141] : memref<2560x1x128xi32, #tpu.memory_space<hbm>> -> memref<40x1x128xi32, #tpu.memory_space<hbm>>
          tpu.wait_dma2 semaphore(%run_scoped3A : memref<!tpu.dma_semaphore, #tpu.memory_space<semaphore_mem>>) src(%dma_wait3A_142 : memref<40x1x128xi32, #tpu.memory_space<hbm>>) dst(%arg7 : memref<40x1x128xi32, #tpu.memory_space<vmem>>)
          tpu.yield
        }) : () -> ()
        "tpu.region"() ({
          %run_scoped3A = tpu.sem_alloc : memref<!tpu.dma_semaphore, #tpu.memory_space<semaphore_mem>>
          %dma_start3A_132 = arith.constant 0 : i32
          %dma_start3A_133 = arith.constant 0 : i32
          %dma_start3A_134 = tpu.memref_slice %arg4[%add3A_29, %dma_start3A_132, %dma_start3A_133] : memref<2560x1x128xi32, #tpu.memory_space<hbm>> -> memref<40x1x128xi32, #tpu.memory_space<hbm>>
          %dma_start3A_135 = arith.constant 0 : i32
          %dma_start3A_136 = arith.constant 0 : i32
          %dma_start3A_137 = tpu.memref_slice %arg4[%add3A_29, %dma_start3A_135, %dma_start3A_136] : memref<2560x1x128xi32, #tpu.memory_space<hbm>> -> memref<40x1x128xi32, #tpu.memory_space<hbm>>
          tpu.enqueue_dma source(%dma_start3A_137 : memref<40x1x128xi32, #tpu.memory_space<hbm>>) target(%arg8 : memref<40x1x128xi32, #tpu.memory_space<vmem>>) target_semaphore(%run_scoped3A : memref<!tpu.dma_semaphore, #tpu.memory_space<semaphore_mem>>)
          %dma_wait3A = arith.constant 0 : i32
          %dma_wait3A_138 = arith.constant 0 : i32
          %dma_wait3A_139 = tpu.memref_slice %arg4[%add3A_29, %dma_wait3A, %dma_wait3A_138] : memref<2560x1x128xi32, #tpu.memory_space<hbm>> -> memref<40x1x128xi32, #tpu.memory_space<hbm>>
          %dma_wait3A_140 = arith.constant 0 : i32
          %dma_wait3A_141 = arith.constant 0 : i32
          %dma_wait3A_142 = tpu.memref_slice %arg4[%add3A_29, %dma_wait3A_140, %dma_wait3A_141] : memref<2560x1x128xi32, #tpu.memory_space<hbm>> -> memref<40x1x128xi32, #tpu.memory_space<hbm>>
          tpu.wait_dma2 semaphore(%run_scoped3A : memref<!tpu.dma_semaphore, #tpu.memory_space<semaphore_mem>>) src(%dma_wait3A_142 : memref<40x1x128xi32, #tpu.memory_space<hbm>>) dst(%arg8 : memref<40x1x128xi32, #tpu.memory_space<vmem>>)
          tpu.yield
        }) : () -> ()
        %get3A = arith.constant 0 : i32
        %get3A_30 = arith.constant 0 : i32
        %get3A_31 = arith.index_cast %get3A : i32 to index
        %get3A_32 = arith.index_cast %get3A_30 : i32 to index
        %get3A_33 = arith.constant 0 : index
        %get3A_34 = tpu.vector_load %arg7[%get3A_31, %get3A_32, %get3A_33] {strides = array<i32>} : memref<40x1x128xi32, #tpu.memory_space<vmem>>, vector<16xi32>,
        %mul3A_35 = arith.constant 10240 : i32
        %mul3A_36 = arith.muli %add3A, %mul3A_35 : i32
        %add3A_37 = vector.broadcast %mul3A_36 : i32 to vector<16xi32>
        %add3A_38 = arith.addi %get3A_34, %add3A_37 : vector<16xi32>
        %swap3A = arith.constant 0 : index
        %swap3A_39 = tpu.vector_load %arg9[%swap3A] {strides = array<i32>} : memref<128xi32, #tpu.memory_space<vmem>>, vector<16xi32>,
        tpu.vector_store %arg9[%swap3A], %add3A_38 {strides = array<i32>} : memref<128xi32, #tpu.memory_space<vmem>>, vector<16xi32>,
        %get3A_40 = arith.constant 0 : i32
        %get3A_41 = arith.constant 0 : i32
        %get3A_42 = arith.index_cast %get3A_40 : i32 to index
        %get3A_43 = arith.index_cast %get3A_41 : i32 to index
        %get3A_44 = arith.constant 16 : index
        %get3A_45 = tpu.vector_load %arg7[%get3A_42, %get3A_43, %get3A_44] {strides = array<i32>} : memref<40x1x128xi32, #tpu.memory_space<vmem>>, vector<16xi32>,
        %mul3A_46 = arith.constant 10240 : i32
        %mul3A_47 = arith.muli %add3A, %mul3A_46 : i32
        %add3A_48 = vector.broadcast %mul3A_47 : i32 to vector<16xi32>
        %add3A_49 = arith.addi %get3A_45, %add3A_48 : vector<16xi32>
        %swap3A_50 = arith.constant 16 : index
        %swap3A_51 = tpu.vector_load %arg9[%swap3A_50] {strides = array<i32>} : memref<128xi32, #tpu.memory_space<vmem>>, vector<16xi32>,
        tpu.vector_store %arg9[%swap3A_50], %add3A_49 {strides = array<i32>} : memref<128xi32, #tpu.memory_space<vmem>>, vector<16xi32>,
        %get3A_52 = arith.constant 0 : i32
        %get3A_53 = arith.constant 0 : i32
        %get3A_54 = arith.index_cast %get3A_52 : i32 to index
        %get3A_55 = arith.index_cast %get3A_53 : i32 to index
        %get3A_56 = arith.constant 32 : index
        %get3A_57 = tpu.vector_load %arg7[%get3A_54, %get3A_55, %get3A_56] {strides = array<i32>} : memref<40x1x128xi32, #tpu.memory_space<vmem>>, vector<16xi32>,
        %mul3A_58 = arith.constant 10240 : i32
        %mul3A_59 = arith.muli %add3A, %mul3A_58 : i32
        %add3A_60 = vector.broadcast %mul3A_59 : i32 to vector<16xi32>
        %add3A_61 = arith.addi %get3A_57, %add3A_60 : vector<16xi32>
        %swap3A_62 = arith.constant 32 : index
        %swap3A_63 = tpu.vector_load %arg9[%swap3A_62] {strides = array<i32>} : memref<128xi32, #tpu.memory_space<vmem>>, vector<16xi32>,
        tpu.vector_store %arg9[%swap3A_62], %add3A_61 {strides = array<i32>} : memref<128xi32, #tpu.memory_space<vmem>>, vector<16xi32>,
        %get3A_64 = arith.constant 0 : i32
        %get3A_65 = arith.constant 0 : i32
        %get3A_66 = arith.index_cast %get3A_64 : i32 to index
        %get3A_67 = arith.index_cast %get3A_65 : i32 to index
        %get3A_68 = arith.constant 48 : index
        %get3A_69 = tpu.vector_load %arg7[%get3A_66, %get3A_67, %get3A_68] {strides = array<i32>} : memref<40x1x128xi32, #tpu.memory_space<vmem>>, vector<16xi32>,
        %mul3A_70 = arith.constant 10240 : i32
        %mul3A_71 = arith.muli %add3A, %mul3A_70 : i32
        %add3A_72 = vector.broadcast %mul3A_71 : i32 to vector<16xi32>
        %add3A_73 = arith.addi %get3A_69, %add3A_72 : vector<16xi32>
        %swap3A_74 = arith.constant 48 : index
        %swap3A_75 = tpu.vector_load %arg9[%swap3A_74] {strides = array<i32>} : memref<128xi32, #tpu.memory_space<vmem>>, vector<16xi32>,
        tpu.vector_store %arg9[%swap3A_74], %add3A_73 {strides = array<i32>} : memref<128xi32, #tpu.memory_space<vmem>>, vector<16xi32>,
        %get3A_76 = arith.constant 0 : i32
        %get3A_77 = arith.constant 0 : i32
        %get3A_78 = arith.index_cast %get3A_76 : i32 to index
        %get3A_79 = arith.index_cast %get3A_77 : i32 to index
        %get3A_80 = arith.constant 64 : index
        %get3A_81 = tpu.vector_load %arg7[%get3A_78, %get3A_79, %get3A_80] {strides = array<i32>} : memref<40x1x128xi32, #tpu.memory_space<vmem>>, vector<16xi32>,
        %mul3A_82 = arith.constant 10240 : i32
        %mul3A_83 = arith.muli %add3A, %mul3A_82 : i32
        %add3A_84 = vector.broadcast %mul3A_83 : i32 to vector<16xi32>
        %add3A_85 = arith.addi %get3A_81, %add3A_84 : vector<16xi32>
        %swap3A_86 = arith.constant 64 : index
        %swap3A_87 = tpu.vector_load %arg9[%swap3A_86] {strides = array<i32>} : memref<128xi32, #tpu.memory_space<vmem>>, vector<16xi32>,
        tpu.vector_store %arg9[%swap3A_86], %add3A_85 {strides = array<i32>} : memref<128xi32, #tpu.memory_space<vmem>>, vector<16xi32>,
        %get3A_88 = arith.constant 0 : i32
        %get3A_89 = arith.constant 0 : i32
        %get3A_90 = arith.index_cast %get3A_88 : i32 to index
        %get3A_91 = arith.index_cast %get3A_89 : i32 to index
        %get3A_92 = arith.constant 80 : index
        %get3A_93 = tpu.vector_load %arg7[%get3A_90, %get3A_91, %get3A_92] {strides = array<i32>} : memref<40x1x128xi32, #tpu.memory_space<vmem>>, vector<16xi32>,
        %mul3A_94 = arith.constant 10240 : i32
        %mul3A_95 = arith.muli %add3A, %mul3A_94 : i32
        %add3A_96 = vector.broadcast %mul3A_95 : i32 to vector<16xi32>
        %add3A_97 = arith.addi %get3A_93, %add3A_96 : vector<16xi32>
        %swap3A_98 = arith.constant 80 : index
        %swap3A_99 = tpu.vector_load %arg9[%swap3A_98] {strides = array<i32>} : memref<128xi32, #tpu.memory_space<vmem>>, vector<16xi32>,
        tpu.vector_store %arg9[%swap3A_98], %add3A_97 {strides = array<i32>} : memref<128xi32, #tpu.memory_space<vmem>>, vector<16xi32>,
        %get3A_100 = arith.constant 0 : i32
        %get3A_101 = arith.constant 0 : i32
        %get3A_102 = arith.index_cast %get3A_100 : i32 to index
        %get3A_103 = arith.index_cast %get3A_101 : i32 to index
        %get3A_104 = arith.constant 96 : index
        %get3A_105 = tpu.vector_load %arg7[%get3A_102, %get3A_103, %get3A_104] {strides = array<i32>} : memref<40x1x128xi32, #tpu.memory_space<vmem>>, vector<16xi32>,
        %mul3A_106 = arith.constant 10240 : i32
        %mul3A_107 = arith.muli %add3A, %mul3A_106 : i32
        %add3A_108 = vector.broadcast %mul3A_107 : i32 to vector<16xi32>
        %add3A_109 = arith.addi %get3A_105, %add3A_108 : vector<16xi32>
        %swap3A_110 = arith.constant 96 : index
        %swap3A_111 = tpu.vector_load %arg9[%swap3A_110] {strides = array<i32>} : memref<128xi32, #tpu.memory_space<vmem>>, vector<16xi32>,
        tpu.vector_store %arg9[%swap3A_110], %add3A_109 {strides = array<i32>} : memref<128xi32, #tpu.memory_space<vmem>>, vector<16xi32>,
        %get3A_112 = arith.constant 0 : i32
        %get3A_113 = arith.constant 0 : i32
        %get3A_114 = arith.index_cast %get3A_112 : i32 to index
        %get3A_115 = arith.index_cast %get3A_113 : i32 to index
        %get3A_116 = arith.constant 112 : index
        %get3A_117 = tpu.vector_load %arg7[%get3A_114, %get3A_115, %get3A_116] {strides = array<i32>} : memref<40x1x128xi32, #tpu.memory_space<vmem>>, vector<16xi32>,
        %mul3A_118 = arith.constant 10240 : i32
        %mul3A_119 = arith.muli %add3A, %mul3A_118 : i32
        %add3A_120 = vector.broadcast %mul3A_119 : i32 to vector<16xi32>
        %add3A_121 = arith.addi %get3A_117, %add3A_120 : vector<16xi32>
        %swap3A_122 = arith.constant 112 : index
        %swap3A_123 = tpu.vector_load %arg9[%swap3A_122] {strides = array<i32>} : memref<128xi32, #tpu.memory_space<vmem>>, vector<16xi32>,
        tpu.vector_store %arg9[%swap3A_122], %add3A_121 {strides = array<i32>} : memref<128xi32, #tpu.memory_space<vmem>>, vector<16xi32>,
        %dma_start3A = arith.constant 0 : i32
        %dma_start3A_124 = arith.constant 0 : i32
        %dma_start3A_125 = tpu.memref_slice %arg2[%dma_start3A, %dma_start3A_124] : memref<81920x128xf32, #tpu.memory_space<hbm>> -> memref<81920x128xf32, #tpu.memory_space<hbm>>
        tpu.enqueue_indirect_dma source(%dma_start3A_125 : memref<81920x128xf32, #tpu.memory_space<hbm>>) target(%arg12 : memref<128x128xf32, #tpu.memory_space<vmem>>) offsets(%arg9 : memref<128xi32, #tpu.memory_space<vmem>>) semaphore(%arg15 : memref<!tpu.dma_semaphore, #tpu.memory_space<semaphore_mem>>)
        %scan3A_126 = arith.constant 0 : i32
        %scan3A_127 = arith.constant 0 : i32
        %scan3A_128 = arith.constant 20 : i32
        %scan3A_129 = arith.addi %scan3A_127, %scan3A_128 : i32
        %scan3A_130 = arith.constant 1 : i32
        scf.for %scan3A_132 = %scan3A_127 to %scan3A_129 step %scan3A_130  : i32 {
          %mul3A_133 = arith.constant 2 : i32
          %mul3A_134 = arith.muli %mul3A_133, %scan3A_132 : i32
          %add3A_135 = arith.constant 2 : i32
          %add3A_136 = arith.addi %mul3A_134, %add3A_135 : i32
          %sub3A = arith.constant 1 : i32
          %sub3A_137 = arith.subi %add3A_136, %sub3A : i32
          %get3A_138 = arith.constant 0 : i32
          %get3A_139 = arith.index_cast %sub3A_137 : i32 to index
          %get3A_140 = arith.index_cast %get3A_138 : i32 to index
          %get3A_141 = arith.constant 0 : index
          %get3A_142 = tpu.vector_load %arg7[%get3A_139, %get3A_140, %get3A_141] {strides = array<i32>} : memref<40x1x128xi32, #tpu.memory_space<vmem>>, vector<16xi32>,
          %mul3A_143 = arith.constant 10240 : i32
          %mul3A_144 = arith.muli %add3A, %mul3A_143 : i32
          %add3A_145 = vector.broadcast %mul3A_144 : i32 to vector<16xi32>
          %add3A_146 = arith.addi %get3A_142, %add3A_145 : vector<16xi32>
          %swap3A_147 = arith.constant 0 : index
          %swap3A_148 = tpu.vector_load %arg10[%swap3A_147] {strides = array<i32>} : memref<128xi32, #tpu.memory_space<vmem>>, vector<16xi32>,
          tpu.vector_store %arg10[%swap3A_147], %add3A_146 {strides = array<i32>} : memref<128xi32, #tpu.memory_space<vmem>>, vector<16xi32>,
          %get3A_149 = arith.constant 0 : i32
          %get3A_150 = arith.index_cast %sub3A_137 : i32 to index
          %get3A_151 = arith.index_cast %get3A_149 : i32 to index
          %get3A_152 = arith.constant 16 : index
          %get3A_153 = tpu.vector_load %arg7[%get3A_150, %get3A_151, %get3A_152] {strides = array<i32>} : memref<40x1x128xi32, #tpu.memory_space<vmem>>, vector<16xi32>,
          %mul3A_154 = arith.constant 10240 : i32
          %mul3A_155 = arith.muli %add3A, %mul3A_154 : i32
          %add3A_156 = vector.broadcast %mul3A_155 : i32 to vector<16xi32>
          %add3A_157 = arith.addi %get3A_153, %add3A_156 : vector<16xi32>
          %swap3A_158 = arith.constant 16 : index
          %swap3A_159 = tpu.vector_load %arg10[%swap3A_158] {strides = array<i32>} : memref<128xi32, #tpu.memory_space<vmem>>, vector<16xi32>,
          tpu.vector_store %arg10[%swap3A_158], %add3A_157 {strides = array<i32>} : memref<128xi32, #tpu.memory_space<vmem>>, vector<16xi32>,
          %get3A_160 = arith.constant 0 : i32
          %get3A_161 = arith.index_cast %sub3A_137 : i32 to index
          %get3A_162 = arith.index_cast %get3A_160 : i32 to index
          %get3A_163 = arith.constant 32 : index
          %get3A_164 = tpu.vector_load %arg7[%get3A_161, %get3A_162, %get3A_163] {strides = array<i32>} : memref<40x1x128xi32, #tpu.memory_space<vmem>>, vector<16xi32>,
          %mul3A_165 = arith.constant 10240 : i32
          %mul3A_166 = arith.muli %add3A, %mul3A_165 : i32
          %add3A_167 = vector.broadcast %mul3A_166 : i32 to vector<16xi32>
          %add3A_168 = arith.addi %get3A_164, %add3A_167 : vector<16xi32>
          %swap3A_169 = arith.constant 32 : index
          %swap3A_170 = tpu.vector_load %arg10[%swap3A_169] {strides = array<i32>} : memref<128xi32, #tpu.memory_space<vmem>>, vector<16xi32>,
          tpu.vector_store %arg10[%swap3A_169], %add3A_168 {strides = array<i32>} : memref<128xi32, #tpu.memory_space<vmem>>, vector<16xi32>,
          %get3A_171 = arith.constant 0 : i32
          %get3A_172 = arith.index_cast %sub3A_137 : i32 to index
          %get3A_173 = arith.index_cast %get3A_171 : i32 to index
          %get3A_174 = arith.constant 48 : index
          %get3A_175 = tpu.vector_load %arg7[%get3A_172, %get3A_173, %get3A_174] {strides = array<i32>} : memref<40x1x128xi32, #tpu.memory_space<vmem>>, vector<16xi32>,
          %mul3A_176 = arith.constant 10240 : i32
          %mul3A_177 = arith.muli %add3A, %mul3A_176 : i32
          %add3A_178 = vector.broadcast %mul3A_177 : i32 to vector<16xi32>
          %add3A_179 = arith.addi %get3A_175, %add3A_178 : vector<16xi32>
          %swap3A_180 = arith.constant 48 : index
          %swap3A_181 = tpu.vector_load %arg10[%swap3A_180] {strides = array<i32>} : memref<128xi32, #tpu.memory_space<vmem>>, vector<16xi32>,
          tpu.vector_store %arg10[%swap3A_180], %add3A_179 {strides = array<i32>} : memref<128xi32, #tpu.memory_space<vmem>>, vector<16xi32>,
          %get3A_182 = arith.constant 0 : i32
          %get3A_183 = arith.index_cast %sub3A_137 : i32 to index
          %get3A_184 = arith.index_cast %get3A_182 : i32 to index
          %get3A_185 = arith.constant 64 : index
          %get3A_186 = tpu.vector_load %arg7[%get3A_183, %get3A_184, %get3A_185] {strides = array<i32>} : memref<40x1x128xi32, #tpu.memory_space<vmem>>, vector<16xi32>,
          %mul3A_187 = arith.constant 10240 : i32
          %mul3A_188 = arith.muli %add3A, %mul3A_187 : i32
          %add3A_189 = vector.broadcast %mul3A_188 : i32 to vector<16xi32>
          %add3A_190 = arith.addi %get3A_186, %add3A_189 : vector<16xi32>
          %swap3A_191 = arith.constant 64 : index
          %swap3A_192 = tpu.vector_load %arg10[%swap3A_191] {strides = array<i32>} : memref<128xi32, #tpu.memory_space<vmem>>, vector<16xi32>,
          tpu.vector_store %arg10[%swap3A_191], %add3A_190 {strides = array<i32>} : memref<128xi32, #tpu.memory_space<vmem>>, vector<16xi32>,
          %get3A_193 = arith.constant 0 : i32
          %get3A_194 = arith.index_cast %sub3A_137 : i32 to index
          %get3A_195 = arith.index_cast %get3A_193 : i32 to index
          %get3A_196 = arith.constant 80 : index
          %get3A_197 = tpu.vector_load %arg7[%get3A_194, %get3A_195, %get3A_196] {strides = array<i32>} : memref<40x1x128xi32, #tpu.memory_space<vmem>>, vector<16xi32>,
          %mul3A_198 = arith.constant 10240 : i32
          %mul3A_199 = arith.muli %add3A, %mul3A_198 : i32
          %add3A_200 = vector.broadcast %mul3A_199 : i32 to vector<16xi32>
          %add3A_201 = arith.addi %get3A_197, %add3A_200 : vector<16xi32>
          %swap3A_202 = arith.constant 80 : index
          %swap3A_203 = tpu.vector_load %arg10[%swap3A_202] {strides = array<i32>} : memref<128xi32, #tpu.memory_space<vmem>>, vector<16xi32>,
          tpu.vector_store %arg10[%swap3A_202], %add3A_201 {strides = array<i32>} : memref<128xi32, #tpu.memory_space<vmem>>, vector<16xi32>,
          %get3A_204 = arith.constant 0 : i32
          %get3A_205 = arith.index_cast %sub3A_137 : i32 to index
          %get3A_206 = arith.index_cast %get3A_204 : i32 to index
          %get3A_207 = arith.constant 96 : index
          %get3A_208 = tpu.vector_load %arg7[%get3A_205, %get3A_206, %get3A_207] {strides = array<i32>} : memref<40x1x128xi32, #tpu.memory_space<vmem>>, vector<16xi32>,
          %mul3A_209 = arith.constant 10240 : i32
          %mul3A_210 = arith.muli %add3A, %mul3A_209 : i32
          %add3A_211 = vector.broadcast %mul3A_210 : i32 to vector<16xi32>
          %add3A_212 = arith.addi %get3A_208, %add3A_211 : vector<16xi32>
          %swap3A_213 = arith.constant 96 : index
          %swap3A_214 = tpu.vector_load %arg10[%swap3A_213] {strides = array<i32>} : memref<128xi32, #tpu.memory_space<vmem>>, vector<16xi32>,
          tpu.vector_store %arg10[%swap3A_213], %add3A_212 {strides = array<i32>} : memref<128xi32, #tpu.memory_space<vmem>>, vector<16xi32>,
          %get3A_215 = arith.constant 0 : i32
          %get3A_216 = arith.index_cast %sub3A_137 : i32 to index
          %get3A_217 = arith.index_cast %get3A_215 : i32 to index
          %get3A_218 = arith.constant 112 : index
          %get3A_219 = tpu.vector_load %arg7[%get3A_216, %get3A_217, %get3A_218] {strides = array<i32>} : memref<40x1x128xi32, #tpu.memory_space<vmem>>, vector<16xi32>,
          %mul3A_220 = arith.constant 10240 : i32
          %mul3A_221 = arith.muli %add3A, %mul3A_220 : i32
          %add3A_222 = vector.broadcast %mul3A_221 : i32 to vector<16xi32>
          %add3A_223 = arith.addi %get3A_219, %add3A_222 : vector<16xi32>
          %swap3A_224 = arith.constant 112 : index
          %swap3A_225 = tpu.vector_load %arg10[%swap3A_224] {strides = array<i32>} : memref<128xi32, #tpu.memory_space<vmem>>, vector<16xi32>,
          tpu.vector_store %arg10[%swap3A_224], %add3A_223 {strides = array<i32>} : memref<128xi32, #tpu.memory_space<vmem>>, vector<16xi32>,
          %dma_start3A_226 = arith.constant 0 : i32
          %dma_start3A_227 = arith.constant 0 : i32
          %dma_start3A_228 = tpu.memref_slice %arg2[%dma_start3A_226, %dma_start3A_227] : memref<81920x128xf32, #tpu.memory_space<hbm>> -> memref<81920x128xf32, #tpu.memory_space<hbm>>
          tpu.enqueue_indirect_dma source(%dma_start3A_228 : memref<81920x128xf32, #tpu.memory_space<hbm>>) target(%arg13 : memref<128x128xf32, #tpu.memory_space<vmem>>) offsets(%arg10 : memref<128xi32, #tpu.memory_space<vmem>>) semaphore(%arg16 : memref<!tpu.dma_semaphore, #tpu.memory_space<semaphore_mem>>)
          %add3A_229 = arith.constant 0 : i32
          %add3A_230 = arith.addi %mul3A_134, %add3A_229 : i32
          %get3A_231 = arith.constant 0 : i32
          %get3A_232 = arith.index_cast %add3A_230 : i32 to index
          %get3A_233 = arith.index_cast %get3A_231 : i32 to index
          %get3A_234 = arith.constant 0 : index
          %get3A_235 = tpu.vector_load %arg8[%get3A_232, %get3A_233, %get3A_234] {strides = array<i32>} : memref<40x1x128xi32, #tpu.memory_space<vmem>>, vector<16xi32>,
          %swap3A_236 = arith.constant 0 : index
          %swap3A_237 = tpu.vector_load %arg11[%swap3A_236] {strides = array<i32>} : memref<128xi32, #tpu.memory_space<vmem>>, vector<16xi32>,
          tpu.vector_store %arg11[%swap3A_236], %get3A_235 {strides = array<i32>} : memref<128xi32, #tpu.memory_space<vmem>>, vector<16xi32>,
          %get3A_238 = arith.constant 0 : i32
          %get3A_239 = arith.index_cast %add3A_230 : i32 to index
          %get3A_240 = arith.index_cast %get3A_238 : i32 to index
          %get3A_241 = arith.constant 16 : index
          %get3A_242 = tpu.vector_load %arg8[%get3A_239, %get3A_240, %get3A_241] {strides = array<i32>} : memref<40x1x128xi32, #tpu.memory_space<vmem>>, vector<16xi32>,
          %swap3A_243 = arith.constant 16 : index
          %swap3A_244 = tpu.vector_load %arg11[%swap3A_243] {strides = array<i32>} : memref<128xi32, #tpu.memory_space<vmem>>, vector<16xi32>,
          tpu.vector_store %arg11[%swap3A_243], %get3A_242 {strides = array<i32>} : memref<128xi32, #tpu.memory_space<vmem>>, vector<16xi32>,
          %get3A_245 = arith.constant 0 : i32
          %get3A_246 = arith.index_cast %add3A_230 : i32 to index
          %get3A_247 = arith.index_cast %get3A_245 : i32 to index
          %get3A_248 = arith.constant 32 : index
          %get3A_249 = tpu.vector_load %arg8[%get3A_246, %get3A_247, %get3A_248] {strides = array<i32>} : memref<40x1x128xi32, #tpu.memory_space<vmem>>, vector<16xi32>,
          %swap3A_250 = arith.constant 32 : index
          %swap3A_251 = tpu.vector_load %arg11[%swap3A_250] {strides = array<i32>} : memref<128xi32, #tpu.memory_space<vmem>>, vector<16xi32>,
          tpu.vector_store %arg11[%swap3A_250], %get3A_249 {strides = array<i32>} : memref<128xi32, #tpu.memory_space<vmem>>, vector<16xi32>,
          %get3A_252 = arith.constant 0 : i32
          %get3A_253 = arith.index_cast %add3A_230 : i32 to index
          %get3A_254 = arith.index_cast %get3A_252 : i32 to index
          %get3A_255 = arith.constant 48 : index
          %get3A_256 = tpu.vector_load %arg8[%get3A_253, %get3A_254, %get3A_255] {strides = array<i32>} : memref<40x1x128xi32, #tpu.memory_space<vmem>>, vector<16xi32>,
          %swap3A_257 = arith.constant 48 : index
          %swap3A_258 = tpu.vector_load %arg11[%swap3A_257] {strides = array<i32>} : memref<128xi32, #tpu.memory_space<vmem>>, vector<16xi32>,
          tpu.vector_store %arg11[%swap3A_257], %get3A_256 {strides = array<i32>} : memref<128xi32, #tpu.memory_space<vmem>>, vector<16xi32>,
          %get3A_259 = arith.constant 0 : i32
          %get3A_260 = arith.index_cast %add3A_230 : i32 to index
          %get3A_261 = arith.index_cast %get3A_259 : i32 to index
          %get3A_262 = arith.constant 64 : index
          %get3A_263 = tpu.vector_load %arg8[%get3A_260, %get3A_261, %get3A_262] {strides = array<i32>} : memref<40x1x128xi32, #tpu.memory_space<vmem>>, vector<16xi32>,
          %swap3A_264 = arith.constant 64 : index
          %swap3A_265 = tpu.vector_load %arg11[%swap3A_264] {strides = array<i32>} : memref<128xi32, #tpu.memory_space<vmem>>, vector<16xi32>,
          tpu.vector_store %arg11[%swap3A_264], %get3A_263 {strides = array<i32>} : memref<128xi32, #tpu.memory_space<vmem>>, vector<16xi32>,
          %get3A_266 = arith.constant 0 : i32
          %get3A_267 = arith.index_cast %add3A_230 : i32 to index
          %get3A_268 = arith.index_cast %get3A_266 : i32 to index
          %get3A_269 = arith.constant 80 : index
          %get3A_270 = tpu.vector_load %arg8[%get3A_267, %get3A_268, %get3A_269] {strides = array<i32>} : memref<40x1x128xi32, #tpu.memory_space<vmem>>, vector<16xi32>,
          %swap3A_271 = arith.constant 80 : index
          %swap3A_272 = tpu.vector_load %arg11[%swap3A_271] {strides = array<i32>} : memref<128xi32, #tpu.memory_space<vmem>>, vector<16xi32>,
          tpu.vector_store %arg11[%swap3A_271], %get3A_270 {strides = array<i32>} : memref<128xi32, #tpu.memory_space<vmem>>, vector<16xi32>,
          %get3A_273 = arith.constant 0 : i32
          %get3A_274 = arith.index_cast %add3A_230 : i32 to index
          %get3A_275 = arith.index_cast %get3A_273 : i32 to index
          %get3A_276 = arith.constant 96 : index
          %get3A_277 = tpu.vector_load %arg8[%get3A_274, %get3A_275, %get3A_276] {strides = array<i32>} : memref<40x1x128xi32, #tpu.memory_space<vmem>>, vector<16xi32>,
          %swap3A_278 = arith.constant 96 : index
          %swap3A_279 = tpu.vector_load %arg11[%swap3A_278] {strides = array<i32>} : memref<128xi32, #tpu.memory_space<vmem>>, vector<16xi32>,
          tpu.vector_store %arg11[%swap3A_278], %get3A_277 {strides = array<i32>} : memref<128xi32, #tpu.memory_space<vmem>>, vector<16xi32>,
          %get3A_280 = arith.constant 0 : i32
          %get3A_281 = arith.index_cast %add3A_230 : i32 to index
          %get3A_282 = arith.index_cast %get3A_280 : i32 to index
          %get3A_283 = arith.constant 112 : index
          %get3A_284 = tpu.vector_load %arg8[%get3A_281, %get3A_282, %get3A_283] {strides = array<i32>} : memref<40x1x128xi32, #tpu.memory_space<vmem>>, vector<16xi32>,
          %swap3A_285 = arith.constant 112 : index
          %swap3A_286 = tpu.vector_load %arg11[%swap3A_285] {strides = array<i32>} : memref<128xi32, #tpu.memory_space<vmem>>, vector<16xi32>,
          tpu.vector_store %arg11[%swap3A_285], %get3A_284 {strides = array<i32>} : memref<128xi32, #tpu.memory_space<vmem>>, vector<16xi32>,
          %dma_wait3A = arith.constant 0 : i32
          %dma_wait3A_287 = arith.constant 0 : i32
          %dma_wait3A_288 = tpu.memref_slice %arg2[%dma_wait3A, %dma_wait3A_287] : memref<81920x128xf32, #tpu.memory_space<hbm>> -> memref<81920x128xf32, #tpu.memory_space<hbm>>
          tpu.wait_indirect_dma semaphore(%arg15 : memref<!tpu.dma_semaphore, #tpu.memory_space<semaphore_mem>>) src(%dma_wait3A_288 : memref<81920x128xf32, #tpu.memory_space<hbm>>) dst(%arg12 : memref<128x128xf32, #tpu.memory_space<vmem>>)
          "tpu.region"() ({
            %run_scoped3A = tpu.sem_alloc : memref<!tpu.dma_semaphore, #tpu.memory_space<semaphore_mem>>
            %dma_start3A_356 = arith.constant 0 : i32
            %dma_start3A_357 = arith.constant 0 : i32
            %dma_start3A_358 = tpu.memref_slice %arg14[%dma_start3A_356, %dma_start3A_357] : memref<10240x128xf32, #tpu.memory_space<vmem_shared>> -> memref<10240x128xf32, #tpu.memory_space<vmem_shared>>
            tpu.enqueue_indirect_dma source(%arg12 : memref<128x128xf32, #tpu.memory_space<vmem>>) target(%dma_start3A_358 : memref<10240x128xf32, #tpu.memory_space<vmem_shared>>) offsets(%arg11 : memref<128xi32, #tpu.memory_space<vmem>>) semaphore(%run_scoped3A : memref<!tpu.dma_semaphore, #tpu.memory_space<semaphore_mem>>) {add = true}
            %dma_wait3A_359 = arith.constant 0 : i32
            %dma_wait3A_360 = arith.constant 0 : i32
            %dma_wait3A_361 = tpu.memref_slice %arg14[%dma_wait3A_359, %dma_wait3A_360] : memref<10240x128xf32, #tpu.memory_space<vmem_shared>> -> memref<10240x128xf32, #tpu.memory_space<vmem_shared>>
            tpu.wait_indirect_dma semaphore(%run_scoped3A : memref<!tpu.dma_semaphore, #tpu.memory_space<semaphore_mem>>) src(%arg12 : memref<128x128xf32, #tpu.memory_space<vmem>>) dst(%dma_wait3A_361 : memref<10240x128xf32, #tpu.memory_space<vmem_shared>>)
            tpu.yield
          }) : () -> ()
          %add3A_289 = arith.constant 2 : i32
          %add3A_290 = arith.addi %mul3A_134, %add3A_289 : i32
          %add3A_291 = arith.constant 0 : i32
          %add3A_292 = arith.addi %add3A_290, %add3A_291 : i32
          %lt3A = arith.constant 40 : i32
          %lt3A_293 = arith.cmpi slt, %add3A_292, %lt3A : i32
          %convert_element_type3A = arith.extui %lt3A_293 : i1 to i32
          %cond3A = arith.constant 0 : i32
          %cond3A_294 = arith.cmpi ne, %convert_element_type3A, %cond3A : i32
          scf.if %cond3A_294 {
            %add3A_356 = arith.constant 2 : i32
            %add3A_357 = arith.addi %mul3A_134, %add3A_356 : i32
            %add3A_358 = arith.constant 0 : i32
            %add3A_359 = arith.addi %add3A_357, %add3A_358 : i32
            %get3A_360 = arith.constant 0 : i32
            %get3A_361 = arith.index_cast %add3A_359 : i32 to index
            %get3A_362 = arith.index_cast %get3A_360 : i32 to index
            %get3A_363 = arith.constant 0 : index
            %get3A_364 = tpu.vector_load %arg7[%get3A_361, %get3A_362, %get3A_363] {strides = array<i32>} : memref<40x1x128xi32, #tpu.memory_space<vmem>>, vector<16xi32>,
            %mul3A_365 = arith.constant 10240 : i32
            %mul3A_366 = arith.muli %add3A, %mul3A_365 : i32
            %add3A_367 = vector.broadcast %mul3A_366 : i32 to vector<16xi32>
            %add3A_368 = arith.addi %get3A_364, %add3A_367 : vector<16xi32>
            %swap3A_369 = arith.constant 0 : index
            %swap3A_370 = tpu.vector_load %arg9[%swap3A_369] {strides = array<i32>} : memref<128xi32, #tpu.memory_space<vmem>>, vector<16xi32>,
            tpu.vector_store %arg9[%swap3A_369], %add3A_368 {strides = array<i32>} : memref<128xi32, #tpu.memory_space<vmem>>, vector<16xi32>,
            %get3A_371 = arith.constant 0 : i32
            %get3A_372 = arith.index_cast %add3A_359 : i32 to index
            %get3A_373 = arith.index_cast %get3A_371 : i32 to index
            %get3A_374 = arith.constant 16 : index
            %get3A_375 = tpu.vector_load %arg7[%get3A_372, %get3A_373, %get3A_374] {strides = array<i32>} : memref<40x1x128xi32, #tpu.memory_space<vmem>>, vector<16xi32>,
            %mul3A_376 = arith.constant 10240 : i32
            %mul3A_377 = arith.muli %add3A, %mul3A_376 : i32
            %add3A_378 = vector.broadcast %mul3A_377 : i32 to vector<16xi32>
            %add3A_379 = arith.addi %get3A_375, %add3A_378 : vector<16xi32>
            %swap3A_380 = arith.constant 16 : index
            %swap3A_381 = tpu.vector_load %arg9[%swap3A_380] {strides = array<i32>} : memref<128xi32, #tpu.memory_space<vmem>>, vector<16xi32>,
            tpu.vector_store %arg9[%swap3A_380], %add3A_379 {strides = array<i32>} : memref<128xi32, #tpu.memory_space<vmem>>, vector<16xi32>,
            %get3A_382 = arith.constant 0 : i32
            %get3A_383 = arith.index_cast %add3A_359 : i32 to index
            %get3A_384 = arith.index_cast %get3A_382 : i32 to index
            %get3A_385 = arith.constant 32 : index
            %get3A_386 = tpu.vector_load %arg7[%get3A_383, %get3A_384, %get3A_385] {strides = array<i32>} : memref<40x1x128xi32, #tpu.memory_space<vmem>>, vector<16xi32>,
            %mul3A_387 = arith.constant 10240 : i32
            %mul3A_388 = arith.muli %add3A, %mul3A_387 : i32
            %add3A_389 = vector.broadcast %mul3A_388 : i32 to vector<16xi32>
            %add3A_390 = arith.addi %get3A_386, %add3A_389 : vector<16xi32>
            %swap3A_391 = arith.constant 32 : index
            %swap3A_392 = tpu.vector_load %arg9[%swap3A_391] {strides = array<i32>} : memref<128xi32, #tpu.memory_space<vmem>>, vector<16xi32>,
            tpu.vector_store %arg9[%swap3A_391], %add3A_390 {strides = array<i32>} : memref<128xi32, #tpu.memory_space<vmem>>, vector<16xi32>,
            %get3A_393 = arith.constant 0 : i32
            %get3A_394 = arith.index_cast %add3A_359 : i32 to index
            %get3A_395 = arith.index_cast %get3A_393 : i32 to index
            %get3A_396 = arith.constant 48 : index
            %get3A_397 = tpu.vector_load %arg7[%get3A_394, %get3A_395, %get3A_396] {strides = array<i32>} : memref<40x1x128xi32, #tpu.memory_space<vmem>>, vector<16xi32>,
            %mul3A_398 = arith.constant 10240 : i32
            %mul3A_399 = arith.muli %add3A, %mul3A_398 : i32
            %add3A_400 = vector.broadcast %mul3A_399 : i32 to vector<16xi32>
            %add3A_401 = arith.addi %get3A_397, %add3A_400 : vector<16xi32>
            %swap3A_402 = arith.constant 48 : index
            %swap3A_403 = tpu.vector_load %arg9[%swap3A_402] {strides = array<i32>} : memref<128xi32, #tpu.memory_space<vmem>>, vector<16xi32>,
            tpu.vector_store %arg9[%swap3A_402], %add3A_401 {strides = array<i32>} : memref<128xi32, #tpu.memory_space<vmem>>, vector<16xi32>,
            %get3A_404 = arith.constant 0 : i32
            %get3A_405 = arith.index_cast %add3A_359 : i32 to index
            %get3A_406 = arith.index_cast %get3A_404 : i32 to index
            %get3A_407 = arith.constant 64 : index
            %get3A_408 = tpu.vector_load %arg7[%get3A_405, %get3A_406, %get3A_407] {strides = array<i32>} : memref<40x1x128xi32, #tpu.memory_space<vmem>>, vector<16xi32>,
            %mul3A_409 = arith.constant 10240 : i32
            %mul3A_410 = arith.muli %add3A, %mul3A_409 : i32
            %add3A_411 = vector.broadcast %mul3A_410 : i32 to vector<16xi32>
            %add3A_412 = arith.addi %get3A_408, %add3A_411 : vector<16xi32>
            %swap3A_413 = arith.constant 64 : index
            %swap3A_414 = tpu.vector_load %arg9[%swap3A_413] {strides = array<i32>} : memref<128xi32, #tpu.memory_space<vmem>>, vector<16xi32>,
            tpu.vector_store %arg9[%swap3A_413], %add3A_412 {strides = array<i32>} : memref<128xi32, #tpu.memory_space<vmem>>, vector<16xi32>,
            %get3A_415 = arith.constant 0 : i32
            %get3A_416 = arith.index_cast %add3A_359 : i32 to index
            %get3A_417 = arith.index_cast %get3A_415 : i32 to index
            %get3A_418 = arith.constant 80 : index
            %get3A_419 = tpu.vector_load %arg7[%get3A_416, %get3A_417, %get3A_418] {strides = array<i32>} : memref<40x1x128xi32, #tpu.memory_space<vmem>>, vector<16xi32>,
            %mul3A_420 = arith.constant 10240 : i32
            %mul3A_421 = arith.muli %add3A, %mul3A_420 : i32
            %add3A_422 = vector.broadcast %mul3A_421 : i32 to vector<16xi32>
            %add3A_423 = arith.addi %get3A_419, %add3A_422 : vector<16xi32>
            %swap3A_424 = arith.constant 80 : index
            %swap3A_425 = tpu.vector_load %arg9[%swap3A_424] {strides = array<i32>} : memref<128xi32, #tpu.memory_space<vmem>>, vector<16xi32>,
            tpu.vector_store %arg9[%swap3A_424], %add3A_423 {strides = array<i32>} : memref<128xi32, #tpu.memory_space<vmem>>, vector<16xi32>,
            %get3A_426 = arith.constant 0 : i32
            %get3A_427 = arith.index_cast %add3A_359 : i32 to index
            %get3A_428 = arith.index_cast %get3A_426 : i32 to index
            %get3A_429 = arith.constant 96 : index
            %get3A_430 = tpu.vector_load %arg7[%get3A_427, %get3A_428, %get3A_429] {strides = array<i32>} : memref<40x1x128xi32, #tpu.memory_space<vmem>>, vector<16xi32>,
            %mul3A_431 = arith.constant 10240 : i32
            %mul3A_432 = arith.muli %add3A, %mul3A_431 : i32
            %add3A_433 = vector.broadcast %mul3A_432 : i32 to vector<16xi32>
            %add3A_434 = arith.addi %get3A_430, %add3A_433 : vector<16xi32>
            %swap3A_435 = arith.constant 96 : index
            %swap3A_436 = tpu.vector_load %arg9[%swap3A_435] {strides = array<i32>} : memref<128xi32, #tpu.memory_space<vmem>>, vector<16xi32>,
            tpu.vector_store %arg9[%swap3A_435], %add3A_434 {strides = array<i32>} : memref<128xi32, #tpu.memory_space<vmem>>, vector<16xi32>,
            %get3A_437 = arith.constant 0 : i32
            %get3A_438 = arith.index_cast %add3A_359 : i32 to index
            %get3A_439 = arith.index_cast %get3A_437 : i32 to index
            %get3A_440 = arith.constant 112 : index
            %get3A_441 = tpu.vector_load %arg7[%get3A_438, %get3A_439, %get3A_440] {strides = array<i32>} : memref<40x1x128xi32, #tpu.memory_space<vmem>>, vector<16xi32>,
            %mul3A_442 = arith.constant 10240 : i32
            %mul3A_443 = arith.muli %add3A, %mul3A_442 : i32
            %add3A_444 = vector.broadcast %mul3A_443 : i32 to vector<16xi32>
            %add3A_445 = arith.addi %get3A_441, %add3A_444 : vector<16xi32>
            %swap3A_446 = arith.constant 112 : index
            %swap3A_447 = tpu.vector_load %arg9[%swap3A_446] {strides = array<i32>} : memref<128xi32, #tpu.memory_space<vmem>>, vector<16xi32>,
            tpu.vector_store %arg9[%swap3A_446], %add3A_445 {strides = array<i32>} : memref<128xi32, #tpu.memory_space<vmem>>, vector<16xi32>,
            %dma_start3A_448 = arith.constant 0 : i32
            %dma_start3A_449 = arith.constant 0 : i32
            %dma_start3A_450 = tpu.memref_slice %arg2[%dma_start3A_448, %dma_start3A_449] : memref<81920x128xf32, #tpu.memory_space<hbm>> -> memref<81920x128xf32, #tpu.memory_space<hbm>>
            tpu.enqueue_indirect_dma source(%dma_start3A_450 : memref<81920x128xf32, #tpu.memory_space<hbm>>) target(%arg12 : memref<128x128xf32, #tpu.memory_space<vmem>>) offsets(%arg9 : memref<128xi32, #tpu.memory_space<vmem>>) semaphore(%arg15 : memref<!tpu.dma_semaphore, #tpu.memory_space<semaphore_mem>>)
          } else {
          }
          %add3A_295 = arith.constant 1 : i32
          %add3A_296 = arith.addi %mul3A_134, %add3A_295 : i32
          %get3A_297 = arith.constant 0 : i32
          %get3A_298 = arith.index_cast %add3A_296 : i32 to index
          %get3A_299 = arith.index_cast %get3A_297 : i32 to index
          %get3A_300 = arith.constant 0 : index
          %get3A_301 = tpu.vector_load %arg8[%get3A_298, %get3A_299, %get3A_300] {strides = array<i32>} : memref<40x1x128xi32, #tpu.memory_space<vmem>>, vector<16xi32>,
          %swap3A_302 = arith.constant 0 : index
          %swap3A_303 = tpu.vector_load %arg11[%swap3A_302] {strides = array<i32>} : memref<128xi32, #tpu.memory_space<vmem>>, vector<16xi32>,
          tpu.vector_store %arg11[%swap3A_302], %get3A_301 {strides = array<i32>} : memref<128xi32, #tpu.memory_space<vmem>>, vector<16xi32>,
          %get3A_304 = arith.constant 0 : i32
          %get3A_305 = arith.index_cast %add3A_296 : i32 to index
          %get3A_306 = arith.index_cast %get3A_304 : i32 to index
          %get3A_307 = arith.constant 16 : index
          %get3A_308 = tpu.vector_load %arg8[%get3A_305, %get3A_306, %get3A_307] {strides = array<i32>} : memref<40x1x128xi32, #tpu.memory_space<vmem>>, vector<16xi32>,
          %swap3A_309 = arith.constant 16 : index
          %swap3A_310 = tpu.vector_load %arg11[%swap3A_309] {strides = array<i32>} : memref<128xi32, #tpu.memory_space<vmem>>, vector<16xi32>,
          tpu.vector_store %arg11[%swap3A_309], %get3A_308 {strides = array<i32>} : memref<128xi32, #tpu.memory_space<vmem>>, vector<16xi32>,
          %get3A_311 = arith.constant 0 : i32
          %get3A_312 = arith.index_cast %add3A_296 : i32 to index
          %get3A_313 = arith.index_cast %get3A_311 : i32 to index
          %get3A_314 = arith.constant 32 : index
          %get3A_315 = tpu.vector_load %arg8[%get3A_312, %get3A_313, %get3A_314] {strides = array<i32>} : memref<40x1x128xi32, #tpu.memory_space<vmem>>, vector<16xi32>,
          %swap3A_316 = arith.constant 32 : index
          %swap3A_317 = tpu.vector_load %arg11[%swap3A_316] {strides = array<i32>} : memref<128xi32, #tpu.memory_space<vmem>>, vector<16xi32>,
          tpu.vector_store %arg11[%swap3A_316], %get3A_315 {strides = array<i32>} : memref<128xi32, #tpu.memory_space<vmem>>, vector<16xi32>,
          %get3A_318 = arith.constant 0 : i32
          %get3A_319 = arith.index_cast %add3A_296 : i32 to index
          %get3A_320 = arith.index_cast %get3A_318 : i32 to index
          %get3A_321 = arith.constant 48 : index
          %get3A_322 = tpu.vector_load %arg8[%get3A_319, %get3A_320, %get3A_321] {strides = array<i32>} : memref<40x1x128xi32, #tpu.memory_space<vmem>>, vector<16xi32>,
          %swap3A_323 = arith.constant 48 : index
          %swap3A_324 = tpu.vector_load %arg11[%swap3A_323] {strides = array<i32>} : memref<128xi32, #tpu.memory_space<vmem>>, vector<16xi32>,
          tpu.vector_store %arg11[%swap3A_323], %get3A_322 {strides = array<i32>} : memref<128xi32, #tpu.memory_space<vmem>>, vector<16xi32>,
          %get3A_325 = arith.constant 0 : i32
          %get3A_326 = arith.index_cast %add3A_296 : i32 to index
          %get3A_327 = arith.index_cast %get3A_325 : i32 to index
          %get3A_328 = arith.constant 64 : index
          %get3A_329 = tpu.vector_load %arg8[%get3A_326, %get3A_327, %get3A_328] {strides = array<i32>} : memref<40x1x128xi32, #tpu.memory_space<vmem>>, vector<16xi32>,
          %swap3A_330 = arith.constant 64 : index
          %swap3A_331 = tpu.vector_load %arg11[%swap3A_330] {strides = array<i32>} : memref<128xi32, #tpu.memory_space<vmem>>, vector<16xi32>,
          tpu.vector_store %arg11[%swap3A_330], %get3A_329 {strides = array<i32>} : memref<128xi32, #tpu.memory_space<vmem>>, vector<16xi32>,
          %get3A_332 = arith.constant 0 : i32
          %get3A_333 = arith.index_cast %add3A_296 : i32 to index
          %get3A_334 = arith.index_cast %get3A_332 : i32 to index
          %get3A_335 = arith.constant 80 : index
          %get3A_336 = tpu.vector_load %arg8[%get3A_333, %get3A_334, %get3A_335] {strides = array<i32>} : memref<40x1x128xi32, #tpu.memory_space<vmem>>, vector<16xi32>,
          %swap3A_337 = arith.constant 80 : index
          %swap3A_338 = tpu.vector_load %arg11[%swap3A_337] {strides = array<i32>} : memref<128xi32, #tpu.memory_space<vmem>>, vector<16xi32>,
          tpu.vector_store %arg11[%swap3A_337], %get3A_336 {strides = array<i32>} : memref<128xi32, #tpu.memory_space<vmem>>, vector<16xi32>,
          %get3A_339 = arith.constant 0 : i32
          %get3A_340 = arith.index_cast %add3A_296 : i32 to index
          %get3A_341 = arith.index_cast %get3A_339 : i32 to index
          %get3A_342 = arith.constant 96 : index
          %get3A_343 = tpu.vector_load %arg8[%get3A_340, %get3A_341, %get3A_342] {strides = array<i32>} : memref<40x1x128xi32, #tpu.memory_space<vmem>>, vector<16xi32>,
          %swap3A_344 = arith.constant 96 : index
          %swap3A_345 = tpu.vector_load %arg11[%swap3A_344] {strides = array<i32>} : memref<128xi32, #tpu.memory_space<vmem>>, vector<16xi32>,
          tpu.vector_store %arg11[%swap3A_344], %get3A_343 {strides = array<i32>} : memref<128xi32, #tpu.memory_space<vmem>>, vector<16xi32>,
          %get3A_346 = arith.constant 0 : i32
          %get3A_347 = arith.index_cast %add3A_296 : i32 to index
          %get3A_348 = arith.index_cast %get3A_346 : i32 to index
          %get3A_349 = arith.constant 112 : index
          %get3A_350 = tpu.vector_load %arg8[%get3A_347, %get3A_348, %get3A_349] {strides = array<i32>} : memref<40x1x128xi32, #tpu.memory_space<vmem>>, vector<16xi32>,
          %swap3A_351 = arith.constant 112 : index
          %swap3A_352 = tpu.vector_load %arg11[%swap3A_351] {strides = array<i32>} : memref<128xi32, #tpu.memory_space<vmem>>, vector<16xi32>,
          tpu.vector_store %arg11[%swap3A_351], %get3A_350 {strides = array<i32>} : memref<128xi32, #tpu.memory_space<vmem>>, vector<16xi32>,
          %dma_wait3A_353 = arith.constant 0 : i32
          %dma_wait3A_354 = arith.constant 0 : i32
          %dma_wait3A_355 = tpu.memref_slice %arg2[%dma_wait3A_353, %dma_wait3A_354] : memref<81920x128xf32, #tpu.memory_space<hbm>> -> memref<81920x128xf32, #tpu.memory_space<hbm>>
          tpu.wait_indirect_dma semaphore(%arg16 : memref<!tpu.dma_semaphore, #tpu.memory_space<semaphore_mem>>) src(%dma_wait3A_355 : memref<81920x128xf32, #tpu.memory_space<hbm>>) dst(%arg13 : memref<128x128xf32, #tpu.memory_space<vmem>>)
          "tpu.region"() ({
            %run_scoped3A = tpu.sem_alloc : memref<!tpu.dma_semaphore, #tpu.memory_space<semaphore_mem>>
            %dma_start3A_356 = arith.constant 0 : i32
            %dma_start3A_357 = arith.constant 0 : i32
            %dma_start3A_358 = tpu.memref_slice %arg14[%dma_start3A_356, %dma_start3A_357] : memref<10240x128xf32, #tpu.memory_space<vmem_shared>> -> memref<10240x128xf32, #tpu.memory_space<vmem_shared>>
            tpu.enqueue_indirect_dma source(%arg13 : memref<128x128xf32, #tpu.memory_space<vmem>>) target(%dma_start3A_358 : memref<10240x128xf32, #tpu.memory_space<vmem_shared>>) offsets(%arg11 : memref<128xi32, #tpu.memory_space<vmem>>) semaphore(%run_scoped3A : memref<!tpu.dma_semaphore, #tpu.memory_space<semaphore_mem>>) {add = true}
            %dma_wait3A_359 = arith.constant 0 : i32
            %dma_wait3A_360 = arith.constant 0 : i32
            %dma_wait3A_361 = tpu.memref_slice %arg14[%dma_wait3A_359, %dma_wait3A_360] : memref<10240x128xf32, #tpu.memory_space<vmem_shared>> -> memref<10240x128xf32, #tpu.memory_space<vmem_shared>>
            tpu.wait_indirect_dma semaphore(%run_scoped3A : memref<!tpu.dma_semaphore, #tpu.memory_space<semaphore_mem>>) src(%arg13 : memref<128x128xf32, #tpu.memory_space<vmem>>) dst(%dma_wait3A_361 : memref<10240x128xf32, #tpu.memory_space<vmem_shared>>)
            tpu.yield
          }) : () -> ()
        }
        %scan3A_131 = arith.constant 20 : i32
      }
      %scan3A_18 = arith.constant 4 : i32
      %barrier3A_19 = arith.constant 0 : index
      tpu.barrier barrier_id(%barrier3A_19)
      %mul3A_20 = arith.constant 640 : i32
      %mul3A_21 = arith.muli %arg1, %mul3A_20 : i32
      %mul3A_22 = arith.constant 640 : i32
      %mul3A_23 = arith.muli %arg1, %mul3A_22 : i32
      %add3A_24 = arith.addi %mul3A_10, %mul3A_23 : i32
      %multiple_of3A = tpu.assume_multiple %add3A_24, 8 : i32
      "tpu.region"() ({
        %run_scoped3A = tpu.sem_alloc : memref<!tpu.dma_semaphore, #tpu.memory_space<semaphore_mem>>
        %dma_start3A = arith.constant 0 : i32
        %dma_start3A_26 = tpu.memref_slice %arg6[%multiple_of3A, %dma_start3A] : memref<81920x128xf32, #tpu.memory_space<hbm>> -> memref<640x128xf32, #tpu.memory_space<hbm>>
        %dma_start3A_27 = arith.constant 0 : i32
        %dma_start3A_28 = tpu.memref_slice %arg14[%mul3A_21, %dma_start3A_27] : memref<10240x128xf32, #tpu.memory_space<vmem_shared>> -> memref<640x128xf32, #tpu.memory_space<vmem_shared>>
        tpu.enqueue_dma source(%dma_start3A_28 : memref<640x128xf32, #tpu.memory_space<vmem_shared>>) target(%dma_start3A_26 : memref<640x128xf32, #tpu.memory_space<hbm>>) target_semaphore(%run_scoped3A : memref<!tpu.dma_semaphore, #tpu.memory_space<semaphore_mem>>)
        %dma_wait3A = arith.constant 0 : i32
        %dma_wait3A_29 = tpu.memref_slice %arg6[%multiple_of3A, %dma_wait3A] : memref<81920x128xf32, #tpu.memory_space<hbm>> -> memref<640x128xf32, #tpu.memory_space<hbm>>
        %dma_wait3A_30 = arith.constant 0 : i32
        %dma_wait3A_31 = tpu.memref_slice %arg14[%mul3A_21, %dma_wait3A_30] : memref<10240x128xf32, #tpu.memory_space<vmem_shared>> -> memref<640x128xf32, #tpu.memory_space<vmem_shared>>
        tpu.wait_dma2 semaphore(%run_scoped3A : memref<!tpu.dma_semaphore, #tpu.memory_space<semaphore_mem>>) src(%dma_wait3A_31 : memref<640x128xf32, #tpu.memory_space<vmem_shared>>) dst(%dma_wait3A_29 : memref<640x128xf32, #tpu.memory_space<hbm>>)
        tpu.yield
      }) : () -> ()
      %barrier3A_25 = arith.constant 0 : index
      tpu.barrier barrier_id(%barrier3A_25)
    }
    %scan3A_4 = arith.constant 4 : i32
    return
  }
}

module attributes {stable_mosaic.version = 14 : i64} {
  func.func @_tc0_body(%arg0: i32, %arg1: memref<32x512xf32, #tpu.memory_space<vmem>>, %arg2: memref<512x128xf32, #tpu.memory_space<vmem>>, %arg3: memref<512x128xf32, #tpu.memory_space<vmem>>, %arg4: memref<512x1xf32, #tpu.memory_space<vmem>>) attributes {dimension_semantics = [#tpu.dimension_semantics<arbitrary>], iteration_bounds = array<i64: 20>, scalar_prefetch = 0 : i64, scratch_operands = 0 : i64, tpu.core_type = #tpu.core_type<tc>, window_params = [{transform_indices = @transform_0, window_bounds = array<i64: 32, 512>}, {transform_indices = @transform_1, window_bounds = array<i64: 512, 128>}, {transform_indices = @transform_2, window_bounds = array<i64: 512, 128>}, {transform_indices = @transform_3, window_bounds = array<i64: 512, 1>}]} {
    %get3A = arith.constant 0 : index
    %get3A_0 = arith.constant 0 : index
    %get3A_1 = vector.load %arg1[%get3A, %get3A_0] : memref<32x512xf32, #tpu.memory_space<vmem>>, vector<32x512xf32>
    %reduce_sum3A = arith.constant dense<0.000000e+00> : vector<512xf32>
    %reduce_sum3A_2 = vector.multi_reduction <add>, %get3A_1, %reduce_sum3A [0] : vector<32x512xf32> to vector<512xf32>
    %add3A = arith.constant 1.000000e+00 : f32
    %add3A_3 = vector.broadcast %add3A : f32 to vector<512xf32>
    %add3A_4 = arith.addf %reduce_sum3A_2, %add3A_3 : vector<512xf32>
    %rsqrt3A = math.rsqrt %add3A_4 : vector<512xf32>
    %broadcast_in_dim3A = vector.shape_cast %rsqrt3A : vector<512xf32> to vector<512x1xf32>
    %get3A_5 = arith.constant 0 : index
    %get3A_6 = arith.constant 0 : index
    %get3A_7 = vector.load %arg2[%get3A_5, %get3A_6] : memref<512x128xf32, #tpu.memory_space<vmem>>, vector<512x128xf32>
    %mul3A = vector.broadcast %broadcast_in_dim3A : vector<512x1xf32> to vector<512x128xf32>
    %mul3A_8 = arith.mulf %get3A_7, %mul3A : vector<512x128xf32>
    %swap3A = arith.constant 0 : index
    %swap3A_9 = arith.constant 0 : index
    %swap3A_10 = vector.load %arg3[%swap3A, %swap3A_9] : memref<512x128xf32, #tpu.memory_space<vmem>>, vector<512x128xf32>
    tpu.vector_store %arg3[%swap3A, %swap3A_9], %mul3A_8 {strides = array<i32>} : memref<512x128xf32, #tpu.memory_space<vmem>>, vector<512x128xf32>,
    %broadcast_in_dim3A_11 = vector.shape_cast %add3A_4 : vector<512xf32> to vector<512x1xf32>
    %swap3A_12 = arith.constant 0 : index
    %swap3A_13 = arith.constant 0 : index
    %swap3A_14 = vector.load %arg4[%swap3A_12, %swap3A_13] : memref<512x1xf32, #tpu.memory_space<vmem>>, vector<512x1xf32>
    tpu.vector_store %arg4[%swap3A_12, %swap3A_13], %broadcast_in_dim3A_11 {strides = array<i32>} : memref<512x1xf32, #tpu.memory_space<vmem>>, vector<512x1xf32>,
    return
  }
  func.func @transform_0(%arg0: i32) -> (i32, i32) {
    %c0_i32 = arith.constant 0 : i32
    %c0_i32_0 = arith.constant 0 : i32
    return %c0_i32, %arg0 : i32, i32
  }
  func.func @transform_1(%arg0: i32) -> (i32, i32) {
    %c0_i32 = arith.constant 0 : i32
    %c0_i32_0 = arith.constant 0 : i32
    return %arg0, %c0_i32 : i32, i32
  }
  func.func @transform_2(%arg0: i32) -> (i32, i32) {
    %c0_i32 = arith.constant 0 : i32
    %c0_i32_0 = arith.constant 0 : i32
    return %arg0, %c0_i32 : i32, i32
  }
  func.func @transform_3(%arg0: i32) -> (i32, i32) {
    %c0_i32 = arith.constant 0 : i32
    %c0_i32_0 = arith.constant 0 : i32
    return %arg0, %c0_i32 : i32, i32
  }
}

module attributes {stable_mosaic.version = 14 : i64} {
  func.func @_tc1_body(%arg0: i32, %arg1: i32, %arg2: memref<512x128xf32, #tpu.memory_space<vmem>>, %arg3: memref<512x128xf32, #tpu.memory_space<vmem>>, %arg4: memref<512x128xf32, #tpu.memory_space<vmem>>, %arg5: memref<512x1xf32, #tpu.memory_space<vmem>>, %arg6: memref<128x128xbf16, #tpu.memory_space<vmem>>, %arg7: memref<1x1x128xf32, #tpu.memory_space<vmem>>, %arg8: memref<512x128xf32, #tpu.memory_space<vmem>>) attributes {dimension_semantics = [#tpu.dimension_semantics<arbitrary>, #tpu.dimension_semantics<arbitrary>], iteration_bounds = array<i64: 20, 8>, scalar_prefetch = 0 : i64, scratch_operands = 0 : i64, tpu.core_type = #tpu.core_type<tc>, window_params = [{transform_indices = @transform_0, window_bounds = array<i64: 512, 128>}, {transform_indices = @transform_1, window_bounds = array<i64: 512, 128>}, {transform_indices = @transform_2, window_bounds = array<i64: 512, 128>}, {transform_indices = @transform_3, window_bounds = array<i64: 512, 1>}, {transform_indices = @transform_4, window_bounds = array<i64: 128, 128>}, {transform_indices = @transform_5, window_bounds = array<i64: 1, 1, 128>}, {transform_indices = @transform_6, window_bounds = array<i64: 512, 128>}]} {
    %get3A = arith.constant 0 : index
    %get3A_0 = arith.constant 0 : index
    %get3A_1 = vector.load %arg5[%get3A, %get3A_0] : memref<512x1xf32, #tpu.memory_space<vmem>>, vector<512x1xf32>
    %rsqrt3A = math.rsqrt %get3A_1 : vector<512x1xf32>
    %get3A_2 = arith.constant 0 : index
    %get3A_3 = arith.constant 0 : index
    %get3A_4 = vector.load %arg2[%get3A_2, %get3A_3] : memref<512x128xf32, #tpu.memory_space<vmem>>, vector<512x128xf32>
    %get3A_5 = arith.constant 0 : index
    %get3A_6 = arith.constant 0 : index
    %get3A_7 = vector.load %arg3[%get3A_5, %get3A_6] : memref<512x128xf32, #tpu.memory_space<vmem>>, vector<512x128xf32>
    %add3A = arith.addf %get3A_4, %get3A_7 : vector<512x128xf32>
    %get3A_8 = arith.constant 0 : index
    %get3A_9 = arith.constant 0 : index
    %get3A_10 = vector.load %arg4[%get3A_8, %get3A_9] : memref<512x128xf32, #tpu.memory_space<vmem>>, vector<512x128xf32>
    %add3A_11 = arith.addf %add3A, %get3A_10 : vector<512x128xf32>
    %mul3A = vector.broadcast %rsqrt3A : vector<512x1xf32> to vector<512x128xf32>
    %mul3A_12 = arith.mulf %add3A_11, %mul3A : vector<512x128xf32>
    %convert_element_type3A = arith.truncf %mul3A_12 : vector<512x128xf32> to vector<512x128xbf16>
    %get3A_13 = arith.constant 0 : index
    %get3A_14 = arith.constant 0 : index
    %get3A_15 = vector.load %arg6[%get3A_13, %get3A_14] : memref<128x128xbf16, #tpu.memory_space<vmem>>, vector<128x128xbf16>
    %dot_general3A = arith.constant dense<0.000000e+00> : vector<512x128xf32>
    %dot_general3A_16 = tpu.matmul %convert_element_type3A, %get3A_15, %dot_general3A {dimension_numbers = #tpu.dot_dimension_numbers<[1], [0], [0], [1], [0, 0, 1, 1], [], []>, transpose_lhs_hint = false} : vector<512x128xbf16>, vector<128x128xbf16>, vector<512x128xf32> -> vector<512x128xf32>
    %get3A_17 = arith.constant 0 : index
    %get3A_18 = arith.constant 0 : index
    %get3A_19 = arith.constant 0 : index
    %get3A_20 = vector.load %arg7[%get3A_17, %get3A_18, %get3A_19] : memref<1x1x128xf32, #tpu.memory_space<vmem>>, vector<1x1x128xf32>
    %get3A_21 = vector.shape_cast %get3A_20 : vector<1x1x128xf32> to vector<1x128xf32>
    %add3A_22 = vector.broadcast %get3A_21 : vector<1x128xf32> to vector<512x128xf32>
    %add3A_23 = arith.addf %dot_general3A_16, %add3A_22 : vector<512x128xf32>
    %max3A = arith.constant 0.000000e+00 : f32
    %max3A_24 = vector.broadcast %max3A : f32 to vector<512x128xf32>
    %max3A_25 = arith.maximumf %add3A_23, %max3A_24 : vector<512x128xf32>
    %iota3A = tpu.iota {dimensions = array<i32: 0>} : vector<512x128xi32>
    %mul3A_26 = arith.constant 512 : i32
    %mul3A_27 = arith.muli %arg0, %mul3A_26 : i32
    %add3A_28 = vector.broadcast %mul3A_27 : i32 to vector<512x128xi32>
    %add3A_29 = arith.addi %iota3A, %add3A_28 : vector<512x128xi32>
    %lt3A = arith.constant 10000 : i32
    %lt3A_30 = vector.broadcast %lt3A : i32 to vector<512x128xi32>
    %lt3A_31 = arith.cmpi slt, %add3A_29, %lt3A_30 : vector<512x128xi32>
    %jit3A = arith.constant 0.000000e+00 : f32
    %broadcast_in_dim3A = vector.broadcast %jit3A : f32 to vector<512x128xf32>
    %select_n3A = arith.select %lt3A_31, %max3A_25, %broadcast_in_dim3A : vector<512x128xi1>, vector<512x128xf32>
    %mul3A_32 = vector.broadcast %rsqrt3A : vector<512x1xf32> to vector<512x128xf32>
    %mul3A_33 = arith.mulf %select_n3A, %mul3A_32 : vector<512x128xf32>
    %swap3A = arith.constant 0 : index
    %swap3A_34 = arith.constant 0 : index
    %swap3A_35 = vector.load %arg8[%swap3A, %swap3A_34] : memref<512x128xf32, #tpu.memory_space<vmem>>, vector<512x128xf32>
    tpu.vector_store %arg8[%swap3A, %swap3A_34], %mul3A_33 {strides = array<i32>} : memref<512x128xf32, #tpu.memory_space<vmem>>, vector<512x128xf32>,
    return
  }
  func.func @transform_0(%arg0: i32, %arg1: i32) -> (i32, i32) {
    %c0_i32 = arith.constant 0 : i32
    %c0_i32_0 = arith.constant 0 : i32
    return %arg0, %c0_i32 : i32, i32
  }
  func.func @transform_1(%arg0: i32, %arg1: i32) -> (i32, i32) {
    %add3A = arith.constant 20 : i32
    %add3A_0 = arith.addi %add3A, %arg0 : i32
    %c0_i32 = arith.constant 0 : i32
    %c0_i32_1 = arith.constant 0 : i32
    return %add3A_0, %c0_i32 : i32, i32
  }
  func.func @transform_2(%arg0: i32, %arg1: i32) -> (i32, i32) {
    %c0_i32 = arith.constant 0 : i32
    %c0_i32_0 = arith.constant 0 : i32
    return %arg0, %c0_i32 : i32, i32
  }
  func.func @transform_3(%arg0: i32, %arg1: i32) -> (i32, i32) {
    %c0_i32 = arith.constant 0 : i32
    %c0_i32_0 = arith.constant 0 : i32
    return %arg0, %c0_i32 : i32, i32
  }
  func.func @transform_4(%arg0: i32, %arg1: i32) -> (i32, i32) {
    %c0_i32 = arith.constant 0 : i32
    %c0_i32_0 = arith.constant 0 : i32
    return %c0_i32, %arg1 : i32, i32
  }
  func.func @transform_5(%arg0: i32, %arg1: i32) -> (i32, i32, i32) {
    %c0_i32 = arith.constant 0 : i32
    %c0_i32_0 = arith.constant 0 : i32
    %c0_i32_1 = arith.constant 0 : i32
    return %arg1, %c0_i32, %c0_i32_0 : i32, i32, i32
  }
  func.func @transform_6(%arg0: i32, %arg1: i32) -> (i32, i32) {
    %mul3A = arith.constant 20 : i32
    %mul3A_0 = arith.muli %arg1, %mul3A : i32
    %add3A = arith.addi %mul3A_0, %arg0 : i32
    %c0_i32 = arith.constant 0 : i32
    %c0_i32_1 = arith.constant 0 : i32
    return %add3A, %c0_i32 : i32, i32
  }
}

module attributes {stable_mosaic.version = 14 : i64} {
  func.func @_tc2a_body(%arg0: i32, %arg1: i32, %arg2: memref<512x128xf32, #tpu.memory_space<vmem>>, %arg3: memref<512x128xf32, #tpu.memory_space<vmem>>, %arg4: memref<512x1xf32, #tpu.memory_space<vmem>>, %arg5: memref<128x2048xbf16, #tpu.memory_space<vmem>>, %arg6: memref<512x2048xf32, #tpu.memory_space<vmem>>, %arg7: memref<512x2048xf32, #tpu.memory_space<vmem>>) attributes {dimension_semantics = [#tpu.dimension_semantics<arbitrary>, #tpu.dimension_semantics<arbitrary>], iteration_bounds = array<i64: 20, 8>, scalar_prefetch = 0 : i64, scratch_operands = 1 : i64, tpu.core_type = #tpu.core_type<tc>, window_params = [{transform_indices = @transform_0, window_bounds = array<i64: 512, 128>}, {transform_indices = @transform_1, window_bounds = array<i64: 512, 128>}, {transform_indices = @transform_2, window_bounds = array<i64: 512, 1>}, {transform_indices = @transform_3, window_bounds = array<i64: 128, 2048>}, {transform_indices = @transform_4, window_bounds = array<i64: 512, 2048>}]} {
    %eq3A = arith.constant 0 : i32
    %eq3A_0 = arith.cmpi eq, %arg1, %eq3A : i32
    %convert_element_type3A = arith.extui %eq3A_0 : i1 to i32
    %cond3A = arith.constant 0 : i32
    %cond3A_1 = arith.cmpi ne, %convert_element_type3A, %cond3A : i32
    scf.if %cond3A_1 {
      %broadcast_in_dim3A = arith.constant 0.000000e+00 : f32
      %broadcast_in_dim3A_27 = vector.broadcast %broadcast_in_dim3A : f32 to vector<512x2048xf32>
      %swap3A_28 = arith.constant 0 : index
      %swap3A_29 = arith.constant 0 : index
      %swap3A_30 = vector.load %arg7[%swap3A_28, %swap3A_29] : memref<512x2048xf32, #tpu.memory_space<vmem>>, vector<512x2048xf32>
      tpu.vector_store %arg7[%swap3A_28, %swap3A_29], %broadcast_in_dim3A_27 {strides = array<i32>} : memref<512x2048xf32, #tpu.memory_space<vmem>>, vector<512x2048xf32>,
    } else {
    }
    %get3A = arith.constant 0 : index
    %get3A_2 = arith.constant 0 : index
    %get3A_3 = vector.load %arg4[%get3A, %get3A_2] : memref<512x1xf32, #tpu.memory_space<vmem>>, vector<512x1xf32>
    %rsqrt3A = math.rsqrt %get3A_3 : vector<512x1xf32>
    %get3A_4 = arith.constant 0 : index
    %get3A_5 = arith.constant 0 : index
    %get3A_6 = vector.load %arg2[%get3A_4, %get3A_5] : memref<512x128xf32, #tpu.memory_space<vmem>>, vector<512x128xf32>
    %get3A_7 = arith.constant 0 : index
    %get3A_8 = arith.constant 0 : index
    %get3A_9 = vector.load %arg3[%get3A_7, %get3A_8] : memref<512x128xf32, #tpu.memory_space<vmem>>, vector<512x128xf32>
    %add3A = arith.addf %get3A_6, %get3A_9 : vector<512x128xf32>
    %mul3A = vector.broadcast %rsqrt3A : vector<512x1xf32> to vector<512x128xf32>
    %mul3A_10 = arith.mulf %add3A, %mul3A : vector<512x128xf32>
    %convert_element_type3A_11 = arith.truncf %mul3A_10 : vector<512x128xf32> to vector<512x128xbf16>
    %get3A_12 = arith.constant 0 : index
    %get3A_13 = arith.constant 0 : index
    %get3A_14 = vector.load %arg7[%get3A_12, %get3A_13] : memref<512x2048xf32, #tpu.memory_space<vmem>>, vector<512x2048xf32>
    %get3A_15 = arith.constant 0 : index
    %get3A_16 = arith.constant 0 : index
    %get3A_17 = vector.load %arg5[%get3A_15, %get3A_16] : memref<128x2048xbf16, #tpu.memory_space<vmem>>, vector<128x2048xbf16>
    %dot_general3A = arith.constant dense<0.000000e+00> : vector<512x2048xf32>
    %dot_general3A_18 = tpu.matmul %convert_element_type3A_11, %get3A_17, %dot_general3A {dimension_numbers = #tpu.dot_dimension_numbers<[1], [0], [0], [1], [0, 0, 1, 1], [], []>, transpose_lhs_hint = false} : vector<512x128xbf16>, vector<128x2048xbf16>, vector<512x2048xf32> -> vector<512x2048xf32>
    %add3A_19 = arith.addf %get3A_14, %dot_general3A_18 : vector<512x2048xf32>
    %swap3A = arith.constant 0 : index
    %swap3A_20 = arith.constant 0 : index
    %swap3A_21 = vector.load %arg7[%swap3A, %swap3A_20] : memref<512x2048xf32, #tpu.memory_space<vmem>>, vector<512x2048xf32>
    tpu.vector_store %arg7[%swap3A, %swap3A_20], %add3A_19 {strides = array<i32>} : memref<512x2048xf32, #tpu.memory_space<vmem>>, vector<512x2048xf32>,
    %eq3A_22 = arith.constant 7 : i32
    %eq3A_23 = arith.cmpi eq, %arg1, %eq3A_22 : i32
    %convert_element_type3A_24 = arith.extui %eq3A_23 : i1 to i32
    %cond3A_25 = arith.constant 0 : i32
    %cond3A_26 = arith.cmpi ne, %convert_element_type3A_24, %cond3A_25 : i32
    scf.if %cond3A_26 {
      %get3A_27 = arith.constant 0 : index
      %get3A_28 = arith.constant 0 : index
      %get3A_29 = vector.load %arg7[%get3A_27, %get3A_28] : memref<512x2048xf32, #tpu.memory_space<vmem>>, vector<512x2048xf32>
      %swap3A_30 = arith.constant 0 : index
      %swap3A_31 = arith.constant 0 : index
      %swap3A_32 = vector.load %arg6[%swap3A_30, %swap3A_31] : memref<512x2048xf32, #tpu.memory_space<vmem>>, vector<512x2048xf32>
      tpu.vector_store %arg6[%swap3A_30, %swap3A_31], %get3A_29 {strides = array<i32>} : memref<512x2048xf32, #tpu.memory_space<vmem>>, vector<512x2048xf32>,
    } else {
    }
    return
  }
  func.func @transform_0(%arg0: i32, %arg1: i32) -> (i32, i32) {
    %mul3A = arith.constant 20 : i32
    %mul3A_0 = arith.muli %arg1, %mul3A : i32
    %add3A = arith.addi %mul3A_0, %arg0 : i32
    %c0_i32 = arith.constant 0 : i32
    %c0_i32_1 = arith.constant 0 : i32
    return %add3A, %c0_i32 : i32, i32
  }
  func.func @transform_1(%arg0: i32, %arg1: i32) -> (i32, i32) {
    %mul3A = arith.constant 20 : i32
    %mul3A_0 = arith.muli %arg1, %mul3A : i32
    %add3A = arith.addi %mul3A_0, %arg0 : i32
    %c0_i32 = arith.constant 0 : i32
    %c0_i32_1 = arith.constant 0 : i32
    return %add3A, %c0_i32 : i32, i32
  }
  func.func @transform_2(%arg0: i32, %arg1: i32) -> (i32, i32) {
    %c0_i32 = arith.constant 0 : i32
    %c0_i32_0 = arith.constant 0 : i32
    return %arg0, %c0_i32 : i32, i32
  }
  func.func @transform_3(%arg0: i32, %arg1: i32) -> (i32, i32) {
    %c0_i32 = arith.constant 0 : i32
    %c0_i32_0 = arith.constant 0 : i32
    return %arg1, %c0_i32 : i32, i32
  }
  func.func @transform_4(%arg0: i32, %arg1: i32) -> (i32, i32) {
    %c0_i32 = arith.constant 0 : i32
    %c0_i32_0 = arith.constant 0 : i32
    return %arg0, %c0_i32 : i32, i32
  }
}

module attributes {stable_mosaic.version = 14 : i64} {
  func.func @_tc2b_body(%arg0: i32, %arg1: i32, %arg2: memref<512x128xf32, #tpu.memory_space<vmem>>, %arg3: memref<512x1xf32, #tpu.memory_space<vmem>>, %arg4: memref<1x1x128xf32, #tpu.memory_space<vmem>>, %arg5: memref<512x128xf32, #tpu.memory_space<vmem>>) attributes {dimension_semantics = [#tpu.dimension_semantics<arbitrary>, #tpu.dimension_semantics<arbitrary>], iteration_bounds = array<i64: 20, 16>, scalar_prefetch = 0 : i64, scratch_operands = 0 : i64, tpu.core_type = #tpu.core_type<tc>, window_params = [{transform_indices = @transform_0, window_bounds = array<i64: 512, 128>}, {transform_indices = @transform_1, window_bounds = array<i64: 512, 1>}, {transform_indices = @transform_2, window_bounds = array<i64: 1, 1, 128>}, {transform_indices = @transform_3, window_bounds = array<i64: 512, 128>}]} {
    %get3A = arith.constant 0 : index
    %get3A_0 = arith.constant 0 : index
    %get3A_1 = vector.load %arg3[%get3A, %get3A_0] : memref<512x1xf32, #tpu.memory_space<vmem>>, vector<512x1xf32>
    %rsqrt3A = math.rsqrt %get3A_1 : vector<512x1xf32>
    %get3A_2 = arith.constant 0 : index
    %get3A_3 = arith.constant 0 : index
    %get3A_4 = vector.load %arg2[%get3A_2, %get3A_3] : memref<512x128xf32, #tpu.memory_space<vmem>>, vector<512x128xf32>
    %get3A_5 = arith.constant 0 : index
    %get3A_6 = arith.constant 0 : index
    %get3A_7 = arith.constant 0 : index
    %get3A_8 = vector.load %arg4[%get3A_5, %get3A_6, %get3A_7] : memref<1x1x128xf32, #tpu.memory_space<vmem>>, vector<1x1x128xf32>
    %get3A_9 = vector.shape_cast %get3A_8 : vector<1x1x128xf32> to vector<1x128xf32>
    %add3A = vector.broadcast %get3A_9 : vector<1x128xf32> to vector<512x128xf32>
    %add3A_10 = arith.addf %get3A_4, %add3A : vector<512x128xf32>
    %max3A = arith.constant 0.000000e+00 : f32
    %max3A_11 = vector.broadcast %max3A : f32 to vector<512x128xf32>
    %max3A_12 = arith.maximumf %add3A_10, %max3A_11 : vector<512x128xf32>
    %iota3A = tpu.iota {dimensions = array<i32: 0>} : vector<512x128xi32>
    %mul3A = arith.constant 512 : i32
    %mul3A_13 = arith.muli %arg0, %mul3A : i32
    %add3A_14 = vector.broadcast %mul3A_13 : i32 to vector<512x128xi32>
    %add3A_15 = arith.addi %iota3A, %add3A_14 : vector<512x128xi32>
    %lt3A = arith.constant 10000 : i32
    %lt3A_16 = vector.broadcast %lt3A : i32 to vector<512x128xi32>
    %lt3A_17 = arith.cmpi slt, %add3A_15, %lt3A_16 : vector<512x128xi32>
    %jit3A = arith.constant 0.000000e+00 : f32
    %broadcast_in_dim3A = vector.broadcast %jit3A : f32 to vector<512x128xf32>
    %select_n3A = arith.select %lt3A_17, %max3A_12, %broadcast_in_dim3A : vector<512x128xi1>, vector<512x128xf32>
    %mul3A_18 = vector.broadcast %rsqrt3A : vector<512x1xf32> to vector<512x128xf32>
    %mul3A_19 = arith.mulf %select_n3A, %mul3A_18 : vector<512x128xf32>
    %swap3A = arith.constant 0 : index
    %swap3A_20 = arith.constant 0 : index
    %swap3A_21 = vector.load %arg5[%swap3A, %swap3A_20] : memref<512x128xf32, #tpu.memory_space<vmem>>, vector<512x128xf32>
    tpu.vector_store %arg5[%swap3A, %swap3A_20], %mul3A_19 {strides = array<i32>} : memref<512x128xf32, #tpu.memory_space<vmem>>, vector<512x128xf32>,
    return
  }
  func.func @transform_0(%arg0: i32, %arg1: i32) -> (i32, i32) {
    %c0_i32 = arith.constant 0 : i32
    return %arg0, %arg1 : i32, i32
  }
  func.func @transform_1(%arg0: i32, %arg1: i32) -> (i32, i32) {
    %c0_i32 = arith.constant 0 : i32
    %c0_i32_0 = arith.constant 0 : i32
    return %arg0, %c0_i32 : i32, i32
  }
  func.func @transform_2(%arg0: i32, %arg1: i32) -> (i32, i32, i32) {
    %c0_i32 = arith.constant 0 : i32
    %c0_i32_0 = arith.constant 0 : i32
    %c0_i32_1 = arith.constant 0 : i32
    return %arg1, %c0_i32, %c0_i32_0 : i32, i32, i32
  }
  func.func @transform_3(%arg0: i32, %arg1: i32) -> (i32, i32) {
    %mul3A = arith.constant 20 : i32
    %mul3A_0 = arith.muli %arg1, %mul3A : i32
    %add3A = arith.addi %mul3A_0, %arg0 : i32
    %c0_i32 = arith.constant 0 : i32
    %c0_i32_1 = arith.constant 0 : i32
    return %add3A, %c0_i32 : i32, i32
  }
}

module attributes {stable_mosaic.version = 14 : i64} {
  func.func @_tc3_body(%arg0: i32, %arg1: i32, %arg2: memref<512x128xf32, #tpu.memory_space<vmem>>, %arg3: memref<512x128xf32, #tpu.memory_space<vmem>>, %arg4: memref<512x1xf32, #tpu.memory_space<vmem>>, %arg5: memref<128x1024xbf16, #tpu.memory_space<vmem>>, %arg6: memref<128x1024xbf16, #tpu.memory_space<vmem>>, %arg7: memref<1x1024xf32, #tpu.memory_space<vmem>>, %arg8: memref<1x1024xf32, #tpu.memory_space<vmem>>, %arg9: memref<512x1024xf32, #tpu.memory_space<vmem>>, %arg10: memref<512x1024xf32, #tpu.memory_space<vmem>>, %arg11: memref<512x1024xf32, #tpu.memory_space<vmem>>, %arg12: memref<512x1024xf32, #tpu.memory_space<vmem>>) attributes {dimension_semantics = [#tpu.dimension_semantics<arbitrary>, #tpu.dimension_semantics<arbitrary>], iteration_bounds = array<i64: 20, 16>, scalar_prefetch = 0 : i64, scratch_operands = 2 : i64, tpu.core_type = #tpu.core_type<tc>, window_params = [{transform_indices = @transform_0, window_bounds = array<i64: 512, 128>}, {transform_indices = @transform_1, window_bounds = array<i64: 512, 128>}, {transform_indices = @transform_2, window_bounds = array<i64: 512, 1>}, {transform_indices = @transform_3, window_bounds = array<i64: 128, 1024>}, {transform_indices = @transform_4, window_bounds = array<i64: 128, 1024>}, {pipeline_mode = #tpu.pipeline_mode<synchronous>, transform_indices = @transform_5, window_bounds = array<i64: 1, 1024>}, {pipeline_mode = #tpu.pipeline_mode<synchronous>, transform_indices = @transform_6, window_bounds = array<i64: 1, 1024>}, {transform_indices = @transform_7, window_bounds = array<i64: 512, 1024>}, {transform_indices = @transform_8, window_bounds = array<i64: 512, 1024>}]} {
    %eq3A = arith.constant 0 : i32
    %eq3A_0 = arith.cmpi eq, %arg1, %eq3A : i32
    %convert_element_type3A = arith.extui %eq3A_0 : i1 to i32
    %cond3A = arith.constant 0 : i32
    %cond3A_1 = arith.cmpi ne, %convert_element_type3A, %cond3A : i32
    scf.if %cond3A_1 {
      %broadcast_in_dim3A = arith.constant 0.000000e+00 : f32
      %broadcast_in_dim3A_39 = vector.broadcast %broadcast_in_dim3A : f32 to vector<512x1024xf32>
      %swap3A_40 = arith.constant 0 : index
      %swap3A_41 = arith.constant 0 : index
      %swap3A_42 = vector.load %arg11[%swap3A_40, %swap3A_41] : memref<512x1024xf32, #tpu.memory_space<vmem>>, vector<512x1024xf32>
      tpu.vector_store %arg11[%swap3A_40, %swap3A_41], %broadcast_in_dim3A_39 {strides = array<i32>} : memref<512x1024xf32, #tpu.memory_space<vmem>>, vector<512x1024xf32>,
      %broadcast_in_dim3A_43 = arith.constant 0.000000e+00 : f32
      %broadcast_in_dim3A_44 = vector.broadcast %broadcast_in_dim3A_43 : f32 to vector<512x1024xf32>
      %swap3A_45 = arith.constant 0 : index
      %swap3A_46 = arith.constant 0 : index
      %swap3A_47 = vector.load %arg12[%swap3A_45, %swap3A_46] : memref<512x1024xf32, #tpu.memory_space<vmem>>, vector<512x1024xf32>
      tpu.vector_store %arg12[%swap3A_45, %swap3A_46], %broadcast_in_dim3A_44 {strides = array<i32>} : memref<512x1024xf32, #tpu.memory_space<vmem>>, vector<512x1024xf32>,
    } else {
    }
    %get3A = arith.constant 0 : index
    %get3A_2 = arith.constant 0 : index
    %get3A_3 = vector.load %arg4[%get3A, %get3A_2] : memref<512x1xf32, #tpu.memory_space<vmem>>, vector<512x1xf32>
    %rsqrt3A = math.rsqrt %get3A_3 : vector<512x1xf32>
    %get3A_4 = arith.constant 0 : index
    %get3A_5 = arith.constant 0 : index
    %get3A_6 = vector.load %arg2[%get3A_4, %get3A_5] : memref<512x128xf32, #tpu.memory_space<vmem>>, vector<512x128xf32>
    %get3A_7 = arith.constant 0 : index
    %get3A_8 = arith.constant 0 : index
    %get3A_9 = vector.load %arg3[%get3A_7, %get3A_8] : memref<512x128xf32, #tpu.memory_space<vmem>>, vector<512x128xf32>
    %add3A = arith.addf %get3A_6, %get3A_9 : vector<512x128xf32>
    %mul3A = vector.broadcast %rsqrt3A : vector<512x1xf32> to vector<512x128xf32>
    %mul3A_10 = arith.mulf %add3A, %mul3A : vector<512x128xf32>
    %convert_element_type3A_11 = arith.truncf %mul3A_10 : vector<512x128xf32> to vector<512x128xbf16>
    %get3A_12 = arith.constant 0 : index
    %get3A_13 = arith.constant 0 : index
    %get3A_14 = vector.load %arg11[%get3A_12, %get3A_13] : memref<512x1024xf32, #tpu.memory_space<vmem>>, vector<512x1024xf32>
    %get3A_15 = arith.constant 0 : index
    %get3A_16 = arith.constant 0 : index
    %get3A_17 = vector.load %arg5[%get3A_15, %get3A_16] : memref<128x1024xbf16, #tpu.memory_space<vmem>>, vector<128x1024xbf16>
    %dot_general3A = arith.constant dense<0.000000e+00> : vector<512x1024xf32>
    %dot_general3A_18 = tpu.matmul %convert_element_type3A_11, %get3A_17, %dot_general3A {dimension_numbers = #tpu.dot_dimension_numbers<[1], [0], [0], [1], [0, 0, 1, 1], [], []>, transpose_lhs_hint = false} : vector<512x128xbf16>, vector<128x1024xbf16>, vector<512x1024xf32> -> vector<512x1024xf32>
    %add3A_19 = arith.addf %get3A_14, %dot_general3A_18 : vector<512x1024xf32>
    %swap3A = arith.constant 0 : index
    %swap3A_20 = arith.constant 0 : index
    %swap3A_21 = vector.load %arg11[%swap3A, %swap3A_20] : memref<512x1024xf32, #tpu.memory_space<vmem>>, vector<512x1024xf32>
    tpu.vector_store %arg11[%swap3A, %swap3A_20], %add3A_19 {strides = array<i32>} : memref<512x1024xf32, #tpu.memory_space<vmem>>, vector<512x1024xf32>,
    %get3A_22 = arith.constant 0 : index
    %get3A_23 = arith.constant 0 : index
    %get3A_24 = vector.load %arg12[%get3A_22, %get3A_23] : memref<512x1024xf32, #tpu.memory_space<vmem>>, vector<512x1024xf32>
    %get3A_25 = arith.constant 0 : index
    %get3A_26 = arith.constant 0 : index
    %get3A_27 = vector.load %arg6[%get3A_25, %get3A_26] : memref<128x1024xbf16, #tpu.memory_space<vmem>>, vector<128x1024xbf16>
    %dot_general3A_28 = arith.constant dense<0.000000e+00> : vector<512x1024xf32>
    %dot_general3A_29 = tpu.matmul %convert_element_type3A_11, %get3A_27, %dot_general3A_28 {dimension_numbers = #tpu.dot_dimension_numbers<[1], [0], [0], [1], [0, 0, 1, 1], [], []>, transpose_lhs_hint = false} : vector<512x128xbf16>, vector<128x1024xbf16>, vector<512x1024xf32> -> vector<512x1024xf32>
    %add3A_30 = arith.addf %get3A_24, %dot_general3A_29 : vector<512x1024xf32>
    %swap3A_31 = arith.constant 0 : index
    %swap3A_32 = arith.constant 0 : index
    %swap3A_33 = vector.load %arg12[%swap3A_31, %swap3A_32] : memref<512x1024xf32, #tpu.memory_space<vmem>>, vector<512x1024xf32>
    tpu.vector_store %arg12[%swap3A_31, %swap3A_32], %add3A_30 {strides = array<i32>} : memref<512x1024xf32, #tpu.memory_space<vmem>>, vector<512x1024xf32>,
    %eq3A_34 = arith.constant 15 : i32
    %eq3A_35 = arith.cmpi eq, %arg1, %eq3A_34 : i32
    %convert_element_type3A_36 = arith.extui %eq3A_35 : i1 to i32
    %cond3A_37 = arith.constant 0 : i32
    %cond3A_38 = arith.cmpi ne, %convert_element_type3A_36, %cond3A_37 : i32
    scf.if %cond3A_38 {
      %get3A_39 = arith.constant 0 : index
      %get3A_40 = arith.constant 0 : index
      %get3A_41 = vector.load %arg11[%get3A_39, %get3A_40] : memref<512x1024xf32, #tpu.memory_space<vmem>>, vector<512x1024xf32>
      %get3A_42 = arith.constant 0 : index
      %get3A_43 = arith.constant 0 : index
      %get3A_44 = vector.load %arg7[%get3A_42, %get3A_43] : memref<1x1024xf32, #tpu.memory_space<vmem>>, vector<1x1024xf32>
      %add3A_45 = vector.broadcast %get3A_44 : vector<1x1024xf32> to vector<512x1024xf32>
      %add3A_46 = arith.addf %get3A_41, %add3A_45 : vector<512x1024xf32>
      %swap3A_47 = arith.constant 0 : index
      %swap3A_48 = arith.constant 0 : index
      %swap3A_49 = vector.load %arg9[%swap3A_47, %swap3A_48] : memref<512x1024xf32, #tpu.memory_space<vmem>>, vector<512x1024xf32>
      tpu.vector_store %arg9[%swap3A_47, %swap3A_48], %add3A_46 {strides = array<i32>} : memref<512x1024xf32, #tpu.memory_space<vmem>>, vector<512x1024xf32>,
      %get3A_50 = arith.constant 0 : index
      %get3A_51 = arith.constant 0 : index
      %get3A_52 = vector.load %arg12[%get3A_50, %get3A_51] : memref<512x1024xf32, #tpu.memory_space<vmem>>, vector<512x1024xf32>
      %get3A_53 = arith.constant 0 : index
      %get3A_54 = arith.constant 0 : index
      %get3A_55 = vector.load %arg8[%get3A_53, %get3A_54] : memref<1x1024xf32, #tpu.memory_space<vmem>>, vector<1x1024xf32>
      %add3A_56 = vector.broadcast %get3A_55 : vector<1x1024xf32> to vector<512x1024xf32>
      %add3A_57 = arith.addf %get3A_52, %add3A_56 : vector<512x1024xf32>
      %swap3A_58 = arith.constant 0 : index
      %swap3A_59 = arith.constant 0 : index
      %swap3A_60 = vector.load %arg10[%swap3A_58, %swap3A_59] : memref<512x1024xf32, #tpu.memory_space<vmem>>, vector<512x1024xf32>
      tpu.vector_store %arg10[%swap3A_58, %swap3A_59], %add3A_57 {strides = array<i32>} : memref<512x1024xf32, #tpu.memory_space<vmem>>, vector<512x1024xf32>,
    } else {
    }
    return
  }
  func.func @transform_0(%arg0: i32, %arg1: i32) -> (i32, i32) {
    %mul3A = arith.constant 20 : i32
    %mul3A_0 = arith.muli %arg1, %mul3A : i32
    %add3A = arith.addi %mul3A_0, %arg0 : i32
    %c0_i32 = arith.constant 0 : i32
    %c0_i32_1 = arith.constant 0 : i32
    return %add3A, %c0_i32 : i32, i32
  }
  func.func @transform_1(%arg0: i32, %arg1: i32) -> (i32, i32) {
    %mul3A = arith.constant 20 : i32
    %mul3A_0 = arith.muli %arg1, %mul3A : i32
    %add3A = arith.addi %mul3A_0, %arg0 : i32
    %c0_i32 = arith.constant 0 : i32
    %c0_i32_1 = arith.constant 0 : i32
    return %add3A, %c0_i32 : i32, i32
  }
  func.func @transform_2(%arg0: i32, %arg1: i32) -> (i32, i32) {
    %c0_i32 = arith.constant 0 : i32
    %c0_i32_0 = arith.constant 0 : i32
    return %arg0, %c0_i32 : i32, i32
  }
  func.func @transform_3(%arg0: i32, %arg1: i32) -> (i32, i32) {
    %c0_i32 = arith.constant 0 : i32
    %c0_i32_0 = arith.constant 0 : i32
    return %arg1, %c0_i32 : i32, i32
  }
  func.func @transform_4(%arg0: i32, %arg1: i32) -> (i32, i32) {
    %c0_i32 = arith.constant 0 : i32
    %c0_i32_0 = arith.constant 0 : i32
    return %arg1, %c0_i32 : i32, i32
  }
  func.func @transform_5(%arg0: i32, %arg1: i32) -> (i32, i32) {
    %c0_i32 = arith.constant 0 : i32
    %c0_i32_0 = arith.constant 0 : i32
    %c0_i32_1 = arith.constant 0 : i32
    return %c0_i32, %c0_i32_0 : i32, i32
  }
  func.func @transform_6(%arg0: i32, %arg1: i32) -> (i32, i32) {
    %c0_i32 = arith.constant 0 : i32
    %c0_i32_0 = arith.constant 0 : i32
    %c0_i32_1 = arith.constant 0 : i32
    return %c0_i32, %c0_i32_0 : i32, i32
  }
  func.func @transform_7(%arg0: i32, %arg1: i32) -> (i32, i32) {
    %c0_i32 = arith.constant 0 : i32
    %c0_i32_0 = arith.constant 0 : i32
    return %arg0, %c0_i32 : i32, i32
  }
  func.func @transform_8(%arg0: i32, %arg1: i32) -> (i32, i32) {
    %c0_i32 = arith.constant 0 : i32
    %c0_i32_0 = arith.constant 0 : i32
    return %arg0, %c0_i32 : i32, i32
  }
}

</mosaic_0001>

<sc_bundles>
// kernel: kernel.11.cloned.1.call-start
scs
__scs_entry_jumppad:
0x0: {  	(pc) =	sbr.rel $0x88, $3  }
0x1: {  	(tag) =	ssettag $0x0;
	lr =	simm.s32 $0x1  }
0x2: {  	[smem:$0x3F97] =	sst lr;
	_ =	strace $0xD0000000  }
0x3: {  	_ = 	snop  }
0x4: {  	_ = 	snop  }
0x5: {  	_ = 	snop  }
0x6: {  	_ = 	snop  }
0x7: {  	_ = 	snop  }
__scs_overlays_trampoline_lowered:
0x8: {  	[smem:$0x3FA6] =	sst s0  }
0x9: {  	[smem:$0x3FA7] =	sst s1  }
0xa: {  	[smem:$0x3FA8] =	sst s2  }
0xb: {  	[smem:$0x3FA9] =	sst s3  }
0xc: {  	[smem:$0x3FAA] =	sst s4  }
0xd: {  	[smem:$0x3FAB] =	sst s5  }
0xe: {  	[smem:$0x3FAC] =	sst s6  }
0xf: {  	[smem:$0x3FAD] =	sst s7  }
0x10: {  	[smem:$0x3FAE] =	sst s8  }
0x11: {  	[smem:$0x3FAF] =	sst s9;
	s0 =	simm.s32 @!p0 $0x0  }
0x12: {  	s1 =	sld [smem:$0x3F95];
	s0 =	simm.s32 @p0 $0x1  }
0x13: {  	[smem:$0x3FB0] =	sst s0;
	s0 =	simm.s32 @!p1 $0x0  }
0x14: {  	s2 =	sld [smem:$0x3F94];
	s0 =	simm.s32 @p1 $0x1  }
0x15: {  	[smem:$0x3FB1] =	sst s0;
	s0 =	simm.s32 @!p2 $0x0  }
0x16: {  	s3 =	sld [smem:$0x3FDB];
	s0 =	simm.s32 @p2 $0x1  }
0x17: {  	s4 =	simm.s32 $0x1BF5;
	[smem:$0x3FB3] =	sst s0  }
0x18: {  	s0 =	sld [smem:$0x3F96];
	_ =	swait.ge [sflag:s4], $0x0  }
0x19: {  	s7 =	sld [smem:$0x3F97]  }
0x1a: {  	s8 =	sadd.s32 $0xFFFFE003, lr  }
0x1b: {  	s9 =	sadd.s32 $0xFFFFFEF7, lr;
	s5 =	simm.s32 $0xFFFFFFFF;
	p2 =	slt.u32 s8, $0xFFFFF086  }
0x1c: {  	p1 =	slt.u32 s9, $0xF7A;
	s5 =	simm.s32 @!p2 $0x0  }
0x1d: {  	s5 =	simm.s32 @p1 $0x1;
	p0 =	seq.s32 s7, s2  }
0x1e: {  	s7 =	smul.u32 @!p0 $0xF7A, s2;
	p2 =	seq.s32 @!p0 s5, $0x0  }
0x1f: {  	s9 =	smul.u32 $0xF7A, s1;
	s8 =	simm.s32 @!p0 $0x1BF5;
	p2 =	por !p2, p0  }
0x20: {  	[sflag:s8] =	ssyncset.s32 @!p0 $0xFFFFF086;
	s6 =	sadd.s32 @!p0 s3, s7;
	s7 =	simm.s32 @!p0 $0x108  }
0x21: {  	s3 =	sadd.s32 s3, s9;
	s6 =	sadd.s32 @!p0 $0x88, s6;
	s7 =	simm.s32 @p2 $0x1082  }
0x22: {  	[simem:s7], [sflag:s8] =	dma.local @!p0 [hbm:s6], $0xF7A  }
0x23: {  	s9 =	sor.u32 $0xD0000000, s2;
	s6 =	simm.s32 $0x108;
	_ =	swait.ge @!p0 [sflag:s8], $0x0  }
0x24: {  	s3 =	sadd.s32 $0x88, s3;
	s6 =	simm.s32 @!p1 $0x1082;
	[sflag:s4] =	ssyncset.s32 $0xFFFFF086  }
0x25: {  	[simem:s6], [sflag:s4] =	dma.local [hbm:s3], $0xF7A  }
0x26: {  	[smem:$0x3F97] =	sst s1;
	(tag) =	ssettag s2;
	_ =	strace s9  }
0x27: {  	s1 =	sld [smem:$0x3FA7]  }
0x28: {  	s2 =	sld [smem:$0x3FA8]  }
0x29: {  	s4 =	sld [smem:$0x3FAA]  }
0x2a: {  	p0 =	seq.s32 s5, $0x0;
	s5 =	sld [smem:$0x3FAB]  }
0x2b: {  	s6 =	sld [smem:$0x3FAC]  }
0x2c: {  	s7 =	sld [smem:$0x3FAD]  }
0x2d: {  	s3 =	simm.s32 $0x108;
	s8 =	sld [smem:$0x3FAE]  }
0x2e: {  	s3 =	simm.s32 @!p0 $0x1082;
	s9 =	sld [smem:$0x3FAF]  }
0x2f: {  	lr =	sadd.s32 s0, s3;
	s0 =	sld [smem:$0x3FA6]  }
0x30: {  	s3 =	sld [smem:$0x3FA9]  }
0x31: {  	[smem:$0x3FB2] =	sst s10  }
0x32: {  	s10 =	sld [smem:$0x3FB0];
	_ =	sdelay $0x3  }
0x33: {  	p0 =	seq.s32 s10, $0x1;
	s10 =	sld [smem:$0x3FB2];
	_ =	sdelay $0x3  }
0x34: {  	[smem:$0x3FB2] =	sst s10  }
0x35: {  	s10 =	sld [smem:$0x3FB1];
	_ =	sdelay $0x3  }
0x36: {  	p1 =	seq.s32 s10, $0x1;
	s10 =	sld [smem:$0x3FB2];
	_ =	sdelay $0x3  }
0x37: {  	[smem:$0x3FB2] =	sst s10  }
0x38: {  	s10 =	sld [smem:$0x3FB3]  }
0x39: {  	_ = 	snop;
	(pc) =	sbr.ind lr, $3  }
0x3a: {  	_ = 	snop  }
0x3b: {  	_ = 	snop  }
0x3c: {  	p2 =	seq.s32 s10, $0x1;
	s10 =	sld [smem:$0x3FB2]  }
0x3d: {  	_ =	shalt  }
0x3e: {  	_ =	shalt  }
0x3f: {  	_ =	shalt  }
0x40: {  	_ =	shalt  }
0x41: {  	_ =	shalt  }
0x42: {  	_ =	shalt  }
0x43: {  	_ =	shalt  }
0x44: {  	_ =	shalt  }
0x45: {  	_ =	shalt  }
0x46: {  	_ =	shalt  }
0x47: {  	_ =	shalt  }
0x48: {  	_ =	shalt  }
0x49: {  	_ =	shalt  }
0x4a: {  	_ =	shalt  }
0x4b: {  	_ =	shalt  }
0x4c: {  	_ =	shalt  }
0x4d: {  	_ =	shalt  }
0x4e: {  	_ =	shalt  }
0x4f: {  	_ =	shalt  }
0x50: {  	_ =	shalt  }
0x51: {  	_ =	shalt  }
0x52: {  	_ =	shalt  }
0x53: {  	_ =	shalt  }
0x54: {  	_ =	shalt  }
0x55: {  	_ =	shalt  }
0x56: {  	_ =	shalt  }
0x57: {  	_ =	shalt  }
0x58: {  	_ =	shalt  }
0x59: {  	_ =	shalt  }
0x5a: {  	_ =	shalt  }
0x5b: {  	_ =	shalt  }
0x5c: {  	_ =	shalt  }
0x5d: {  	_ =	shalt  }
0x5e: {  	_ =	shalt  }
0x5f: {  	_ =	shalt  }
0x60: {  	_ =	shalt  }
0x61: {  	_ =	shalt  }
0x62: {  	_ =	shalt  }
0x63: {  	_ =	shalt  }
0x64: {  	_ =	shalt  }
0x65: {  	_ =	shalt  }
0x66: {  	_ =	shalt  }
0x67: {  	_ =	shalt  }
0x68: {  	_ =	shalt  }
0x69: {  	_ =	shalt  }
0x6a: {  	_ =	shalt  }
0x6b: {  	_ =	shalt  }
0x6c: {  	_ =	shalt  }
0x6d: {  	_ =	shalt  }
0x6e: {  	_ =	shalt  }
0x6f: {  	_ =	shalt  }
0x70: {  	_ =	shalt  }
0x71: {  	_ =	shalt  }
0x72: {  	_ =	shalt  }
0x73: {  	_ =	shalt  }
0x74: {  	_ =	shalt  }
0x75: {  	_ =	shalt  }
0x76: {  	_ =	shalt  }
0x77: {  	_ =	shalt  }
0x78: {  	_ =	shalt  }
0x79: {  	_ =	shalt  }
0x7a: {  	_ =	shalt  }
0x7b: {  	_ =	shalt  }
0x7c: {  	_ =	shalt  }
0x7d: {  	_ =	shalt  }
0x7e: {  	_ =	shalt  }
0x7f: {  	_ =	shalt  }
0x80: {  	_ =	shalt  }
0x81: {  	_ =	shalt  }
0x82: {  	_ =	shalt  }
0x83: {  	_ =	shalt  }
0x84: {  	_ =	shalt  }
0x85: {  	_ =	shalt  }
0x86: {  	_ =	shalt  }
0x87: {  	_ =	shalt  }
.Lfunc_end0:
.L_simem_size_0:
called_computation_lowered:
.L_overlay_start_0:
0x88: {  	s2 =	sld [smem:$0x3FD9]  }
0x89: {  	s3 =	sld [smem:$0x3FFE];
	_ =	sdelay $0x1  }
0x8a: {  	s1 =	srdreg.scid  }
0x8b: {  	s0 =	sand.u32 $0x1, s1  }
0x8c: {  	s14 =	sshll.u32 s0, $0xA;
	s2 =	sadd.s32 s3, s2  }
0x8d: {  	s2 =	sadd.s32 s2, s14  }
0x8e: {  	[smem:$0x3FBE] =	sst s2  }
0x8f: {  	_ = 	snop  }
0x90: {  	s2 =	sld [smem:$0x3FD0];
	_ =	sdelay $0x2  }
0x91: {  	s15 =	simm.s32 $0xA;
	s4 =	simm.s32 $0x10  }
0x92: {  	[smem:s4], [sflag:s15] =	dma.local [hbm:s2], $0x1  }
0x93: {  	_ =	swait.eq [sflag:s15], $0x1  }
0x94: {  	[sflag:s15] =	ssyncset.done $0x0  }
0x95: {  	[sflag:s15] =	ssyncadd.s32 $0xFFFFFFFF  }
0x96: {  	s16 =	sld [smem:$0x11];
	(tm) =	ssettm $0x1  }
0x97: {  	s17 =	sld [smem:$0x3FFB];
	_ =	sdelay $0x3  }
0x98: {  	_ =	strace s17  }
0x99: {  	s3 =	sld [smem:$0x3FFC];
	_ =	sdelay $0x3  }
0x9a: {  	_ =	strace s3  }
0x9b: {  	s3 =	sld [smem:$0x3FFD];
	_ =	sdelay $0x3  }
0x9c: {  	_ =	strace s3  }
0x9d: {  	_ =	strace $0x8FFFFFFF  }
0x9e: {  	s18 =	sld [smem:$0x3FDB];
	_ =	sdelay $0x1  }
0x9f: {  	s19 =	simm.s32 $_scs_section_size  }
0xa0: {  	s5 =	simm.s32 $_size__tile_overlayer_lowered;
	s6 =	simm.s32 $_tile_overlayer_lowered  }
0xa1: {  	s22 =	simm.s32 $0x1BFF;
	s21 =	sshll.u32 s6, $0x1;
	s3 =	sadd.s32 s19, s18  }
0xa2: {  	s7 =	simm.s32 $0x0;
	s20 =	sshll.u32 s5, $0x1;
	s5 =	sadd.s32 s21, s3  }
0xa3: {  	[timem:s7], [sflag:s22] =	dma.local [hbm:s5], s20  }
0xa4: {  	_ =	swait.ge [sflag:s22], s20  }
0xa5: {  	s4 =	ssub.s32 $0x0, s20;
	[sflag:s22] =	ssyncset.done $0x0  }
0xa6: {  	[sflag:s22] =	ssyncadd.s32 s4;
	_ =	sdelay $0x1  }
0xa7: {  	s23 =	simm.s32 $0x1B8B  }
0xa8: {  	_ =	swait.ge [sflag:s23], $0x1  }
0xa9: {  	[sflag:s23] =	ssyncset.done $0x0  }
0xaa: {  	s25 =	simm.s32 $0x1B8E;
	s24 =	sld [smem:$0x3FFE];
	[sflag:s23] =	ssyncadd.s32 $0xFFFFFFFF  }
0xab: {  	s26 =	simm.s32 $execute0_lowered;
	[smem:$0x3FD2] =	sst s25  }
0xac: {  	s5 =	sshll.u32 s26, $0x1;
	_ =	strace $0x80000046;
	[dreg:$0x1] =	wrdreg $0xFFFFFFFF  }
0xad: {  	s28 =	simm.s32 $_size_execute0_lowered;
	s3 =	sadd.s32 s3, s5;
	[dreg:$0x0] =	wrdreg $0x0  }
0xae: {  	s5 =	sshll.u32 s28, $0x1;
	[dreg:$0x2] =	wrdreg s3  }
0xaf: {  	[dreg:$0x3] =	wrdreg s5  }
0xb0: {  	[dreg:$0x4] =	wrdreg $0xC0  }
0xb1: {  	_ =	task [dreg:s7], $0x5FFFF  }
0xb2: {  	[dreg:$0x1] =	wrdreg $0xFFFFFFFF  }
0xb3: {  	[dreg:$0x0] =	wrdreg $0x60  }
0xb4: {  	[dreg:$0x2] =	wrdreg s24  }
0xb5: {  	[dreg:$0x3] =	wrdreg s16  }
0xb6: {  	[dreg:$0x4] =	wrdreg $0x9  }
0xb7: {  	_ =	task.clear_ibuf [dreg:s7], $0x5FFFF;
	_ =	strace $0x90000046  }
0xb8: {  	s29 =	simm.s32 $0x9;
	_ =	strace $0x80000048  }
0xb9: {  	_ =	swait.ge [sflag:s29], $0x1  }
0xba: {  	[sflag:s29] =	ssyncadd.s32 $0xFFFFFFFF  }
0xbb: {  	_ =	strace $0x90000048  }
0xbc: {  	_ =	sfence  }
0xbd: {  	s30 =	sld [smem:$0x0];
	_ =	sdelay $0x2  }
0xbe: {  	s31 =	sshll.u32 s1, $0xD;
	s1 =	sshrl.u32 s1, $0x2  }
0xbf: {  	s3 =	sand.u32 $0x4000, s31;
	s1 =	sadd.s32 s1, s30  }
0xc0: {  	s0 =	sor.u32 s3, s0;
	s1 =	sshll.u32 s1, $0x11  }
0xc1: {  	s0 =	sor.u32 s1, s0  }
0xc2: {  	s0 =	sadd.s32 $0x8F2B, s0  }
0xc3: {  	[sflag:s0] =	ssyncadd.remote.s32 $0x1  }
0xc4: {  	_ =	sfence.sel $0xFFFF  }
0xc5: {  	[dreg:$0x0] =	wrdreg $0xFFFFFFFF;
	(pc) =	sbr.abs _section_cstart, $3  }
0xc6: {  	[dreg:$0x1] =	wrdreg $0xFFFFFFFF  }
0xc7: {  	_ =	task.clear_ibuf [dreg:s7], $0x2FFFF;
	_ =	strace $0x9FFFFFFF  }
0xc8: {  	(tm) =	ssettm $0x7FFFFFFF  }
0xc9: {  	_ =	shalt  }
tec
execute0_lowered:
.L_overlay_start_1:
0x0: {  	(tag) =	ssettag $0x1  }
0x1: {  	s3 =	rddreg [dreg:$0x0];
	s1 =	srdreg.scid  }
0x2: {  	s0 =	stileid.u32;
	s4 =	rddreg [dreg:$0x1];
	s9 =	simm.s32 $0x400  }
0x3: {  	s5 =	sand.u32 $0x1, s1;
	s2 =	sshll.u32 s0, $0x1;
	s8 =	sshrl.u32 s0, $0x2  }
0x4: {  	s1 =	rddreg [dreg:$0x2];
	s6 =	sor.u32 s5, s2;
	s8 =	smul.u32 $0x14000, s8  }
0x5: {  	s2 =	simm.s32 $0x0;
	s5 =	ssub.s32 $0x2, s5;
	s7 =	smul.u32 $0x500, s6  }
0x6: {  	[smem:$0x7FF] =	sst s2;
	s6 =	sshll.u32 s6, $0x7;
	s31 =	sshrl.u32 s5, $0x1  }
0x7: {  	_ =	strace $0x80000047;
	s6 =	sand.u32 $0x380, s6;
	s5 =	ssub.s32 s5, s31  }
0x8: {  	s3 =	sadd.s32 s7, s3;
	s6 =	sor.u32 s8, s6;
	s5 =	smax.u32 s5, $0x1  }
0x9: {  	s7 =	simm.s32 $0x2800;
	s8 =	simm.s32 $0x80;
	s6 =	sshrl.u32 s6, $0x3  }
0xa: {  	v0 =	vimm.f32 $0.0e+00;
	v1 =	vimm.f32 $1.000000000e+00;
	s3 =	sadd.s32 $0x3C00, s3;
	s4 =	sadd.s32 s4, s6;
	s6 =	simm.s32 $0x1  }
.LBB2_1:
0xb: {  	s10 =	simm.s32 $0x40;
	s11 =	simm.s32 $0x0  }
.LBB2_2:
0xc: {  	p0 =	sne.s32 s10, $0x9FC0;
	[tilespmem:s11+$0x2800] =	vst v0;
	s11 =	smov.u32 s10;
	s10 =	sadd.s32 $0x40, s10  }
.Ltmp0:
0xd: {  	(pc) =	sbr.rel @p0 .LBB2_2-.Ltmp0, $2  }
0xe: {  	_ =	sdelay $0x2  }
0xf: {  	s11 =	sshra.s32 s11, $0x2  }
0x10: {  	[tilespmem:s11+$0x2800] =	vst v0;
	s10 =	simm.s32 $0x0  }
0x11: {  	[tilespmem:s10], [sflag:$0x1] =	stream.linear.gather [hbm4b:s3+s10], $0x2800, $0x38;
	[tilespmem:$0x5000] =	vst v63  }
0x12: {  	_ =	swait.ge [sflag:s6], $0x2800  }
0x13: {  	[sflag:s6] =	ssyncset.done $0x0  }
0x14: {  	s11 =	simm.s32 $0x0;
	s10 =	simm.s32 $0x40;
	[sflag:s6] =	ssyncadd.s32 $0xFFFFD800  }
.LBB2_4:
0x15: {  	p0 =	sne.s32 s10, $0x9FC0;
	v2 =	vld [tilespmem:s11+$0x0];
	_ =	sdelay $0x3  }
.Ltmp1:
0x16: {  	(pc) =	sbr.rel @p0 .LBB2_4-.Ltmp1, $2  }
0x17: {  	_ =	sdelay $0x2  }
0x18: {  	s11 =	sshra.s32 s10, $0x2;
	s10 =	sadd.s32 $0x40, s10;
	[tilespmem:v2+s7+$0x0] =	vst.idx.add.f32.msk $0xffff, v1  }
0x19: {  	v2 =	vld [tilespmem:s11+$0x0];
	_ =	sdelay $0x5  }
0x1a: {  	s2 =	sadd.s32 $0x1, s2  }
0x1b: {  	p0 =	sne.s32 s2, s5  }
.Ltmp2:
0x1c: {  	[tilespmem:v2+s7+$0x0] =	vst.idx.add.f32.msk $0xffff, v1;
	(pc) =	sbr.rel @p0 .LBB2_1-.Ltmp2, $4  }
0x1d: {  	[hbm4b:s4+s8] =	stream.strided.scatter [tilespmem:s7], [sflag:$0x1], $0x2800, s9, s8, $0x38;
	[tilespmem:$0x5000] =	vst v63  }
0x1e: {  	_ =	swait.ge [sflag:s6], $0x2800  }
0x1f: {  	[sflag:s6] =	ssyncset.done $0x0  }
0x20: {  	[sflag:s6] =	ssyncadd.s32 $0xFFFFD800  }
0x21: {  	_ =	sfence.sel $0x180000  }
0x22: {  	[bflag:$0x0] =	sbarrier.arrive $0xFFFF  }
0x23: {  	p0 =	sne.s32 s0, $0x0;
	_ =	strace $0x90000047  }
0x24: {  	s0 =	sadd.s32 @!p0 $0x100000, s1;
	[bflag:$0x2] =	sbarrier.arrive $0xFFFF  }
0x25: {  	[sflag:s0] =	ssyncadd.tile.s32 @!p0 $0x1;
	_ =	shalt  }
.Lfunc_end2:
_tile_overlayer_lowered:
.L_overlay_start_2:
0x26: {  	(tag) =	ssettag $0x2  }
0x27: {  	s0 =	rddreg [dreg:$0x0];
	s2 =	stileid.u32  }
0x28: {  	s1 =	rddreg [dreg:$0x1];
	p0 =	sne.s32 s2, $0x0  }
0x29: {  	s3 =	rddreg [dreg:$0x2];
	[bflag:$0x3] =	sbarrier.arrive $0xFFFF;
	s2 =	simm.s32 @!p0 $0x1C01  }
0x2a: {  	[timem:s3], [sflag:s2] =	dma.local @!p0 [hbm:s0], s1  }
0x2b: {  	s0 =	simm.s32 @!p0 $0x1  }
0x2c: {  	_ =	swait.ge @!p0 [sflag:s0], s1  }
0x2d: {  	s1 =	ssub.s32 @!p0 $0x0, s1;
	[sflag:s0] =	ssyncset.done @!p0 $0x0  }
0x2e: {  	[sflag:s0] =	ssyncadd.s32 @!p0 s1  }
0x2f: {  	[bflag:$0x3] =	sbarrier.arrive $0xFFFF  }
0x30: {  	_ =	shalt  }

// kernel: kernel.14.cloned.1.call-start
scs
__scs_entry_jumppad:
0x0: {  	(pc) =	sbr.rel $0x88, $3  }
0x1: {  	(tag) =	ssettag $0x0;
	lr =	simm.s32 $0x1  }
0x2: {  	[smem:$0x3F97] =	sst lr;
	_ =	strace $0xD0000000  }
0x3: {  	_ = 	snop  }
0x4: {  	_ = 	snop  }
0x5: {  	_ = 	snop  }
0x6: {  	_ = 	snop  }
0x7: {  	_ = 	snop  }
__scs_overlays_trampoline_lowered:
0x8: {  	[smem:$0x3FA6] =	sst s0  }
0x9: {  	[smem:$0x3FA7] =	sst s1  }
0xa: {  	[smem:$0x3FA8] =	sst s2  }
0xb: {  	[smem:$0x3FA9] =	sst s3  }
0xc: {  	[smem:$0x3FAA] =	sst s4  }
0xd: {  	[smem:$0x3FAB] =	sst s5  }
0xe: {  	[smem:$0x3FAC] =	sst s6  }
0xf: {  	[smem:$0x3FAD] =	sst s7  }
0x10: {  	[smem:$0x3FAE] =	sst s8  }
0x11: {  	[smem:$0x3FAF] =	sst s9;
	s0 =	simm.s32 @!p0 $0x0  }
0x12: {  	s1 =	sld [smem:$0x3F95];
	s0 =	simm.s32 @p0 $0x1  }
0x13: {  	[smem:$0x3FB0] =	sst s0;
	s0 =	simm.s32 @!p1 $0x0  }
0x14: {  	s2 =	sld [smem:$0x3F94];
	s0 =	simm.s32 @p1 $0x1  }
0x15: {  	[smem:$0x3FB1] =	sst s0;
	s0 =	simm.s32 @!p2 $0x0  }
0x16: {  	s3 =	sld [smem:$0x3FDB];
	s0 =	simm.s32 @p2 $0x1  }
0x17: {  	s4 =	simm.s32 $0x1BF5;
	[smem:$0x3FB3] =	sst s0  }
0x18: {  	s0 =	sld [smem:$0x3F96];
	_ =	swait.ge [sflag:s4], $0x0  }
0x19: {  	s7 =	sld [smem:$0x3F97]  }
0x1a: {  	s8 =	sadd.s32 $0xFFFFE003, lr  }
0x1b: {  	s9 =	sadd.s32 $0xFFFFFEF7, lr;
	s5 =	simm.s32 $0xFFFFFFFF;
	p2 =	slt.u32 s8, $0xFFFFF086  }
0x1c: {  	p1 =	slt.u32 s9, $0xF7A;
	s5 =	simm.s32 @!p2 $0x0  }
0x1d: {  	s5 =	simm.s32 @p1 $0x1;
	p0 =	seq.s32 s7, s2  }
0x1e: {  	s7 =	smul.u32 @!p0 $0xF7A, s2;
	p2 =	seq.s32 @!p0 s5, $0x0  }
0x1f: {  	s9 =	smul.u32 $0xF7A, s1;
	s8 =	simm.s32 @!p0 $0x1BF5;
	p2 =	por !p2, p0  }
0x20: {  	[sflag:s8] =	ssyncset.s32 @!p0 $0xFFFFF086;
	s6 =	sadd.s32 @!p0 s3, s7;
	s7 =	simm.s32 @!p0 $0x108  }
0x21: {  	s3 =	sadd.s32 s3, s9;
	s6 =	sadd.s32 @!p0 $0x88, s6;
	s7 =	simm.s32 @p2 $0x1082  }
0x22: {  	[simem:s7], [sflag:s8] =	dma.local @!p0 [hbm:s6], $0xF7A  }
0x23: {  	s9 =	sor.u32 $0xD0000000, s2;
	s6 =	simm.s32 $0x108;
	_ =	swait.ge @!p0 [sflag:s8], $0x0  }
0x24: {  	s3 =	sadd.s32 $0x88, s3;
	s6 =	simm.s32 @!p1 $0x1082;
	[sflag:s4] =	ssyncset.s32 $0xFFFFF086  }
0x25: {  	[simem:s6], [sflag:s4] =	dma.local [hbm:s3], $0xF7A  }
0x26: {  	[smem:$0x3F97] =	sst s1;
	(tag) =	ssettag s2;
	_ =	strace s9  }
0x27: {  	s1 =	sld [smem:$0x3FA7]  }
0x28: {  	s2 =	sld [smem:$0x3FA8]  }
0x29: {  	s4 =	sld [smem:$0x3FAA]  }
0x2a: {  	p0 =	seq.s32 s5, $0x0;
	s5 =	sld [smem:$0x3FAB]  }
0x2b: {  	s6 =	sld [smem:$0x3FAC]  }
0x2c: {  	s7 =	sld [smem:$0x3FAD]  }
0x2d: {  	s3 =	simm.s32 $0x108;
	s8 =	sld [smem:$0x3FAE]  }
0x2e: {  	s3 =	simm.s32 @!p0 $0x1082;
	s9 =	sld [smem:$0x3FAF]  }
0x2f: {  	lr =	sadd.s32 s0, s3;
	s0 =	sld [smem:$0x3FA6]  }
0x30: {  	s3 =	sld [smem:$0x3FA9]  }
0x31: {  	[smem:$0x3FB2] =	sst s10  }
0x32: {  	s10 =	sld [smem:$0x3FB0];
	_ =	sdelay $0x3  }
0x33: {  	p0 =	seq.s32 s10, $0x1;
	s10 =	sld [smem:$0x3FB2];
	_ =	sdelay $0x3  }
0x34: {  	[smem:$0x3FB2] =	sst s10  }
0x35: {  	s10 =	sld [smem:$0x3FB1];
	_ =	sdelay $0x3  }
0x36: {  	p1 =	seq.s32 s10, $0x1;
	s10 =	sld [smem:$0x3FB2];
	_ =	sdelay $0x3  }
0x37: {  	[smem:$0x3FB2] =	sst s10  }
0x38: {  	s10 =	sld [smem:$0x3FB3]  }
0x39: {  	_ = 	snop;
	(pc) =	sbr.ind lr, $3  }
0x3a: {  	_ = 	snop  }
0x3b: {  	_ = 	snop  }
0x3c: {  	p2 =	seq.s32 s10, $0x1;
	s10 =	sld [smem:$0x3FB2]  }
0x3d: {  	_ =	shalt  }
0x3e: {  	_ =	shalt  }
0x3f: {  	_ =	shalt  }
0x40: {  	_ =	shalt  }
0x41: {  	_ =	shalt  }
0x42: {  	_ =	shalt  }
0x43: {  	_ =	shalt  }
0x44: {  	_ =	shalt  }
0x45: {  	_ =	shalt  }
0x46: {  	_ =	shalt  }
0x47: {  	_ =	shalt  }
0x48: {  	_ =	shalt  }
0x49: {  	_ =	shalt  }
0x4a: {  	_ =	shalt  }
0x4b: {  	_ =	shalt  }
0x4c: {  	_ =	shalt  }
0x4d: {  	_ =	shalt  }
0x4e: {  	_ =	shalt  }
0x4f: {  	_ =	shalt  }
0x50: {  	_ =	shalt  }
0x51: {  	_ =	shalt  }
0x52: {  	_ =	shalt  }
0x53: {  	_ =	shalt  }
0x54: {  	_ =	shalt  }
0x55: {  	_ =	shalt  }
0x56: {  	_ =	shalt  }
0x57: {  	_ =	shalt  }
0x58: {  	_ =	shalt  }
0x59: {  	_ =	shalt  }
0x5a: {  	_ =	shalt  }
0x5b: {  	_ =	shalt  }
0x5c: {  	_ =	shalt  }
0x5d: {  	_ =	shalt  }
0x5e: {  	_ =	shalt  }
0x5f: {  	_ =	shalt  }
0x60: {  	_ =	shalt  }
0x61: {  	_ =	shalt  }
0x62: {  	_ =	shalt  }
0x63: {  	_ =	shalt  }
0x64: {  	_ =	shalt  }
0x65: {  	_ =	shalt  }
0x66: {  	_ =	shalt  }
0x67: {  	_ =	shalt  }
0x68: {  	_ =	shalt  }
0x69: {  	_ =	shalt  }
0x6a: {  	_ =	shalt  }
0x6b: {  	_ =	shalt  }
0x6c: {  	_ =	shalt  }
0x6d: {  	_ =	shalt  }
0x6e: {  	_ =	shalt  }
0x6f: {  	_ =	shalt  }
0x70: {  	_ =	shalt  }
0x71: {  	_ =	shalt  }
0x72: {  	_ =	shalt  }
0x73: {  	_ =	shalt  }
0x74: {  	_ =	shalt  }
0x75: {  	_ =	shalt  }
0x76: {  	_ =	shalt  }
0x77: {  	_ =	shalt  }
0x78: {  	_ =	shalt  }
0x79: {  	_ =	shalt  }
0x7a: {  	_ =	shalt  }
0x7b: {  	_ =	shalt  }
0x7c: {  	_ =	shalt  }
0x7d: {  	_ =	shalt  }
0x7e: {  	_ =	shalt  }
0x7f: {  	_ =	shalt  }
0x80: {  	_ =	shalt  }
0x81: {  	_ =	shalt  }
0x82: {  	_ =	shalt  }
0x83: {  	_ =	shalt  }
0x84: {  	_ =	shalt  }
0x85: {  	_ =	shalt  }
0x86: {  	_ =	shalt  }
0x87: {  	_ =	shalt  }
.Lfunc_end0:
.L_simem_size_0:
called_computation.1_lowered:
.L_overlay_start_0:
0x88: {  	s2 =	sld [smem:$0x3FD9]  }
0x89: {  	s3 =	sld [smem:$0x3FFE];
	_ =	sdelay $0x1  }
0x8a: {  	s1 =	srdreg.scid  }
0x8b: {  	s0 =	sand.u32 $0x1, s1  }
0x8c: {  	s14 =	sshll.u32 s0, $0xA;
	s2 =	sadd.s32 s3, s2  }
0x8d: {  	s2 =	sadd.s32 s2, s14  }
0x8e: {  	[smem:$0x3FBE] =	sst s2  }
0x8f: {  	_ = 	snop  }
0x90: {  	s2 =	sld [smem:$0x3FD0];
	_ =	sdelay $0x2  }
0x91: {  	s15 =	simm.s32 $0xA;
	s4 =	simm.s32 $0x10  }
0x92: {  	[smem:s4], [sflag:s15] =	dma.local [hbm:s2], $0x1  }
0x93: {  	_ =	swait.eq [sflag:s15], $0x1  }
0x94: {  	[sflag:s15] =	ssyncset.done $0x0  }
0x95: {  	s16 =	sld [smem:$0x10];
	[sflag:s15] =	ssyncadd.s32 $0xFFFFFFFF  }
0x96: {  	s17 =	sld [smem:$0x11];
	(tm) =	ssettm $0x1  }
0x97: {  	s18 =	sld [smem:$0x3FFB];
	_ =	sdelay $0x3  }
0x98: {  	_ =	strace s18  }
0x99: {  	s4 =	sld [smem:$0x3FFC];
	_ =	sdelay $0x3  }
0x9a: {  	_ =	strace s4  }
0x9b: {  	s4 =	sld [smem:$0x3FFD];
	_ =	sdelay $0x3  }
0x9c: {  	_ =	strace s4  }
0x9d: {  	_ =	strace $0x8FFFFFFF  }
0x9e: {  	s19 =	sld [smem:$0x3FDB];
	_ =	sdelay $0x1  }
0x9f: {  	s5 =	simm.s32 $_scs_section_size  }
0xa0: {  	s6 =	simm.s32 $_size__tile_overlayer_lowered;
	s7 =	simm.s32 $_tile_overlayer_lowered  }
0xa1: {  	s22 =	simm.s32 $0x1BFF;
	s21 =	sshll.u32 s7, $0x1;
	s4 =	sadd.s32 s5, s19  }
0xa2: {  	s8 =	simm.s32 $0x0;
	s20 =	sshll.u32 s6, $0x1;
	s6 =	sadd.s32 s21, s4  }
0xa3: {  	[timem:s8], [sflag:s22] =	dma.local [hbm:s6], s20  }
0xa4: {  	_ =	swait.ge [sflag:s22], s20  }
0xa5: {  	s5 =	ssub.s32 $0x0, s20;
	[sflag:s22] =	ssyncset.done $0x0  }
0xa6: {  	[sflag:s22] =	ssyncadd.s32 s5;
	_ =	sdelay $0x1  }
0xa7: {  	s23 =	simm.s32 $0x1B8B  }
0xa8: {  	_ =	swait.ge [sflag:s23], $0x1  }
0xa9: {  	[sflag:s23] =	ssyncset.done $0x0  }
0xaa: {  	s25 =	simm.s32 $0x1B8E;
	s24 =	sld [smem:$0x3FFE];
	[sflag:s23] =	ssyncadd.s32 $0xFFFFFFFF  }
0xab: {  	s26 =	simm.s32 $execute0_lowered;
	[smem:$0x3FD2] =	sst s25  }
0xac: {  	s6 =	sshll.u32 s26, $0x1;
	_ =	strace $0x80000049;
	[dreg:$0x1] =	wrdreg $0xFFFFFFFF  }
0xad: {  	s28 =	simm.s32 $_size_execute0_lowered;
	s4 =	sadd.s32 s4, s6;
	[dreg:$0x0] =	wrdreg $0x0  }
0xae: {  	s6 =	sshll.u32 s28, $0x1;
	[dreg:$0x2] =	wrdreg s4  }
0xaf: {  	[dreg:$0x3] =	wrdreg s6  }
0xb0: {  	[dreg:$0x4] =	wrdreg $0xC0  }
0xb1: {  	_ =	task [dreg:s8], $0x5FFFF  }
0xb2: {  	[dreg:$0x1] =	wrdreg $0xFFFFFFFF  }
0xb3: {  	[dreg:$0x0] =	wrdreg $0x60  }
0xb4: {  	[dreg:$0x2] =	wrdreg s16  }
0xb5: {  	[dreg:$0x3] =	wrdreg s24  }
0xb6: {  	[dreg:$0x4] =	wrdreg s17  }
0xb7: {  	[dreg:$0x5] =	wrdreg $0x95800  }
0xb8: {  	[dreg:$0x6] =	wrdreg $0x9  }
0xb9: {  	_ =	task.clear_ibuf [dreg:s8], $0x7FFFF;
	_ =	strace $0x90000049  }
0xba: {  	s29 =	simm.s32 $0x9;
	_ =	strace $0x8000004B  }
0xbb: {  	_ =	swait.ge [sflag:s29], $0x1  }
0xbc: {  	[sflag:s29] =	ssyncadd.s32 $0xFFFFFFFF  }
0xbd: {  	_ =	strace $0x9000004B  }
0xbe: {  	_ =	sfence  }
0xbf: {  	s30 =	sld [smem:$0x0];
	_ =	sdelay $0x2  }
0xc0: {  	s31 =	sshll.u32 s1, $0xD;
	s1 =	sshrl.u32 s1, $0x2  }
0xc1: {  	s3 =	sand.u32 $0x4000, s31;
	s1 =	sadd.s32 s1, s30  }
0xc2: {  	s0 =	sor.u32 s3, s0;
	s1 =	sshll.u32 s1, $0x11  }
0xc3: {  	s0 =	sor.u32 s1, s0  }
0xc4: {  	s0 =	sadd.s32 $0x8F2B, s0  }
0xc5: {  	[sflag:s0] =	ssyncadd.remote.s32 $0x1  }
0xc6: {  	_ =	sfence.sel $0xFFFF  }
0xc7: {  	[dreg:$0x0] =	wrdreg $0xFFFFFFFF;
	(pc) =	sbr.abs _section_cstart, $3  }
0xc8: {  	[dreg:$0x1] =	wrdreg $0xFFFFFFFF  }
0xc9: {  	_ =	task.clear_ibuf [dreg:s8], $0x2FFFF;
	_ =	strace $0x9FFFFFFF  }
0xca: {  	(tm) =	ssettm $0x7FFFFFFF  }
0xcb: {  	_ =	shalt  }
tec
execute0_lowered:
.L_overlay_start_1:
0x0: {  	(tag) =	ssettag $0x1  }
0x1: {  	s1 =	rddreg [dreg:$0x0]  }
0x2: {  	s7 =	rddreg [dreg:$0x1]  }
0x3: {  	s10 =	rddreg [dreg:$0x2]  }
0x4: {  	s2 =	rddreg [dreg:$0x3]  }
0x5: {  	s0 =	rddreg [dreg:$0x4]  }
0x6: {  	s3 =	simm.s32 $0x0;
	s4 =	srdreg.scid;
	s15 =	simm.s32 $0x80  }
0x7: {  	s16 =	simm.s32 $0x1400;
	s17 =	simm.s32 $0x1580;
	s18 =	simm.s32 $0x1480  }
0x8: {  	s19 =	simm.s32 $0x5580;
	s20 =	simm.s32 $0x1;
	s21 =	simm.s32 $0x1500  }
0x9: {  	s22 =	simm.s32 $0x2;
	[smem:$0x7FF] =	sst s3;
	s5 =	sadd.s32 $0xDC00, s7  }
0xa: {  	s8 =	sand.u32 $0x1, s4;
	s6 =	sadd.s32 $0x3C00, s7;
	s4 =	stileid.u32  }
0xb: {  	s7 =	sadd.s32 $0x3FC00, s7;
	_ =	strace $0x8000004A;
	s9 =	smul.u32 $0x28000, s8  }
0xc: {  	s11 =	ssub.s32 $0x2, s8;
	s8 =	sshll.u32 s8, $0x4;
	s12 =	smul.u32 $0x2800, s4  }
0xd: {  	s14 =	smul.u32 $0x50000, s4;
	s13 =	sshrl.u32 s11, $0x1;
	s8 =	sor.u32 s4, s8  }
0xe: {  	s31 =	sshll.u32 s4, $0x6;
	s11 =	ssub.s32 s11, s13;
	s8 =	smul.u32 $0x50, s8  }
0xf: {  	s30 =	sshrl.u32 s14, $0x2;
	s12 =	sadd.s32 s12, s9;
	s9 =	sor.u32 $0x1C03, s31  }
0x10: {  	s14 =	simm.s32 $0xA00;
	s13 =	sadd.s32 s30, s2;
	s10 =	sadd.s32 s10, s12  }
0x11: {  	s11 =	smax.u32 s11, $0x1;
	s12 =	sshrl.u32 s13, $0x3;
	s13 =	simm.s32 $0x3  }
.LBB2_1:
0x12: {  	[spmem:s12], [sflag:s9] =	dma.local [hbm:s7], $0x2800  }
0x13: {  	_ =	swait.ge [sflag:s13], $0x2800  }
0x14: {  	[sflag:s13] =	ssyncset.done $0x0  }
0x15: {  	[sflag:s13] =	ssyncadd.s32 $0xFFFFD800  }
0x16: {  	s23 =	simm.s32 $0x0;
	[bflag:$0x0] =	sbarrier.arrive $0xFFFF  }
.LBB2_2:
0x17: {  	s24 =	smul.u32 $0x14, s23;
	_ =	sdelay $0x1  }
0x18: {  	s24 =	sadd.s32 s8, s24  }
0x19: {  	s24 =	sshll.u32 s24, $0x4  }
0x1a: {  	s26 =	simm.s32 $0x0;
	s25 =	sadd.s32 s5, s24  }
0x1b: {  	[tilespmem:s26], [sflag:$0x3] =	stream.linear.gather [hbm4b:s25+s26], $0xA00, $0x38;
	[tilespmem:$0x1D580] =	vst v63  }
0x1c: {  	_ =	swait.ge [sflag:s13], $0xA00  }
0x1d: {  	[sflag:s13] =	ssyncset.done $0x0  }
0x1e: {  	s24 =	sadd.s32 s6, s24;
	[sflag:s13] =	ssyncadd.s32 $0xFFFFF600  }
0x1f: {  	[tilespmem:s14], [sflag:$0x3] =	stream.linear.gather [hbm4b:s24+s26], $0xA00, $0x38;
	[tilespmem:$0x1D580] =	vst v63  }
0x20: {  	_ =	swait.ge [sflag:s13], $0xA00  }
0x21: {  	[sflag:s13] =	ssyncset.done $0x0  }
0x22: {  	[sflag:s13] =	ssyncadd.s32 $0xFFFFF600  }
0x23: {  	v0 =	vld [tilespmem:$0x0]  }
0x24: {  	v1 =	vld [tilespmem:$0x10]  }
0x25: {  	v2 =	vld [tilespmem:$0x20]  }
0x26: {  	v3 =	vld [tilespmem:$0x30]  }
0x27: {  	v4 =	vld [tilespmem:$0x40]  }
0x28: {  	v61 =	vld [tilespmem:$0x50];
	[tilespmem:$0x1400] =	vst v0  }
0x29: {  	v62 =	vld [tilespmem:$0x60];
	[tilespmem:$0x1410] =	vst v1  }
0x2a: {  	v63 =	vld [tilespmem:$0x70];
	[tilespmem:$0x1420] =	vst v2  }
0x2b: {  	[tilespmem:$0x1430] =	vst v3  }
0x2c: {  	[tilespmem:$0x1440] =	vst v4  }
0x2d: {  	[tilespmem:$0x1450] =	vst v61  }
0x2e: {  	[tilespmem:$0x1460] =	vst v62  }
0x2f: {  	s31 =	simm.s32 $0x0;
	[tilespmem:$0x1470] =	vst v63  }
0x30: {  	[tilespmem:s17], [sflag:$0x1] =	stream.indirect.gather [hbm4b:s1+s15], $0x80, s16, s15, $0xb8;
	[tilespmem:$0x1D580] =	vst v63  }
0x31: {  	v0 =	vld [tilespmem:s31+$0x80];
	_ =	sdelay $0x4  }
0x32: {  	[tilespmem:$0x1480] =	vst v0  }
0x33: {  	v0 =	vld [tilespmem:s31+$0x90];
	_ =	sdelay $0x4  }
0x34: {  	[tilespmem:$0x1490] =	vst v0  }
0x35: {  	v0 =	vld [tilespmem:s31+$0xA0];
	_ =	sdelay $0x4  }
0x36: {  	[tilespmem:$0x14A0] =	vst v0  }
0x37: {  	v0 =	vld [tilespmem:s31+$0xB0];
	_ =	sdelay $0x4  }
0x38: {  	[tilespmem:$0x14B0] =	vst v0  }
0x39: {  	v0 =	vld [tilespmem:s31+$0xC0];
	_ =	sdelay $0x4  }
0x3a: {  	[tilespmem:$0x14C0] =	vst v0  }
0x3b: {  	v0 =	vld [tilespmem:s31+$0xD0];
	_ =	sdelay $0x4  }
0x3c: {  	[tilespmem:$0x14D0] =	vst v0  }
0x3d: {  	v0 =	vld [tilespmem:s31+$0xE0];
	_ =	sdelay $0x4  }
0x3e: {  	[tilespmem:$0x14E0] =	vst v0  }
0x3f: {  	v0 =	vld [tilespmem:s31+$0xF0];
	_ =	sdelay $0x4  }
0x40: {  	[tilespmem:$0x14F0] =	vst v0  }
0x41: {  	[tilespmem:s19], [sflag:$0x2] =	stream.indirect.gather [hbm4b:s1+s15], $0x80, s18, s15, $0xb8;
	[tilespmem:$0x1D580] =	vst v63  }
0x42: {  	v0 =	vld [tilespmem:s31+$0xA00];
	_ =	sdelay $0x4  }
0x43: {  	[tilespmem:$0x1500] =	vst v0  }
0x44: {  	v0 =	vld [tilespmem:s31+$0xA10];
	_ =	sdelay $0x4  }
0x45: {  	[tilespmem:$0x1510] =	vst v0  }
0x46: {  	v0 =	vld [tilespmem:s31+$0xA20];
	_ =	sdelay $0x4  }
0x47: {  	[tilespmem:$0x1520] =	vst v0  }
0x48: {  	v0 =	vld [tilespmem:s31+$0xA30];
	_ =	sdelay $0x4  }
0x49: {  	[tilespmem:$0x1530] =	vst v0  }
0x4a: {  	v0 =	vld [tilespmem:s31+$0xA40];
	_ =	sdelay $0x4  }
0x4b: {  	[tilespmem:$0x1540] =	vst v0  }
0x4c: {  	v0 =	vld [tilespmem:s31+$0xA50];
	_ =	sdelay $0x4  }
0x4d: {  	[tilespmem:$0x1550] =	vst v0  }
0x4e: {  	v0 =	vld [tilespmem:s31+$0xA60];
	_ =	sdelay $0x4  }
0x4f: {  	[tilespmem:$0x1560] =	vst v0  }
0x50: {  	v0 =	vld [tilespmem:s31+$0xA70];
	_ =	sdelay $0x4  }
0x51: {  	[tilespmem:$0x1570] =	vst v0  }
0x52: {  	_ =	swait.ge [sflag:s20], $0x4000  }
0x53: {  	[sflag:s20] =	ssyncset.done $0x0  }
0x54: {  	[sflag:s20] =	ssyncadd.s32 $0xFFFFC000  }
0x55: {  	[spmem:s2] =	stream.indirect.scatter.add.f32 [tilespmem:s17], [sflag:$0x3], $0x80, s21, s15, $0xb8;
	[tilespmem:$0x1D580] =	vst v63  }
0x56: {  	_ =	swait.ge [sflag:s13], $0x4000  }
0x57: {  	p0 =	por $0x0, $0x0;
	[sflag:s13] =	ssyncset.done $0x0  }
0x58: {  	s25 =	simm.s32 @!p0 $0x0;
	[sflag:s13] =	ssyncadd.s32 $0xFFFFC000  }
0x59: {  	v0 =	vld @!p0 [tilespmem:s25+$0x100];
	_ =	sdelay $0x4  }
0x5a: {  	[tilespmem:$0x1400] =	vst @!p0 v0  }
0x5b: {  	v0 =	vld @!p0 [tilespmem:s25+$0x110];
	_ =	sdelay $0x4  }
0x5c: {  	[tilespmem:$0x1410] =	vst @!p0 v0  }
0x5d: {  	v0 =	vld @!p0 [tilespmem:s25+$0x120];
	_ =	sdelay $0x4  }
0x5e: {  	[tilespmem:$0x1420] =	vst @!p0 v0  }
0x5f: {  	v0 =	vld @!p0 [tilespmem:s25+$0x130];
	_ =	sdelay $0x4  }
0x60: {  	[tilespmem:$0x1430] =	vst @!p0 v0  }
0x61: {  	v0 =	vld @!p0 [tilespmem:s25+$0x140];
	_ =	sdelay $0x4  }
0x62: {  	[tilespmem:$0x1440] =	vst @!p0 v0  }
0x63: {  	v0 =	vld @!p0 [tilespmem:s25+$0x150];
	_ =	sdelay $0x4  }
0x64: {  	[tilespmem:$0x1450] =	vst @!p0 v0  }
0x65: {  	v0 =	vld @!p0 [tilespmem:s25+$0x160];
	_ =	sdelay $0x4  }
0x66: {  	[tilespmem:$0x1460] =	vst @!p0 v0  }
0x67: {  	v0 =	vld @!p0 [tilespmem:s25+$0x170];
	_ =	sdelay $0x4  }
0x68: {  	s28 =	simm.s32 @!p0 $0x1580;
	s26 =	simm.s32 @!p0 $0x1400;
	s25 =	simm.s32 @!p0 $0x80;
	[tilespmem:$0x1470] =	vst @!p0 v0  }
0x69: {  	[tilespmem:s28], [sflag:$0x1] =	stream.indirect.gather @!p0 [hbm4b:s1+s25], $0x80, s26, s25, $0xb8;
	[tilespmem:$0x1D580] =	vst v63  }
0x6a: {  	v0 =	vld [tilespmem:s31+$0xA80];
	_ =	sdelay $0x4  }
0x6b: {  	[tilespmem:$0x1500] =	vst v0  }
0x6c: {  	v0 =	vld [tilespmem:s31+$0xA90];
	_ =	sdelay $0x4  }
0x6d: {  	[tilespmem:$0x1510] =	vst v0  }
0x6e: {  	v0 =	vld [tilespmem:s31+$0xAA0];
	_ =	sdelay $0x4  }
0x6f: {  	[tilespmem:$0x1520] =	vst v0  }
0x70: {  	v0 =	vld [tilespmem:s31+$0xAB0];
	_ =	sdelay $0x4  }
0x71: {  	[tilespmem:$0x1530] =	vst v0  }
0x72: {  	v0 =	vld [tilespmem:s31+$0xAC0];
	_ =	sdelay $0x4  }
0x73: {  	[tilespmem:$0x1540] =	vst v0  }
0x74: {  	v0 =	vld [tilespmem:s31+$0xAD0];
	_ =	sdelay $0x4  }
0x75: {  	[tilespmem:$0x1550] =	vst v0  }
0x76: {  	v0 =	vld [tilespmem:s31+$0xAE0];
	_ =	sdelay $0x4  }
0x77: {  	[tilespmem:$0x1560] =	vst v0  }
0x78: {  	v0 =	vld [tilespmem:s31+$0xAF0];
	_ =	sdelay $0x4  }
0x79: {  	[tilespmem:$0x1570] =	vst v0  }
0x7a: {  	_ =	swait.ge [sflag:s22], $0x4000  }
0x7b: {  	[sflag:s22] =	ssyncset.done $0x0  }
0x7c: {  	[sflag:s22] =	ssyncadd.s32 $0xFFFFC000  }
0x7d: {  	[spmem:s2] =	stream.indirect.scatter.add.f32 [tilespmem:s19], [sflag:$0x3], $0x80, s21, s15, $0xb8;
	[tilespmem:$0x1D580] =	vst v63  }
0x7e: {  	_ =	swait.ge [sflag:s13], $0x4000  }
0x7f: {  	s24 =	simm.s32 $0x400;
	s25 =	simm.s32 $0x800;
	[sflag:s13] =	ssyncset.done $0x0  }
.LBB2_3:
0x80: {  	s26 =	sshra.s32 s24, $0x2  }
0x81: {  	[sflag:s13] =	ssyncadd.s32 $0xFFFFC000;
	s28 =	smov.u32 s25;
	s25 =	sadd.s32 $0x400, s25  }
0x82: {  	p0 =	sne.s32 s25, $0x2800;
	v0 =	vld [tilespmem:s26+$0x80];
	_ =	sdelay $0x4  }
0x83: {  	[tilespmem:$0x1480] =	vst v0  }
0x84: {  	v0 =	vld [tilespmem:s26+$0x90];
	_ =	sdelay $0x4  }
0x85: {  	[tilespmem:$0x1490] =	vst v0  }
0x86: {  	v0 =	vld [tilespmem:s26+$0xA0];
	_ =	sdelay $0x4  }
0x87: {  	[tilespmem:$0x14A0] =	vst v0  }
0x88: {  	v0 =	vld [tilespmem:s26+$0xB0];
	_ =	sdelay $0x4  }
0x89: {  	[tilespmem:$0x14B0] =	vst v0  }
0x8a: {  	v0 =	vld [tilespmem:s26+$0xC0];
	_ =	sdelay $0x4  }
0x8b: {  	[tilespmem:$0x14C0] =	vst v0  }
0x8c: {  	v0 =	vld [tilespmem:s26+$0xD0];
	_ =	sdelay $0x4  }
0x8d: {  	[tilespmem:$0x14D0] =	vst v0  }
0x8e: {  	v0 =	vld [tilespmem:s26+$0xE0];
	_ =	sdelay $0x4  }
0x8f: {  	[tilespmem:$0x14E0] =	vst v0  }
0x90: {  	v0 =	vld [tilespmem:s26+$0xF0];
	_ =	sdelay $0x4  }
0x91: {  	[tilespmem:$0x14F0] =	vst v0  }
0x92: {  	[tilespmem:s19], [sflag:$0x2] =	stream.indirect.gather [hbm4b:s1+s15], $0x80, s18, s15, $0xb8;
	[tilespmem:$0x1D580] =	vst v63  }
0x93: {  	v0 =	vld [tilespmem:s26+$0xA00];
	_ =	sdelay $0x4  }
0x94: {  	[tilespmem:$0x1500] =	vst v0  }
0x95: {  	v0 =	vld [tilespmem:s26+$0xA10];
	_ =	sdelay $0x4  }
0x96: {  	[tilespmem:$0x1510] =	vst v0  }
0x97: {  	v0 =	vld [tilespmem:s26+$0xA20];
	_ =	sdelay $0x4  }
0x98: {  	[tilespmem:$0x1520] =	vst v0  }
0x99: {  	v0 =	vld [tilespmem:s26+$0xA30];
	_ =	sdelay $0x4  }
0x9a: {  	[tilespmem:$0x1530] =	vst v0  }
0x9b: {  	v0 =	vld [tilespmem:s26+$0xA40];
	_ =	sdelay $0x4  }
0x9c: {  	[tilespmem:$0x1540] =	vst v0  }
0x9d: {  	v0 =	vld [tilespmem:s26+$0xA50];
	_ =	sdelay $0x4  }
0x9e: {  	[tilespmem:$0x1550] =	vst v0  }
0x9f: {  	v0 =	vld [tilespmem:s26+$0xA60];
	_ =	sdelay $0x4  }
0xa0: {  	[tilespmem:$0x1560] =	vst v0  }
0xa1: {  	v0 =	vld [tilespmem:s26+$0xA70];
	_ =	sdelay $0x4  }
0xa2: {  	[tilespmem:$0x1570] =	vst v0  }
0xa3: {  	_ =	swait.ge [sflag:s20], $0x4000  }
0xa4: {  	[sflag:s20] =	ssyncset.done $0x0  }
0xa5: {  	[sflag:s20] =	ssyncadd.s32 $0xFFFFC000  }
0xa6: {  	[spmem:s2] =	stream.indirect.scatter.add.f32 [tilespmem:s17], [sflag:$0x3], $0x80, s21, s15, $0xb8;
	[tilespmem:$0x1D580] =	vst v63  }
0xa7: {  	_ =	swait.ge [sflag:s13], $0x4000  }
0xa8: {  	p1 =	seq.s32 s24, $0x2400;
	[sflag:s13] =	ssyncset.done $0x0  }
0xa9: {  	s29 =	sshra.s32 @!p1 s24, $0x2;
	s24 =	smov.u32 s28;
	[sflag:s13] =	ssyncadd.s32 $0xFFFFC000  }
0xaa: {  	v0 =	vld @!p1 [tilespmem:s29+$0x100];
	_ =	sdelay $0x4  }
0xab: {  	[tilespmem:$0x1400] =	vst @!p1 v0  }
0xac: {  	v0 =	vld @!p1 [tilespmem:s29+$0x110];
	_ =	sdelay $0x4  }
0xad: {  	[tilespmem:$0x1410] =	vst @!p1 v0  }
0xae: {  	v0 =	vld @!p1 [tilespmem:s29+$0x120];
	_ =	sdelay $0x4  }
0xaf: {  	[tilespmem:$0x1420] =	vst @!p1 v0  }
0xb0: {  	v0 =	vld @!p1 [tilespmem:s29+$0x130];
	_ =	sdelay $0x4  }
0xb1: {  	[tilespmem:$0x1430] =	vst @!p1 v0  }
0xb2: {  	v0 =	vld @!p1 [tilespmem:s29+$0x140];
	_ =	sdelay $0x4  }
0xb3: {  	[tilespmem:$0x1440] =	vst @!p1 v0  }
0xb4: {  	v0 =	vld @!p1 [tilespmem:s29+$0x150];
	_ =	sdelay $0x4  }
0xb5: {  	[tilespmem:$0x1450] =	vst @!p1 v0  }
0xb6: {  	v0 =	vld @!p1 [tilespmem:s29+$0x160];
	_ =	sdelay $0x4  }
0xb7: {  	[tilespmem:$0x1460] =	vst @!p1 v0  }
0xb8: {  	v0 =	vld @!p1 [tilespmem:s29+$0x170];
	_ =	sdelay $0x4  }
0xb9: {  	s28 =	simm.s32 @!p1 $0x80;
	s30 =	simm.s32 @!p1 $0x1580;
	s29 =	simm.s32 @!p1 $0x1400;
	[tilespmem:$0x1470] =	vst @!p1 v0  }
0xba: {  	[tilespmem:s30], [sflag:$0x1] =	stream.indirect.gather @!p1 [hbm4b:s1+s28], $0x80, s29, s28, $0xb8;
	[tilespmem:$0x1D580] =	vst v63  }
0xbb: {  	v0 =	vld [tilespmem:s26+$0xA80];
	_ =	sdelay $0x4  }
0xbc: {  	[tilespmem:$0x1500] =	vst v0  }
0xbd: {  	v0 =	vld [tilespmem:s26+$0xA90];
	_ =	sdelay $0x4  }
0xbe: {  	[tilespmem:$0x1510] =	vst v0  }
0xbf: {  	v0 =	vld [tilespmem:s26+$0xAA0];
	_ =	sdelay $0x4  }
0xc0: {  	[tilespmem:$0x1520] =	vst v0  }
0xc1: {  	v0 =	vld [tilespmem:s26+$0xAB0];
	_ =	sdelay $0x4  }
0xc2: {  	[tilespmem:$0x1530] =	vst v0  }
0xc3: {  	v0 =	vld [tilespmem:s26+$0xAC0];
	_ =	sdelay $0x4  }
0xc4: {  	[tilespmem:$0x1540] =	vst v0  }
0xc5: {  	v0 =	vld [tilespmem:s26+$0xAD0];
	_ =	sdelay $0x4  }
0xc6: {  	[tilespmem:$0x1550] =	vst v0  }
0xc7: {  	v0 =	vld [tilespmem:s26+$0xAE0];
	_ =	sdelay $0x4  }
0xc8: {  	[tilespmem:$0x1560] =	vst v0  }
0xc9: {  	v0 =	vld [tilespmem:s26+$0xAF0];
	_ =	sdelay $0x4  }
0xca: {  	[tilespmem:$0x1570] =	vst v0  }
0xcb: {  	_ =	swait.ge [sflag:s22], $0x4000  }
.Ltmp0:
0xcc: {  	[sflag:s22] =	ssyncset.done $0x0;
	(pc) =	sbr.rel @p0 .LBB2_3-.Ltmp0, $4  }
0xcd: {  	[sflag:s22] =	ssyncadd.s32 $0xFFFFC000  }
0xce: {  	[spmem:s2] =	stream.indirect.scatter.add.f32 [tilespmem:s19], [sflag:$0x3], $0x80, s21, s15, $0xb8;
	[tilespmem:$0x1D580] =	vst v63  }
0xcf: {  	_ =	swait.ge [sflag:s13], $0x4000  }
0xd0: {  	[sflag:s13] =	ssyncset.done $0x0  }
0xd1: {  	s25 =	sshra.s32 s24, $0x2;
	[sflag:s13] =	ssyncadd.s32 $0xFFFFC000  }
0xd2: {  	v0 =	vld [tilespmem:s25+$0x80];
	_ =	sdelay $0x4  }
0xd3: {  	[tilespmem:$0x1480] =	vst v0  }
0xd4: {  	v0 =	vld [tilespmem:s25+$0x90];
	_ =	sdelay $0x4  }
0xd5: {  	[tilespmem:$0x1490] =	vst v0  }
0xd6: {  	v0 =	vld [tilespmem:s25+$0xA0];
	_ =	sdelay $0x4  }
0xd7: {  	[tilespmem:$0x14A0] =	vst v0  }
0xd8: {  	v0 =	vld [tilespmem:s25+$0xB0];
	_ =	sdelay $0x4  }
0xd9: {  	[tilespmem:$0x14B0] =	vst v0  }
0xda: {  	v0 =	vld [tilespmem:s25+$0xC0];
	_ =	sdelay $0x4  }
0xdb: {  	[tilespmem:$0x14C0] =	vst v0  }
0xdc: {  	v0 =	vld [tilespmem:s25+$0xD0];
	_ =	sdelay $0x4  }
0xdd: {  	[tilespmem:$0x14D0] =	vst v0  }
0xde: {  	v0 =	vld [tilespmem:s25+$0xE0];
	_ =	sdelay $0x4  }
0xdf: {  	[tilespmem:$0x14E0] =	vst v0  }
0xe0: {  	v0 =	vld [tilespmem:s25+$0xF0];
	_ =	sdelay $0x4  }
0xe1: {  	[tilespmem:$0x14F0] =	vst v0  }
0xe2: {  	[tilespmem:s19], [sflag:$0x2] =	stream.indirect.gather [hbm4b:s1+s15], $0x80, s18, s15, $0xb8;
	[tilespmem:$0x1D580] =	vst v63  }
0xe3: {  	v0 =	vld [tilespmem:s25+$0xA00];
	_ =	sdelay $0x4  }
0xe4: {  	[tilespmem:$0x1500] =	vst v0  }
0xe5: {  	v0 =	vld [tilespmem:s25+$0xA10];
	_ =	sdelay $0x4  }
0xe6: {  	[tilespmem:$0x1510] =	vst v0  }
0xe7: {  	v0 =	vld [tilespmem:s25+$0xA20];
	_ =	sdelay $0x4  }
0xe8: {  	[tilespmem:$0x1520] =	vst v0  }
0xe9: {  	v0 =	vld [tilespmem:s25+$0xA30];
	_ =	sdelay $0x4  }
0xea: {  	[tilespmem:$0x1530] =	vst v0  }
0xeb: {  	v0 =	vld [tilespmem:s25+$0xA40];
	_ =	sdelay $0x4  }
0xec: {  	[tilespmem:$0x1540] =	vst v0  }
0xed: {  	v0 =	vld [tilespmem:s25+$0xA50];
	_ =	sdelay $0x4  }
0xee: {  	[tilespmem:$0x1550] =	vst v0  }
0xef: {  	v0 =	vld [tilespmem:s25+$0xA60];
	_ =	sdelay $0x4  }
0xf0: {  	[tilespmem:$0x1560] =	vst v0  }
0xf1: {  	v0 =	vld [tilespmem:s25+$0xA70];
	_ =	sdelay $0x4  }
0xf2: {  	[tilespmem:$0x1570] =	vst v0  }
0xf3: {  	_ =	swait.ge [sflag:s20], $0x4000  }
0xf4: {  	[sflag:s20] =	ssyncset.done $0x0  }
0xf5: {  	[sflag:s20] =	ssyncadd.s32 $0xFFFFC000  }
0xf6: {  	[spmem:s2] =	stream.indirect.scatter.add.f32 [tilespmem:s17], [sflag:$0x3], $0x80, s21, s15, $0xb8;
	[tilespmem:$0x1D580] =	vst v63  }
0xf7: {  	_ =	swait.ge [sflag:s13], $0x4000  }
0xf8: {  	p0 =	seq.s32 s24, $0x2400;
	[sflag:s13] =	ssyncset.done $0x0  }
0xf9: {  	s24 =	sshra.s32 @!p0 s24, $0x2;
	[sflag:s13] =	ssyncadd.s32 $0xFFFFC000  }
0xfa: {  	v0 =	vld @!p0 [tilespmem:s24+$0x100];
	_ =	sdelay $0x4  }
0xfb: {  	[tilespmem:$0x1400] =	vst @!p0 v0  }
0xfc: {  	v0 =	vld @!p0 [tilespmem:s24+$0x110];
	_ =	sdelay $0x4  }
0xfd: {  	[tilespmem:$0x1410] =	vst @!p0 v0  }
0xfe: {  	v0 =	vld @!p0 [tilespmem:s24+$0x120];
	_ =	sdelay $0x4  }
0xff: {  	[tilespmem:$0x1420] =	vst @!p0 v0  }
0x100: {  	v0 =	vld @!p0 [tilespmem:s24+$0x130];
	_ =	sdelay $0x4  }
0x101: {  	[tilespmem:$0x1430] =	vst @!p0 v0  }
0x102: {  	v0 =	vld @!p0 [tilespmem:s24+$0x140];
	_ =	sdelay $0x4  }
0x103: {  	[tilespmem:$0x1440] =	vst @!p0 v0  }
0x104: {  	v0 =	vld @!p0 [tilespmem:s24+$0x150];
	_ =	sdelay $0x4  }
0x105: {  	[tilespmem:$0x1450] =	vst @!p0 v0  }
0x106: {  	v0 =	vld @!p0 [tilespmem:s24+$0x160];
	_ =	sdelay $0x4  }
0x107: {  	[tilespmem:$0x1460] =	vst @!p0 v0  }
0x108: {  	v0 =	vld @!p0 [tilespmem:s24+$0x170];
	_ =	sdelay $0x4  }
0x109: {  	s26 =	simm.s32 @!p0 $0x1400;
	s28 =	simm.s32 @!p0 $0x1580;
	s24 =	simm.s32 @!p0 $0x80;
	[tilespmem:$0x1470] =	vst @!p0 v0  }
0x10a: {  	[tilespmem:s28], [sflag:$0x1] =	stream.indirect.gather @!p0 [hbm4b:s1+s24], $0x80, s26, s24, $0xb8;
	[tilespmem:$0x1D580] =	vst v63  }
0x10b: {  	v0 =	vld [tilespmem:s25+$0xA80];
	_ =	sdelay $0x4  }
0x10c: {  	[tilespmem:$0x1500] =	vst v0  }
0x10d: {  	v0 =	vld [tilespmem:s25+$0xA90];
	_ =	sdelay $0x4  }
0x10e: {  	[tilespmem:$0x1510] =	vst v0  }
0x10f: {  	v0 =	vld [tilespmem:s25+$0xAA0];
	_ =	sdelay $0x4  }
0x110: {  	[tilespmem:$0x1520] =	vst v0  }
0x111: {  	v0 =	vld [tilespmem:s25+$0xAB0];
	_ =	sdelay $0x4  }
0x112: {  	[tilespmem:$0x1530] =	vst v0  }
0x113: {  	v0 =	vld [tilespmem:s25+$0xAC0];
	_ =	sdelay $0x4  }
0x114: {  	[tilespmem:$0x1540] =	vst v0  }
0x115: {  	v0 =	vld [tilespmem:s25+$0xAD0];
	_ =	sdelay $0x4  }
0x116: {  	[tilespmem:$0x1550] =	vst v0  }
0x117: {  	v0 =	vld [tilespmem:s25+$0xAE0];
	_ =	sdelay $0x4  }
0x118: {  	[tilespmem:$0x1560] =	vst v0  }
0x119: {  	v0 =	vld [tilespmem:s25+$0xAF0];
	_ =	sdelay $0x4  }
0x11a: {  	[tilespmem:$0x1570] =	vst v0  }
0x11b: {  	s23 =	sadd.s32 $0x1, s23;
	_ =	swait.ge [sflag:s22], $0x4000  }
0x11c: {  	p0 =	sne.s32 s23, $0x4;
	[sflag:s22] =	ssyncset.done $0x0  }
.Ltmp1:
0x11d: {  	[sflag:s22] =	ssyncadd.s32 $0xFFFFC000;
	(pc) =	sbr.rel @p0 .LBB2_2-.Ltmp1, $4  }
0x11e: {  	[spmem:s2] =	stream.indirect.scatter.add.f32 [tilespmem:s19], [sflag:$0x3], $0x80, s21, s15, $0xb8;
	[tilespmem:$0x1D580] =	vst v63  }
0x11f: {  	_ =	swait.ge [sflag:s13], $0x4000  }
0x120: {  	[sflag:s13] =	ssyncset.done $0x0  }
0x121: {  	[sflag:s13] =	ssyncadd.s32 $0xFFFFC000  }
0x122: {  	[bflag:$0x0] =	sbarrier.arrive $0xFFFF;
	s3 =	sadd.s32 $0x1, s3  }
0x123: {  	[hbm:s10], [sflag:s9] =	dma.local [spmem:s12], $0x2800  }
0x124: {  	p0 =	sne.s32 s3, s11  }
.Ltmp2:
0x125: {  	_ =	swait.ge [sflag:s13], $0x2800;
	(pc) =	sbr.rel @p0 .LBB2_1-.Ltmp2, $3  }
0x126: {  	[sflag:s13] =	ssyncset.done $0x0  }
0x127: {  	[sflag:s13] =	ssyncadd.s32 $0xFFFFD800  }
0x128: {  	[bflag:$0x0] =	sbarrier.arrive $0xFFFF;
	_ =	sdelay $0x1  }
0x129: {  	_ =	sfence.sel $0x180000  }
0x12a: {  	[bflag:$0x0] =	sbarrier.arrive $0xFFFF  }
0x12b: {  	p0 =	sne.s32 s4, $0x0;
	_ =	strace $0x9000004A  }
0x12c: {  	s0 =	sadd.s32 @!p0 $0x100000, s0;
	[bflag:$0x2] =	sbarrier.arrive $0xFFFF  }
0x12d: {  	[sflag:s0] =	ssyncadd.tile.s32 @!p0 $0x1;
	_ =	shalt  }
.Lfunc_end2:
_tile_overlayer_lowered:
.L_overlay_start_2:
0x12e: {  	(tag) =	ssettag $0x2  }
0x12f: {  	s0 =	rddreg [dreg:$0x0];
	s2 =	stileid.u32  }
0x130: {  	s1 =	rddreg [dreg:$0x1];
	p0 =	sne.s32 s2, $0x0  }
0x131: {  	s3 =	rddreg [dreg:$0x2];
	[bflag:$0x3] =	sbarrier.arrive $0xFFFF;
	s2 =	simm.s32 @!p0 $0x1C03  }
0x132: {  	[timem:s3], [sflag:s2] =	dma.local @!p0 [hbm:s0], s1  }
0x133: {  	s0 =	simm.s32 @!p0 $0x3  }
0x134: {  	_ =	swait.ge @!p0 [sflag:s0], s1  }
0x135: {  	s1 =	ssub.s32 @!p0 $0x0, s1;
	[sflag:s0] =	ssyncset.done @!p0 $0x0  }
0x136: {  	[sflag:s0] =	ssyncadd.s32 @!p0 s1  }
0x137: {  	[bflag:$0x3] =	sbarrier.arrive $0xFFFF  }
0x138: {  	_ =	shalt  }

// kernel: kernel.17.cloned.1.call-start
scs
__scs_entry_jumppad:
0x0: {  	(pc) =	sbr.rel $0x88, $3  }
0x1: {  	(tag) =	ssettag $0x0;
	lr =	simm.s32 $0x1  }
0x2: {  	[smem:$0x3F97] =	sst lr;
	_ =	strace $0xD0000000  }
0x3: {  	_ = 	snop  }
0x4: {  	_ = 	snop  }
0x5: {  	_ = 	snop  }
0x6: {  	_ = 	snop  }
0x7: {  	_ = 	snop  }
__scs_overlays_trampoline_lowered:
0x8: {  	[smem:$0x3FA6] =	sst s0  }
0x9: {  	[smem:$0x3FA7] =	sst s1  }
0xa: {  	[smem:$0x3FA8] =	sst s2  }
0xb: {  	[smem:$0x3FA9] =	sst s3  }
0xc: {  	[smem:$0x3FAA] =	sst s4  }
0xd: {  	[smem:$0x3FAB] =	sst s5  }
0xe: {  	[smem:$0x3FAC] =	sst s6  }
0xf: {  	[smem:$0x3FAD] =	sst s7  }
0x10: {  	[smem:$0x3FAE] =	sst s8  }
0x11: {  	[smem:$0x3FAF] =	sst s9;
	s0 =	simm.s32 @!p0 $0x0  }
0x12: {  	s1 =	sld [smem:$0x3F95];
	s0 =	simm.s32 @p0 $0x1  }
0x13: {  	[smem:$0x3FB0] =	sst s0;
	s0 =	simm.s32 @!p1 $0x0  }
0x14: {  	s2 =	sld [smem:$0x3F94];
	s0 =	simm.s32 @p1 $0x1  }
0x15: {  	[smem:$0x3FB1] =	sst s0;
	s0 =	simm.s32 @!p2 $0x0  }
0x16: {  	s3 =	sld [smem:$0x3FDB];
	s0 =	simm.s32 @p2 $0x1  }
0x17: {  	s4 =	simm.s32 $0x1BF5;
	[smem:$0x3FB3] =	sst s0  }
0x18: {  	s0 =	sld [smem:$0x3F96];
	_ =	swait.ge [sflag:s4], $0x0  }
0x19: {  	s7 =	sld [smem:$0x3F97]  }
0x1a: {  	s8 =	sadd.s32 $0xFFFFE003, lr  }
0x1b: {  	s9 =	sadd.s32 $0xFFFFFEF7, lr;
	s5 =	simm.s32 $0xFFFFFFFF;
	p2 =	slt.u32 s8, $0xFFFFF086  }
0x1c: {  	p1 =	slt.u32 s9, $0xF7A;
	s5 =	simm.s32 @!p2 $0x0  }
0x1d: {  	s5 =	simm.s32 @p1 $0x1;
	p0 =	seq.s32 s7, s2  }
0x1e: {  	s7 =	smul.u32 @!p0 $0xF7A, s2;
	p2 =	seq.s32 @!p0 s5, $0x0  }
0x1f: {  	s9 =	smul.u32 $0xF7A, s1;
	s8 =	simm.s32 @!p0 $0x1BF5;
	p2 =	por !p2, p0  }
0x20: {  	[sflag:s8] =	ssyncset.s32 @!p0 $0xFFFFF086;
	s6 =	sadd.s32 @!p0 s3, s7;
	s7 =	simm.s32 @!p0 $0x108  }
0x21: {  	s3 =	sadd.s32 s3, s9;
	s6 =	sadd.s32 @!p0 $0x88, s6;
	s7 =	simm.s32 @p2 $0x1082  }
0x22: {  	[simem:s7], [sflag:s8] =	dma.local @!p0 [hbm:s6], $0xF7A  }
0x23: {  	s9 =	sor.u32 $0xD0000000, s2;
	s6 =	simm.s32 $0x108;
	_ =	swait.ge @!p0 [sflag:s8], $0x0  }
0x24: {  	s3 =	sadd.s32 $0x88, s3;
	s6 =	simm.s32 @!p1 $0x1082;
	[sflag:s4] =	ssyncset.s32 $0xFFFFF086  }
0x25: {  	[simem:s6], [sflag:s4] =	dma.local [hbm:s3], $0xF7A  }
0x26: {  	[smem:$0x3F97] =	sst s1;
	(tag) =	ssettag s2;
	_ =	strace s9  }
0x27: {  	s1 =	sld [smem:$0x3FA7]  }
0x28: {  	s2 =	sld [smem:$0x3FA8]  }
0x29: {  	s4 =	sld [smem:$0x3FAA]  }
0x2a: {  	p0 =	seq.s32 s5, $0x0;
	s5 =	sld [smem:$0x3FAB]  }
0x2b: {  	s6 =	sld [smem:$0x3FAC]  }
0x2c: {  	s7 =	sld [smem:$0x3FAD]  }
0x2d: {  	s3 =	simm.s32 $0x108;
	s8 =	sld [smem:$0x3FAE]  }
0x2e: {  	s3 =	simm.s32 @!p0 $0x1082;
	s9 =	sld [smem:$0x3FAF]  }
0x2f: {  	lr =	sadd.s32 s0, s3;
	s0 =	sld [smem:$0x3FA6]  }
0x30: {  	s3 =	sld [smem:$0x3FA9]  }
0x31: {  	[smem:$0x3FB2] =	sst s10  }
0x32: {  	s10 =	sld [smem:$0x3FB0];
	_ =	sdelay $0x3  }
0x33: {  	p0 =	seq.s32 s10, $0x1;
	s10 =	sld [smem:$0x3FB2];
	_ =	sdelay $0x3  }
0x34: {  	[smem:$0x3FB2] =	sst s10  }
0x35: {  	s10 =	sld [smem:$0x3FB1];
	_ =	sdelay $0x3  }
0x36: {  	p1 =	seq.s32 s10, $0x1;
	s10 =	sld [smem:$0x3FB2];
	_ =	sdelay $0x3  }
0x37: {  	[smem:$0x3FB2] =	sst s10  }
0x38: {  	s10 =	sld [smem:$0x3FB3]  }
0x39: {  	_ = 	snop;
	(pc) =	sbr.ind lr, $3  }
0x3a: {  	_ = 	snop  }
0x3b: {  	_ = 	snop  }
0x3c: {  	p2 =	seq.s32 s10, $0x1;
	s10 =	sld [smem:$0x3FB2]  }
0x3d: {  	_ =	shalt  }
0x3e: {  	_ =	shalt  }
0x3f: {  	_ =	shalt  }
0x40: {  	_ =	shalt  }
0x41: {  	_ =	shalt  }
0x42: {  	_ =	shalt  }
0x43: {  	_ =	shalt  }
0x44: {  	_ =	shalt  }
0x45: {  	_ =	shalt  }
0x46: {  	_ =	shalt  }
0x47: {  	_ =	shalt  }
0x48: {  	_ =	shalt  }
0x49: {  	_ =	shalt  }
0x4a: {  	_ =	shalt  }
0x4b: {  	_ =	shalt  }
0x4c: {  	_ =	shalt  }
0x4d: {  	_ =	shalt  }
0x4e: {  	_ =	shalt  }
0x4f: {  	_ =	shalt  }
0x50: {  	_ =	shalt  }
0x51: {  	_ =	shalt  }
0x52: {  	_ =	shalt  }
0x53: {  	_ =	shalt  }
0x54: {  	_ =	shalt  }
0x55: {  	_ =	shalt  }
0x56: {  	_ =	shalt  }
0x57: {  	_ =	shalt  }
0x58: {  	_ =	shalt  }
0x59: {  	_ =	shalt  }
0x5a: {  	_ =	shalt  }
0x5b: {  	_ =	shalt  }
0x5c: {  	_ =	shalt  }
0x5d: {  	_ =	shalt  }
0x5e: {  	_ =	shalt  }
0x5f: {  	_ =	shalt  }
0x60: {  	_ =	shalt  }
0x61: {  	_ =	shalt  }
0x62: {  	_ =	shalt  }
0x63: {  	_ =	shalt  }
0x64: {  	_ =	shalt  }
0x65: {  	_ =	shalt  }
0x66: {  	_ =	shalt  }
0x67: {  	_ =	shalt  }
0x68: {  	_ =	shalt  }
0x69: {  	_ =	shalt  }
0x6a: {  	_ =	shalt  }
0x6b: {  	_ =	shalt  }
0x6c: {  	_ =	shalt  }
0x6d: {  	_ =	shalt  }
0x6e: {  	_ =	shalt  }
0x6f: {  	_ =	shalt  }
0x70: {  	_ =	shalt  }
0x71: {  	_ =	shalt  }
0x72: {  	_ =	shalt  }
0x73: {  	_ =	shalt  }
0x74: {  	_ =	shalt  }
0x75: {  	_ =	shalt  }
0x76: {  	_ =	shalt  }
0x77: {  	_ =	shalt  }
0x78: {  	_ =	shalt  }
0x79: {  	_ =	shalt  }
0x7a: {  	_ =	shalt  }
0x7b: {  	_ =	shalt  }
0x7c: {  	_ =	shalt  }
0x7d: {  	_ =	shalt  }
0x7e: {  	_ =	shalt  }
0x7f: {  	_ =	shalt  }
0x80: {  	_ =	shalt  }
0x81: {  	_ =	shalt  }
0x82: {  	_ =	shalt  }
0x83: {  	_ =	shalt  }
0x84: {  	_ =	shalt  }
0x85: {  	_ =	shalt  }
0x86: {  	_ =	shalt  }
0x87: {  	_ =	shalt  }
.Lfunc_end0:
.L_simem_size_0:
called_computation.2_lowered:
.L_overlay_start_0:
0x88: {  	s2 =	sld [smem:$0x3FD9]  }
0x89: {  	s3 =	sld [smem:$0x3FFE];
	_ =	sdelay $0x1  }
0x8a: {  	s1 =	srdreg.scid  }
0x8b: {  	s0 =	sand.u32 $0x1, s1  }
0x8c: {  	s16 =	sshll.u32 s0, $0xA;
	s2 =	sadd.s32 s3, s2  }
0x8d: {  	s2 =	sadd.s32 s2, s16  }
0x8e: {  	[smem:$0x3FBE] =	sst s2  }
0x8f: {  	_ = 	snop  }
0x90: {  	(tm) =	ssettm $0x1  }
0x91: {  	s17 =	sld [smem:$0x3FFB];
	_ =	sdelay $0x3  }
0x92: {  	_ =	strace s17  }
0x93: {  	s2 =	sld [smem:$0x3FFC];
	_ =	sdelay $0x3  }
0x94: {  	_ =	strace s2  }
0x95: {  	s2 =	sld [smem:$0x3FFD];
	_ =	sdelay $0x3  }
0x96: {  	_ =	strace s2  }
0x97: {  	_ =	strace $0x8FFFFFFF  }
0x98: {  	s18 =	sld [smem:$0x3FDB];
	_ =	sdelay $0x1  }
0x99: {  	s19 =	simm.s32 $_scs_section_size  }
0x9a: {  	s4 =	simm.s32 $_size__tile_overlayer_lowered;
	s5 =	simm.s32 $_tile_overlayer_lowered  }
0x9b: {  	s22 =	simm.s32 $0x1BFF;
	s21 =	sshll.u32 s5, $0x1;
	s2 =	sadd.s32 s19, s18  }
0x9c: {  	s6 =	simm.s32 $0x0;
	s20 =	sshll.u32 s4, $0x1;
	s4 =	sadd.s32 s21, s2  }
0x9d: {  	[timem:s6], [sflag:s22] =	dma.local [hbm:s4], s20  }
0x9e: {  	_ =	swait.ge [sflag:s22], s20  }
0x9f: {  	s3 =	ssub.s32 $0x0, s20;
	[sflag:s22] =	ssyncset.done $0x0  }
0xa0: {  	[sflag:s22] =	ssyncadd.s32 s3;
	_ =	sdelay $0x1  }
0xa1: {  	s23 =	simm.s32 $0x1B8B  }
0xa2: {  	_ =	swait.ge [sflag:s23], $0x1  }
0xa3: {  	[sflag:s23] =	ssyncset.done $0x0  }
0xa4: {  	s25 =	simm.s32 $0x1B8E;
	s24 =	sld [smem:$0x3FFE];
	[sflag:s23] =	ssyncadd.s32 $0xFFFFFFFF  }
0xa5: {  	s26 =	simm.s32 $execute0_lowered;
	[smem:$0x3FD2] =	sst s25  }
0xa6: {  	s4 =	sshll.u32 s26, $0x1;
	_ =	strace $0x8000004C;
	[dreg:$0x1] =	wrdreg $0xFFFFFFFF  }
0xa7: {  	s28 =	simm.s32 $_size_execute0_lowered;
	s2 =	sadd.s32 s2, s4;
	[dreg:$0x0] =	wrdreg $0x0  }
0xa8: {  	s4 =	sshll.u32 s28, $0x1;
	[dreg:$0x2] =	wrdreg s2  }
0xa9: {  	[dreg:$0x3] =	wrdreg s4  }
0xaa: {  	[dreg:$0x4] =	wrdreg $0xC0  }
0xab: {  	_ =	task [dreg:s6], $0x5FFFF  }
0xac: {  	[dreg:$0x1] =	wrdreg $0xFFFFFFFF  }
0xad: {  	[dreg:$0x0] =	wrdreg $0x60  }
0xae: {  	[dreg:$0x2] =	wrdreg s24  }
0xaf: {  	[dreg:$0x3] =	wrdreg $0xA9800  }
0xb0: {  	[dreg:$0x4] =	wrdreg $0x9  }
0xb1: {  	_ =	task.clear_ibuf [dreg:s6], $0x5FFFF;
	_ =	strace $0x9000004C  }
0xb2: {  	s29 =	simm.s32 $0x9;
	_ =	strace $0x8000004E  }
0xb3: {  	_ =	swait.ge [sflag:s29], $0x1  }
0xb4: {  	[sflag:s29] =	ssyncadd.s32 $0xFFFFFFFF  }
0xb5: {  	_ =	strace $0x9000004E  }
0xb6: {  	_ =	sfence  }
0xb7: {  	s30 =	sld [smem:$0x0];
	_ =	sdelay $0x2  }
0xb8: {  	s31 =	sshll.u32 s1, $0xD;
	s1 =	sshrl.u32 s1, $0x2  }
0xb9: {  	s3 =	sand.u32 $0x4000, s31;
	s1 =	sadd.s32 s1, s30  }
0xba: {  	s0 =	sor.u32 s3, s0;
	s1 =	sshll.u32 s1, $0x11  }
0xbb: {  	s0 =	sor.u32 s1, s0  }
0xbc: {  	s0 =	sadd.s32 $0x8F2B, s0  }
0xbd: {  	[sflag:s0] =	ssyncadd.remote.s32 $0x1  }
0xbe: {  	_ =	sfence.sel $0xFFFF  }
0xbf: {  	[dreg:$0x0] =	wrdreg $0xFFFFFFFF;
	(pc) =	sbr.abs _section_cstart, $3  }
0xc0: {  	[dreg:$0x1] =	wrdreg $0xFFFFFFFF  }
0xc1: {  	_ =	task.clear_ibuf [dreg:s6], $0x2FFFF;
	_ =	strace $0x9FFFFFFF  }
0xc2: {  	(tm) =	ssettm $0x7FFFFFFF  }
0xc3: {  	_ =	shalt  }
tec
execute0_lowered:
.L_overlay_start_1:
0x0: {  	(tag) =	ssettag $0x1  }
0x1: {  	s0 =	rddreg [dreg:$0x0]  }
0x2: {  	s1 =	rddreg [dreg:$0x1];
	s2 =	simm.s32 $0x0;
	s3 =	srdreg.scid  }
0x3: {  	s13 =	stileid.u32;
	s15 =	simm.s32 $0x3;
	s16 =	simm.s32 $0x1400  }
0x4: {  	s17 =	simm.s32 $0x80;
	s18 =	simm.s32 $0x2800;
	s19 =	simm.s32 $0x2980  }
0x5: {  	s20 =	simm.s32 $0x2880;
	s21 =	simm.s32 $0x6980;
	s22 =	simm.s32 $0x1  }
0x6: {  	s23 =	simm.s32 $0x2900;
	s24 =	simm.s32 $0x2;
	s28 =	simm.s32 $0x0  }
0x7: {  	[smem:$0x7FF] =	sst s2;
	s4 =	sadd.s32 $0x42400, s0;
	s5 =	sand.u32 $0x1, s3  }
0x8: {  	s6 =	sadd.s32 $0xDC00, s0;
	s7 =	sadd.s32 $0x3C00, s0;
	s11 =	smul.u32 $0x50000, s13  }
0x9: {  	s8 =	sadd.s32 $0x3FC00, s0;
	s9 =	sadd.s32 $0x182400, s0;
	s3 =	ssub.s32 $0x2, s5  }
0xa: {  	s12 =	sshll.u32 s13, $0x6;
	_ =	strace $0x8000004D;
	s10 =	sshrl.u32 s3, $0x1  }
0xb: {  	s12 =	sor.u32 $0x1C03, s12;
	s31 =	sshrl.u32 s11, $0x2;
	s30 =	ssub.s32 s3, s10  }
0xc: {  	s11 =	smul.u32 $0x280, s13;
	s3 =	sadd.s32 s31, s1;
	s0 =	smax.u32 s30, $0x1  }
0xd: {  	s10 =	smul.u32 $0xA0, s13;
	s14 =	sshrl.u32 s3, $0x3;
	[dreg:$0x4] =	wrdreg s0  }
.LBB2_1:
0xe: {  	[dreg:$0x3] =	wrdreg s2;
	s25 =	simm.s32 $0x0  }
.LBB2_2:
0xf: {  	s0 =	sshll.u32 s25, $0x1  }
0x10: {  	[spmem:s14], [sflag:s12] =	dma.local [hbm:s8], $0x2800  }
0x11: {  	s0 =	sor.u32 s5, s0;
	_ =	swait.ge [sflag:s15], $0x2800  }
0x12: {  	s26 =	smul.u32 $0x2800, s0;
	[sflag:s15] =	ssyncset.done $0x0  }
0x13: {  	[sflag:s15] =	ssyncadd.s32 $0xFFFFD800  }
0x14: {  	s29 =	simm.s32 $0x0;
	[bflag:$0x0] =	sbarrier.arrive $0xFFFF;
	v0 =	vmov s26  }
.LBB2_3:
0x15: {  	s0 =	smul.u32 $0x28, s29;
	_ =	sdelay $0x1  }
0x16: {  	s0 =	sadd.s32 s10, s0  }
0x17: {  	s0 =	sshll.u32 s0, $0x4  }
0x18: {  	s3 =	sadd.s32 s6, s0  }
0x19: {  	[tilespmem:s28], [sflag:$0x3] =	stream.linear.gather [hbm4b:s3+s28], $0x1400, $0x38;
	[tilespmem:$0x1E980] =	vst v63  }
0x1a: {  	_ =	swait.ge [sflag:s15], $0x1400  }
0x1b: {  	[sflag:s15] =	ssyncset.done $0x0  }
0x1c: {  	s0 =	sadd.s32 s7, s0;
	[sflag:s15] =	ssyncadd.s32 $0xFFFFEC00  }
0x1d: {  	[tilespmem:s16], [sflag:$0x3] =	stream.linear.gather [hbm4b:s0+s28], $0x1400, $0x38;
	[tilespmem:$0x1E980] =	vst v63  }
0x1e: {  	_ =	swait.ge [sflag:s15], $0x1400  }
0x1f: {  	[sflag:s15] =	ssyncset.done $0x0  }
0x20: {  	[sflag:s15] =	ssyncadd.s32 $0xFFFFEC00  }
0x21: {  	v1 =	vld [tilespmem:$0x0]  }
0x22: {  	v2 =	vld [tilespmem:$0x10]  }
0x23: {  	v3 =	vld [tilespmem:$0x20]  }
0x24: {  	v4 =	vld [tilespmem:$0x30]  }
0x25: {  	v5 =	vld [tilespmem:$0x40]  }
0x26: {  	v6 =	vld [tilespmem:$0x50];
	v1 =	vadd.s32 v0, v1  }
0x27: {  	[tilespmem:$0x2800] =	vst v1;
	v1 =	vadd.s32 v0, v2;
	v2 =	vld [tilespmem:$0x60]  }
0x28: {  	[tilespmem:$0x2810] =	vst v1;
	v1 =	vadd.s32 v0, v3;
	v3 =	vld [tilespmem:$0x70]  }
0x29: {  	[tilespmem:$0x2820] =	vst v1;
	v1 =	vadd.s32 v0, v4  }
0x2a: {  	[tilespmem:$0x2830] =	vst v1;
	v1 =	vadd.s32 v0, v5  }
0x2b: {  	[tilespmem:$0x2840] =	vst v1;
	v1 =	vadd.s32 v0, v6  }
0x2c: {  	[tilespmem:$0x2850] =	vst v1;
	v1 =	vadd.s32 v0, v2  }
0x2d: {  	[tilespmem:$0x2860] =	vst v1;
	v1 =	vadd.s32 v0, v3  }
0x2e: {  	s2 =	simm.s32 $0x0;
	[tilespmem:$0x2870] =	vst v1  }
0x2f: {  	[tilespmem:s19], [sflag:$0x1] =	stream.indirect.gather [hbm4b:s4+s17], $0x80, s18, s17, $0xb8;
	[tilespmem:$0x1E980] =	vst v63  }
0x30: {  	v1 =	vld [tilespmem:s2+$0x80];
	_ =	sdelay $0x4  }
0x31: {  	v1 =	vadd.s32 v0, v1  }
0x32: {  	[tilespmem:$0x2880] =	vst v1  }
0x33: {  	v1 =	vld [tilespmem:s2+$0x90];
	_ =	sdelay $0x4  }
0x34: {  	v1 =	vadd.s32 v0, v1  }
0x35: {  	[tilespmem:$0x2890] =	vst v1  }
0x36: {  	v1 =	vld [tilespmem:s2+$0xA0];
	_ =	sdelay $0x4  }
0x37: {  	v1 =	vadd.s32 v0, v1  }
0x38: {  	[tilespmem:$0x28A0] =	vst v1  }
0x39: {  	v1 =	vld [tilespmem:s2+$0xB0];
	_ =	sdelay $0x4  }
0x3a: {  	v1 =	vadd.s32 v0, v1  }
0x3b: {  	[tilespmem:$0x28B0] =	vst v1  }
0x3c: {  	v1 =	vld [tilespmem:s2+$0xC0];
	_ =	sdelay $0x4  }
0x3d: {  	v1 =	vadd.s32 v0, v1  }
0x3e: {  	[tilespmem:$0x28C0] =	vst v1  }
0x3f: {  	v1 =	vld [tilespmem:s2+$0xD0];
	_ =	sdelay $0x4  }
0x40: {  	v1 =	vadd.s32 v0, v1  }
0x41: {  	[tilespmem:$0x28D0] =	vst v1  }
0x42: {  	v1 =	vld [tilespmem:s2+$0xE0];
	_ =	sdelay $0x4  }
0x43: {  	v1 =	vadd.s32 v0, v1  }
0x44: {  	[tilespmem:$0x28E0] =	vst v1  }
0x45: {  	v1 =	vld [tilespmem:s2+$0xF0];
	_ =	sdelay $0x4  }
0x46: {  	v1 =	vadd.s32 v0, v1  }
0x47: {  	[tilespmem:$0x28F0] =	vst v1  }
0x48: {  	[tilespmem:s21], [sflag:$0x2] =	stream.indirect.gather [hbm4b:s4+s17], $0x80, s20, s17, $0xb8;
	[tilespmem:$0x1E980] =	vst v63  }
0x49: {  	v1 =	vld [tilespmem:s2+$0x1400];
	_ =	sdelay $0x4  }
0x4a: {  	[tilespmem:$0x2900] =	vst v1  }
0x4b: {  	v1 =	vld [tilespmem:s2+$0x1410];
	_ =	sdelay $0x4  }
0x4c: {  	[tilespmem:$0x2910] =	vst v1  }
0x4d: {  	v1 =	vld [tilespmem:s2+$0x1420];
	_ =	sdelay $0x4  }
0x4e: {  	[tilespmem:$0x2920] =	vst v1  }
0x4f: {  	v1 =	vld [tilespmem:s2+$0x1430];
	_ =	sdelay $0x4  }
0x50: {  	[tilespmem:$0x2930] =	vst v1  }
0x51: {  	v1 =	vld [tilespmem:s2+$0x1440];
	_ =	sdelay $0x4  }
0x52: {  	[tilespmem:$0x2940] =	vst v1  }
0x53: {  	v1 =	vld [tilespmem:s2+$0x1450];
	_ =	sdelay $0x4  }
0x54: {  	[tilespmem:$0x2950] =	vst v1  }
0x55: {  	v1 =	vld [tilespmem:s2+$0x1460];
	_ =	sdelay $0x4  }
0x56: {  	[tilespmem:$0x2960] =	vst v1  }
0x57: {  	v1 =	vld [tilespmem:s2+$0x1470];
	_ =	sdelay $0x4  }
0x58: {  	[tilespmem:$0x2970] =	vst v1  }
0x59: {  	_ =	swait.ge [sflag:s22], $0x4000  }
0x5a: {  	[sflag:s22] =	ssyncset.done $0x0  }
0x5b: {  	[sflag:s22] =	ssyncadd.s32 $0xFFFFC000  }
0x5c: {  	[spmem:s1] =	stream.indirect.scatter.add.f32 [tilespmem:s19], [sflag:$0x3], $0x80, s23, s17, $0xb8;
	[tilespmem:$0x1E980] =	vst v63  }
0x5d: {  	_ =	swait.ge [sflag:s15], $0x4000  }
0x5e: {  	p0 =	por $0x0, $0x0;
	[sflag:s15] =	ssyncset.done $0x0  }
0x5f: {  	s3 =	simm.s32 @!p0 $0x0;
	[sflag:s15] =	ssyncadd.s32 $0xFFFFC000  }
0x60: {  	v1 =	vld @!p0 [tilespmem:s3+$0x100];
	_ =	sdelay $0x4  }
0x61: {  	v1 =	vadd.s32 @!p0 v0, v1  }
0x62: {  	[tilespmem:$0x2800] =	vst @!p0 v1  }
0x63: {  	v1 =	vld @!p0 [tilespmem:s3+$0x110];
	_ =	sdelay $0x4  }
0x64: {  	v1 =	vadd.s32 @!p0 v0, v1  }
0x65: {  	[tilespmem:$0x2810] =	vst @!p0 v1  }
0x66: {  	v1 =	vld @!p0 [tilespmem:s3+$0x120];
	_ =	sdelay $0x4  }
0x67: {  	v1 =	vadd.s32 @!p0 v0, v1  }
0x68: {  	[tilespmem:$0x2820] =	vst @!p0 v1  }
0x69: {  	v1 =	vld @!p0 [tilespmem:s3+$0x130];
	_ =	sdelay $0x4  }
0x6a: {  	v1 =	vadd.s32 @!p0 v0, v1  }
0x6b: {  	[tilespmem:$0x2830] =	vst @!p0 v1  }
0x6c: {  	v1 =	vld @!p0 [tilespmem:s3+$0x140];
	_ =	sdelay $0x4  }
0x6d: {  	v1 =	vadd.s32 @!p0 v0, v1  }
0x6e: {  	[tilespmem:$0x2840] =	vst @!p0 v1  }
0x6f: {  	v1 =	vld @!p0 [tilespmem:s3+$0x150];
	_ =	sdelay $0x4  }
0x70: {  	v1 =	vadd.s32 @!p0 v0, v1  }
0x71: {  	[tilespmem:$0x2850] =	vst @!p0 v1  }
0x72: {  	v1 =	vld @!p0 [tilespmem:s3+$0x160];
	_ =	sdelay $0x4  }
0x73: {  	v1 =	vadd.s32 @!p0 v0, v1  }
0x74: {  	[tilespmem:$0x2860] =	vst @!p0 v1  }
0x75: {  	v1 =	vld @!p0 [tilespmem:s3+$0x170];
	_ =	sdelay $0x4  }
0x76: {  	v1 =	vadd.s32 @!p0 v0, v1  }
0x77: {  	s13 =	simm.s32 @!p0 $0x2800;
	s30 =	simm.s32 @!p0 $0x2980;
	s3 =	simm.s32 @!p0 $0x80;
	[tilespmem:$0x2870] =	vst @!p0 v1  }
0x78: {  	[tilespmem:s30], [sflag:$0x1] =	stream.indirect.gather @!p0 [hbm4b:s4+s3], $0x80, s13, s3, $0xb8;
	[tilespmem:$0x1E980] =	vst v63  }
0x79: {  	v1 =	vld [tilespmem:s2+$0x1480];
	_ =	sdelay $0x4  }
0x7a: {  	[tilespmem:$0x2900] =	vst v1  }
0x7b: {  	v1 =	vld [tilespmem:s2+$0x1490];
	_ =	sdelay $0x4  }
0x7c: {  	[tilespmem:$0x2910] =	vst v1  }
0x7d: {  	v1 =	vld [tilespmem:s2+$0x14A0];
	_ =	sdelay $0x4  }
0x7e: {  	[tilespmem:$0x2920] =	vst v1  }
0x7f: {  	v1 =	vld [tilespmem:s2+$0x14B0];
	_ =	sdelay $0x4  }
0x80: {  	[tilespmem:$0x2930] =	vst v1  }
0x81: {  	v1 =	vld [tilespmem:s2+$0x14C0];
	_ =	sdelay $0x4  }
0x82: {  	[tilespmem:$0x2940] =	vst v1  }
0x83: {  	v1 =	vld [tilespmem:s2+$0x14D0];
	_ =	sdelay $0x4  }
0x84: {  	[tilespmem:$0x2950] =	vst v1  }
0x85: {  	v1 =	vld [tilespmem:s2+$0x14E0];
	_ =	sdelay $0x4  }
0x86: {  	[tilespmem:$0x2960] =	vst v1  }
0x87: {  	v1 =	vld [tilespmem:s2+$0x14F0];
	_ =	sdelay $0x4  }
0x88: {  	[tilespmem:$0x2970] =	vst v1  }
0x89: {  	_ =	swait.ge [sflag:s24], $0x4000  }
0x8a: {  	[sflag:s24] =	ssyncset.done $0x0  }
0x8b: {  	[sflag:s24] =	ssyncadd.s32 $0xFFFFC000  }
0x8c: {  	[spmem:s1] =	stream.indirect.scatter.add.f32 [tilespmem:s21], [sflag:$0x3], $0x80, s23, s17, $0xb8;
	[tilespmem:$0x1E980] =	vst v63  }
0x8d: {  	_ =	swait.ge [sflag:s15], $0x4000  }
0x8e: {  	s31 =	simm.s32 $0x800;
	s30 =	simm.s32 $0x400;
	[sflag:s15] =	ssyncset.done $0x0  }
.LBB2_4:
0x8f: {  	s0 =	sshra.s32 s30, $0x2  }
0x90: {  	[sflag:s15] =	ssyncadd.s32 $0xFFFFC000;
	s3 =	smov.u32 s31;
	s31 =	sadd.s32 $0x400, s31  }
0x91: {  	p0 =	sne.s32 s31, $0x5000;
	v1 =	vld [tilespmem:s0+$0x80];
	_ =	sdelay $0x4  }
0x92: {  	v1 =	vadd.s32 v0, v1  }
0x93: {  	[tilespmem:$0x2880] =	vst v1  }
0x94: {  	v1 =	vld [tilespmem:s0+$0x90];
	_ =	sdelay $0x4  }
0x95: {  	v1 =	vadd.s32 v0, v1  }
0x96: {  	[tilespmem:$0x2890] =	vst v1  }
0x97: {  	v1 =	vld [tilespmem:s0+$0xA0];
	_ =	sdelay $0x4  }
0x98: {  	v1 =	vadd.s32 v0, v1  }
0x99: {  	[tilespmem:$0x28A0] =	vst v1  }
0x9a: {  	v1 =	vld [tilespmem:s0+$0xB0];
	_ =	sdelay $0x4  }
0x9b: {  	v1 =	vadd.s32 v0, v1  }
0x9c: {  	[tilespmem:$0x28B0] =	vst v1  }
0x9d: {  	v1 =	vld [tilespmem:s0+$0xC0];
	_ =	sdelay $0x4  }
0x9e: {  	v1 =	vadd.s32 v0, v1  }
0x9f: {  	[tilespmem:$0x28C0] =	vst v1  }
0xa0: {  	v1 =	vld [tilespmem:s0+$0xD0];
	_ =	sdelay $0x4  }
0xa1: {  	v1 =	vadd.s32 v0, v1  }
0xa2: {  	[tilespmem:$0x28D0] =	vst v1  }
0xa3: {  	v1 =	vld [tilespmem:s0+$0xE0];
	_ =	sdelay $0x4  }
0xa4: {  	v1 =	vadd.s32 v0, v1  }
0xa5: {  	[tilespmem:$0x28E0] =	vst v1  }
0xa6: {  	v1 =	vld [tilespmem:s0+$0xF0];
	_ =	sdelay $0x4  }
0xa7: {  	v1 =	vadd.s32 v0, v1  }
0xa8: {  	[tilespmem:$0x28F0] =	vst v1  }
0xa9: {  	[tilespmem:s21], [sflag:$0x2] =	stream.indirect.gather [hbm4b:s4+s17], $0x80, s20, s17, $0xb8;
	[tilespmem:$0x1E980] =	vst v63  }
0xaa: {  	v1 =	vld [tilespmem:s0+$0x1400];
	_ =	sdelay $0x4  }
0xab: {  	[tilespmem:$0x2900] =	vst v1  }
0xac: {  	v1 =	vld [tilespmem:s0+$0x1410];
	_ =	sdelay $0x4  }
0xad: {  	[tilespmem:$0x2910] =	vst v1  }
0xae: {  	v1 =	vld [tilespmem:s0+$0x1420];
	_ =	sdelay $0x4  }
0xaf: {  	[tilespmem:$0x2920] =	vst v1  }
0xb0: {  	v1 =	vld [tilespmem:s0+$0x1430];
	_ =	sdelay $0x4  }
0xb1: {  	[tilespmem:$0x2930] =	vst v1  }
0xb2: {  	v1 =	vld [tilespmem:s0+$0x1440];
	_ =	sdelay $0x4  }
0xb3: {  	[tilespmem:$0x2940] =	vst v1  }
0xb4: {  	v1 =	vld [tilespmem:s0+$0x1450];
	_ =	sdelay $0x4  }
0xb5: {  	[tilespmem:$0x2950] =	vst v1  }
0xb6: {  	v1 =	vld [tilespmem:s0+$0x1460];
	_ =	sdelay $0x4  }
0xb7: {  	[tilespmem:$0x2960] =	vst v1  }
0xb8: {  	v1 =	vld [tilespmem:s0+$0x1470];
	_ =	sdelay $0x4  }
0xb9: {  	[tilespmem:$0x2970] =	vst v1  }
0xba: {  	_ =	swait.ge [sflag:s22], $0x4000  }
0xbb: {  	[sflag:s22] =	ssyncset.done $0x0  }
0xbc: {  	[sflag:s22] =	ssyncadd.s32 $0xFFFFC000  }
0xbd: {  	[spmem:s1] =	stream.indirect.scatter.add.f32 [tilespmem:s19], [sflag:$0x3], $0x80, s23, s17, $0xb8;
	[tilespmem:$0x1E980] =	vst v63  }
0xbe: {  	_ =	swait.ge [sflag:s15], $0x4000  }
0xbf: {  	p1 =	seq.s32 s30, $0x4C00;
	[sflag:s15] =	ssyncset.done $0x0  }
0xc0: {  	s13 =	sshra.s32 @!p1 s30, $0x2;
	s30 =	smov.u32 s3;
	[sflag:s15] =	ssyncadd.s32 $0xFFFFC000  }
0xc1: {  	v1 =	vld @!p1 [tilespmem:s13+$0x100];
	_ =	sdelay $0x4  }
0xc2: {  	v1 =	vadd.s32 @!p1 v0, v1  }
0xc3: {  	[tilespmem:$0x2800] =	vst @!p1 v1  }
0xc4: {  	v1 =	vld @!p1 [tilespmem:s13+$0x110];
	_ =	sdelay $0x4  }
0xc5: {  	v1 =	vadd.s32 @!p1 v0, v1  }
0xc6: {  	[tilespmem:$0x2810] =	vst @!p1 v1  }
0xc7: {  	v1 =	vld @!p1 [tilespmem:s13+$0x120];
	_ =	sdelay $0x4  }
0xc8: {  	v1 =	vadd.s32 @!p1 v0, v1  }
0xc9: {  	[tilespmem:$0x2820] =	vst @!p1 v1  }
0xca: {  	v1 =	vld @!p1 [tilespmem:s13+$0x130];
	_ =	sdelay $0x4  }
0xcb: {  	v1 =	vadd.s32 @!p1 v0, v1  }
0xcc: {  	[tilespmem:$0x2830] =	vst @!p1 v1  }
0xcd: {  	v1 =	vld @!p1 [tilespmem:s13+$0x140];
	_ =	sdelay $0x4  }
0xce: {  	v1 =	vadd.s32 @!p1 v0, v1  }
0xcf: {  	[tilespmem:$0x2840] =	vst @!p1 v1  }
0xd0: {  	v1 =	vld @!p1 [tilespmem:s13+$0x150];
	_ =	sdelay $0x4  }
0xd1: {  	v1 =	vadd.s32 @!p1 v0, v1  }
0xd2: {  	[tilespmem:$0x2850] =	vst @!p1 v1  }
0xd3: {  	v1 =	vld @!p1 [tilespmem:s13+$0x160];
	_ =	sdelay $0x4  }
0xd4: {  	v1 =	vadd.s32 @!p1 v0, v1  }
0xd5: {  	[tilespmem:$0x2860] =	vst @!p1 v1  }
0xd6: {  	v1 =	vld @!p1 [tilespmem:s13+$0x170];
	_ =	sdelay $0x4  }
0xd7: {  	v1 =	vadd.s32 @!p1 v0, v1  }
0xd8: {  	s3 =	simm.s32 @!p1 $0x80;
	s2 =	simm.s32 @!p1 $0x2980;
	s13 =	simm.s32 @!p1 $0x2800;
	[tilespmem:$0x2870] =	vst @!p1 v1  }
0xd9: {  	[tilespmem:s2], [sflag:$0x1] =	stream.indirect.gather @!p1 [hbm4b:s4+s3], $0x80, s13, s3, $0xb8;
	[tilespmem:$0x1E980] =	vst v63  }
0xda: {  	v1 =	vld [tilespmem:s0+$0x1480];
	_ =	sdelay $0x4  }
0xdb: {  	[tilespmem:$0x2900] =	vst v1  }
0xdc: {  	v1 =	vld [tilespmem:s0+$0x1490];
	_ =	sdelay $0x4  }
0xdd: {  	[tilespmem:$0x2910] =	vst v1  }
0xde: {  	v1 =	vld [tilespmem:s0+$0x14A0];
	_ =	sdelay $0x4  }
0xdf: {  	[tilespmem:$0x2920] =	vst v1  }
0xe0: {  	v1 =	vld [tilespmem:s0+$0x14B0];
	_ =	sdelay $0x4  }
0xe1: {  	[tilespmem:$0x2930] =	vst v1  }
0xe2: {  	v1 =	vld [tilespmem:s0+$0x14C0];
	_ =	sdelay $0x4  }
0xe3: {  	[tilespmem:$0x2940] =	vst v1  }
0xe4: {  	v1 =	vld [tilespmem:s0+$0x14D0];
	_ =	sdelay $0x4  }
0xe5: {  	[tilespmem:$0x2950] =	vst v1  }
0xe6: {  	v1 =	vld [tilespmem:s0+$0x14E0];
	_ =	sdelay $0x4  }
0xe7: {  	[tilespmem:$0x2960] =	vst v1  }
0xe8: {  	v1 =	vld [tilespmem:s0+$0x14F0];
	_ =	sdelay $0x4  }
0xe9: {  	[tilespmem:$0x2970] =	vst v1  }
0xea: {  	_ =	swait.ge [sflag:s24], $0x4000  }
.Ltmp0:
0xeb: {  	[sflag:s24] =	ssyncset.done $0x0;
	(pc) =	sbr.rel @p0 .LBB2_4-.Ltmp0, $4  }
0xec: {  	[sflag:s24] =	ssyncadd.s32 $0xFFFFC000  }
0xed: {  	[spmem:s1] =	stream.indirect.scatter.add.f32 [tilespmem:s21], [sflag:$0x3], $0x80, s23, s17, $0xb8;
	[tilespmem:$0x1E980] =	vst v63  }
0xee: {  	_ =	swait.ge [sflag:s15], $0x4000  }
0xef: {  	[sflag:s15] =	ssyncset.done $0x0  }
0xf0: {  	s0 =	sshra.s32 s30, $0x2;
	[sflag:s15] =	ssyncadd.s32 $0xFFFFC000  }
0xf1: {  	v1 =	vld [tilespmem:s0+$0x80];
	_ =	sdelay $0x4  }
0xf2: {  	v1 =	vadd.s32 v0, v1  }
0xf3: {  	[tilespmem:$0x2880] =	vst v1  }
0xf4: {  	v1 =	vld [tilespmem:s0+$0x90];
	_ =	sdelay $0x4  }
0xf5: {  	v1 =	vadd.s32 v0, v1  }
0xf6: {  	[tilespmem:$0x2890] =	vst v1  }
0xf7: {  	v1 =	vld [tilespmem:s0+$0xA0];
	_ =	sdelay $0x4  }
0xf8: {  	v1 =	vadd.s32 v0, v1  }
0xf9: {  	[tilespmem:$0x28A0] =	vst v1  }
0xfa: {  	v1 =	vld [tilespmem:s0+$0xB0];
	_ =	sdelay $0x4  }
0xfb: {  	v1 =	vadd.s32 v0, v1  }
0xfc: {  	[tilespmem:$0x28B0] =	vst v1  }
0xfd: {  	v1 =	vld [tilespmem:s0+$0xC0];
	_ =	sdelay $0x4  }
0xfe: {  	v1 =	vadd.s32 v0, v1  }
0xff: {  	[tilespmem:$0x28C0] =	vst v1  }
0x100: {  	v1 =	vld [tilespmem:s0+$0xD0];
	_ =	sdelay $0x4  }
0x101: {  	v1 =	vadd.s32 v0, v1  }
0x102: {  	[tilespmem:$0x28D0] =	vst v1  }
0x103: {  	v1 =	vld [tilespmem:s0+$0xE0];
	_ =	sdelay $0x4  }
0x104: {  	v1 =	vadd.s32 v0, v1  }
0x105: {  	[tilespmem:$0x28E0] =	vst v1  }
0x106: {  	v1 =	vld [tilespmem:s0+$0xF0];
	_ =	sdelay $0x4  }
0x107: {  	v1 =	vadd.s32 v0, v1  }
0x108: {  	[tilespmem:$0x28F0] =	vst v1  }
0x109: {  	[tilespmem:s21], [sflag:$0x2] =	stream.indirect.gather [hbm4b:s4+s17], $0x80, s20, s17, $0xb8;
	[tilespmem:$0x1E980] =	vst v63  }
0x10a: {  	v1 =	vld [tilespmem:s0+$0x1400];
	_ =	sdelay $0x4  }
0x10b: {  	[tilespmem:$0x2900] =	vst v1  }
0x10c: {  	v1 =	vld [tilespmem:s0+$0x1410];
	_ =	sdelay $0x4  }
0x10d: {  	[tilespmem:$0x2910] =	vst v1  }
0x10e: {  	v1 =	vld [tilespmem:s0+$0x1420];
	_ =	sdelay $0x4  }
0x10f: {  	[tilespmem:$0x2920] =	vst v1  }
0x110: {  	v1 =	vld [tilespmem:s0+$0x1430];
	_ =	sdelay $0x4  }
0x111: {  	[tilespmem:$0x2930] =	vst v1  }
0x112: {  	v1 =	vld [tilespmem:s0+$0x1440];
	_ =	sdelay $0x4  }
0x113: {  	[tilespmem:$0x2940] =	vst v1  }
0x114: {  	v1 =	vld [tilespmem:s0+$0x1450];
	_ =	sdelay $0x4  }
0x115: {  	[tilespmem:$0x2950] =	vst v1  }
0x116: {  	v1 =	vld [tilespmem:s0+$0x1460];
	_ =	sdelay $0x4  }
0x117: {  	[tilespmem:$0x2960] =	vst v1  }
0x118: {  	v1 =	vld [tilespmem:s0+$0x1470];
	_ =	sdelay $0x4  }
0x119: {  	[tilespmem:$0x2970] =	vst v1  }
0x11a: {  	_ =	swait.ge [sflag:s22], $0x4000  }
0x11b: {  	[sflag:s22] =	ssyncset.done $0x0  }
0x11c: {  	[sflag:s22] =	ssyncadd.s32 $0xFFFFC000  }
0x11d: {  	[spmem:s1] =	stream.indirect.scatter.add.f32 [tilespmem:s19], [sflag:$0x3], $0x80, s23, s17, $0xb8;
	[tilespmem:$0x1E980] =	vst v63  }
0x11e: {  	_ =	swait.ge [sflag:s15], $0x4000  }
0x11f: {  	p0 =	seq.s32 s30, $0x4C00;
	[sflag:s15] =	ssyncset.done $0x0  }
0x120: {  	s2 =	sshra.s32 @!p0 s30, $0x2;
	[sflag:s15] =	ssyncadd.s32 $0xFFFFC000  }
0x121: {  	v1 =	vld @!p0 [tilespmem:s2+$0x100];
	_ =	sdelay $0x4  }
0x122: {  	v1 =	vadd.s32 @!p0 v0, v1  }
0x123: {  	[tilespmem:$0x2800] =	vst @!p0 v1  }
0x124: {  	v1 =	vld @!p0 [tilespmem:s2+$0x110];
	_ =	sdelay $0x4  }
0x125: {  	v1 =	vadd.s32 @!p0 v0, v1  }
0x126: {  	[tilespmem:$0x2810] =	vst @!p0 v1  }
0x127: {  	v1 =	vld @!p0 [tilespmem:s2+$0x120];
	_ =	sdelay $0x4  }
0x128: {  	v1 =	vadd.s32 @!p0 v0, v1  }
0x129: {  	[tilespmem:$0x2820] =	vst @!p0 v1  }
0x12a: {  	v1 =	vld @!p0 [tilespmem:s2+$0x130];
	_ =	sdelay $0x4  }
0x12b: {  	v1 =	vadd.s32 @!p0 v0, v1  }
0x12c: {  	[tilespmem:$0x2830] =	vst @!p0 v1  }
0x12d: {  	v1 =	vld @!p0 [tilespmem:s2+$0x140];
	_ =	sdelay $0x4  }
0x12e: {  	v1 =	vadd.s32 @!p0 v0, v1  }
0x12f: {  	[tilespmem:$0x2840] =	vst @!p0 v1  }
0x130: {  	v1 =	vld @!p0 [tilespmem:s2+$0x150];
	_ =	sdelay $0x4  }
0x131: {  	v1 =	vadd.s32 @!p0 v0, v1  }
0x132: {  	[tilespmem:$0x2850] =	vst @!p0 v1  }
0x133: {  	v1 =	vld @!p0 [tilespmem:s2+$0x160];
	_ =	sdelay $0x4  }
0x134: {  	v1 =	vadd.s32 @!p0 v0, v1  }
0x135: {  	[tilespmem:$0x2860] =	vst @!p0 v1  }
0x136: {  	v1 =	vld @!p0 [tilespmem:s2+$0x170];
	_ =	sdelay $0x4  }
0x137: {  	v1 =	vadd.s32 @!p0 v0, v1  }
0x138: {  	s3 =	simm.s32 @!p0 $0x2800;
	s13 =	simm.s32 @!p0 $0x2980;
	s2 =	simm.s32 @!p0 $0x80;
	[tilespmem:$0x2870] =	vst @!p0 v1  }
0x139: {  	[tilespmem:s13], [sflag:$0x1] =	stream.indirect.gather @!p0 [hbm4b:s4+s2], $0x80, s3, s2, $0xb8;
	[tilespmem:$0x1E980] =	vst v63  }
0x13a: {  	v1 =	vld [tilespmem:s0+$0x1480];
	_ =	sdelay $0x4  }
0x13b: {  	[tilespmem:$0x2900] =	vst v1  }
0x13c: {  	v1 =	vld [tilespmem:s0+$0x1490];
	_ =	sdelay $0x4  }
0x13d: {  	[tilespmem:$0x2910] =	vst v1  }
0x13e: {  	v1 =	vld [tilespmem:s0+$0x14A0];
	_ =	sdelay $0x4  }
0x13f: {  	[tilespmem:$0x2920] =	vst v1  }
0x140: {  	v1 =	vld [tilespmem:s0+$0x14B0];
	_ =	sdelay $0x4  }
0x141: {  	[tilespmem:$0x2930] =	vst v1  }
0x142: {  	v1 =	vld [tilespmem:s0+$0x14C0];
	_ =	sdelay $0x4  }
0x143: {  	[tilespmem:$0x2940] =	vst v1  }
0x144: {  	v1 =	vld [tilespmem:s0+$0x14D0];
	_ =	sdelay $0x4  }
0x145: {  	[tilespmem:$0x2950] =	vst v1  }
0x146: {  	v1 =	vld [tilespmem:s0+$0x14E0];
	_ =	sdelay $0x4  }
0x147: {  	[tilespmem:$0x2960] =	vst v1  }
0x148: {  	v1 =	vld [tilespmem:s0+$0x14F0];
	_ =	sdelay $0x4  }
0x149: {  	[tilespmem:$0x2970] =	vst v1  }
0x14a: {  	s29 =	sadd.s32 $0x1, s29;
	_ =	swait.ge [sflag:s24], $0x4000  }
0x14b: {  	p0 =	sne.s32 s29, $0x4;
	[sflag:s24] =	ssyncset.done $0x0  }
.Ltmp1:
0x14c: {  	[sflag:s24] =	ssyncadd.s32 $0xFFFFC000;
	(pc) =	sbr.rel @p0 .LBB2_3-.Ltmp1, $4  }
0x14d: {  	[spmem:s1] =	stream.indirect.scatter.add.f32 [tilespmem:s21], [sflag:$0x3], $0x80, s23, s17, $0xb8;
	[tilespmem:$0x1E980] =	vst v63  }
0x14e: {  	_ =	swait.ge [sflag:s15], $0x4000  }
0x14f: {  	[sflag:s15] =	ssyncset.done $0x0  }
0x150: {  	[sflag:s15] =	ssyncadd.s32 $0xFFFFC000  }
0x151: {  	s0 =	sadd.s32 s11, s26  }
0x152: {  	s25 =	sadd.s32 $0x1, s25;
	s0 =	sshll.u32 s0, $0x4  }
0x153: {  	[bflag:$0x0] =	sbarrier.arrive $0xFFFF;
	p0 =	sne.s32 s25, $0x4;
	s0 =	sadd.s32 s9, s0  }
0x154: {  	[hbm:s0], [sflag:s12] =	dma.local [spmem:s14], $0x2800  }
.Ltmp2:
0x155: {  	_ =	swait.ge [sflag:s15], $0x2800;
	(pc) =	sbr.rel @p0 .LBB2_2-.Ltmp2, $3  }
0x156: {  	[sflag:s15] =	ssyncset.done $0x0  }
0x157: {  	[sflag:s15] =	ssyncadd.s32 $0xFFFFD800  }
0x158: {  	[bflag:$0x0] =	sbarrier.arrive $0xFFFF;
	_ =	sdelay $0x1  }
0x159: {  	s2 =	rddreg [dreg:$0x3]  }
0x15a: {  	s0 =	rddreg [dreg:$0x4];
	s2 =	sadd.s32 $0x1, s2  }
0x15b: {  	p0 =	sne.s32 s2, s0  }
.Ltmp3:
0x15c: {  	_ = 	snop;
	(pc) =	sbr.rel @p0 .LBB2_1-.Ltmp3, $1  }
0x15d: {  	_ =	sdelay $0x3  }
0x15e: {  	_ =	sfence.sel $0x180000  }
0x15f: {  	[bflag:$0x0] =	sbarrier.arrive $0xFFFF  }
0x160: {  	_ =	strace $0x9000004D  }
0x161: {  	s0 =	stileid.u32;
	[bflag:$0x2] =	sbarrier.arrive $0xFFFF  }
0x162: {  	p0 =	sne.s32 s0, $0x0;
	s0 =	rddreg [dreg:$0x2]  }
0x163: {  	s0 =	sadd.s32 @!p0 $0x100000, s0  }
0x164: {  	[sflag:s0] =	ssyncadd.tile.s32 @!p0 $0x1;
	_ =	shalt  }
.Lfunc_end2:
_tile_overlayer_lowered:
.L_overlay_start_2:
0x165: {  	(tag) =	ssettag $0x2  }
0x166: {  	s0 =	rddreg [dreg:$0x0];
	s2 =	stileid.u32  }
0x167: {  	s1 =	rddreg [dreg:$0x1];
	p0 =	sne.s32 s2, $0x0  }
0x168: {  	s3 =	rddreg [dreg:$0x2];
	[bflag:$0x3] =	sbarrier.arrive $0xFFFF;
	s2 =	simm.s32 @!p0 $0x1C03  }
0x169: {  	[timem:s3], [sflag:s2] =	dma.local @!p0 [hbm:s0], s1  }
0x16a: {  	s0 =	simm.s32 @!p0 $0x3  }
0x16b: {  	_ =	swait.ge @!p0 [sflag:s0], s1  }
0x16c: {  	s1 =	ssub.s32 @!p0 $0x0, s1;
	[sflag:s0] =	ssyncset.done @!p0 $0x0  }
0x16d: {  	[sflag:s0] =	ssyncadd.s32 @!p0 s1  }
0x16e: {  	[bflag:$0x3] =	sbarrier.arrive $0xFFFF  }
0x16f: {  	_ =	shalt  }

// kernel: kernel.20.cloned.1.call-start
scs
__scs_entry_jumppad:
0x0: {  	(pc) =	sbr.rel $0x88, $3  }
0x1: {  	(tag) =	ssettag $0x0;
	lr =	simm.s32 $0x1  }
0x2: {  	[smem:$0x3F97] =	sst lr;
	_ =	strace $0xD0000000  }
0x3: {  	_ = 	snop  }
0x4: {  	_ = 	snop  }
0x5: {  	_ = 	snop  }
0x6: {  	_ = 	snop  }
0x7: {  	_ = 	snop  }
__scs_overlays_trampoline_lowered:
0x8: {  	[smem:$0x3FA6] =	sst s0  }
0x9: {  	[smem:$0x3FA7] =	sst s1  }
0xa: {  	[smem:$0x3FA8] =	sst s2  }
0xb: {  	[smem:$0x3FA9] =	sst s3  }
0xc: {  	[smem:$0x3FAA] =	sst s4  }
0xd: {  	[smem:$0x3FAB] =	sst s5  }
0xe: {  	[smem:$0x3FAC] =	sst s6  }
0xf: {  	[smem:$0x3FAD] =	sst s7  }
0x10: {  	[smem:$0x3FAE] =	sst s8  }
0x11: {  	[smem:$0x3FAF] =	sst s9;
	s0 =	simm.s32 @!p0 $0x0  }
0x12: {  	s1 =	sld [smem:$0x3F95];
	s0 =	simm.s32 @p0 $0x1  }
0x13: {  	[smem:$0x3FB0] =	sst s0;
	s0 =	simm.s32 @!p1 $0x0  }
0x14: {  	s2 =	sld [smem:$0x3F94];
	s0 =	simm.s32 @p1 $0x1  }
0x15: {  	[smem:$0x3FB1] =	sst s0;
	s0 =	simm.s32 @!p2 $0x0  }
0x16: {  	s3 =	sld [smem:$0x3FDB];
	s0 =	simm.s32 @p2 $0x1  }
0x17: {  	s4 =	simm.s32 $0x1BF5;
	[smem:$0x3FB3] =	sst s0  }
0x18: {  	s0 =	sld [smem:$0x3F96];
	_ =	swait.ge [sflag:s4], $0x0  }
0x19: {  	s7 =	sld [smem:$0x3F97]  }
0x1a: {  	s8 =	sadd.s32 $0xFFFFE003, lr  }
0x1b: {  	s9 =	sadd.s32 $0xFFFFFEF7, lr;
	s5 =	simm.s32 $0xFFFFFFFF;
	p2 =	slt.u32 s8, $0xFFFFF086  }
0x1c: {  	p1 =	slt.u32 s9, $0xF7A;
	s5 =	simm.s32 @!p2 $0x0  }
0x1d: {  	s5 =	simm.s32 @p1 $0x1;
	p0 =	seq.s32 s7, s2  }
0x1e: {  	s7 =	smul.u32 @!p0 $0xF7A, s2;
	p2 =	seq.s32 @!p0 s5, $0x0  }
0x1f: {  	s9 =	smul.u32 $0xF7A, s1;
	s8 =	simm.s32 @!p0 $0x1BF5;
	p2 =	por !p2, p0  }
0x20: {  	[sflag:s8] =	ssyncset.s32 @!p0 $0xFFFFF086;
	s6 =	sadd.s32 @!p0 s3, s7;
	s7 =	simm.s32 @!p0 $0x108  }
0x21: {  	s3 =	sadd.s32 s3, s9;
	s6 =	sadd.s32 @!p0 $0x88, s6;
	s7 =	simm.s32 @p2 $0x1082  }
0x22: {  	[simem:s7], [sflag:s8] =	dma.local @!p0 [hbm:s6], $0xF7A  }
0x23: {  	s9 =	sor.u32 $0xD0000000, s2;
	s6 =	simm.s32 $0x108;
	_ =	swait.ge @!p0 [sflag:s8], $0x0  }
0x24: {  	s3 =	sadd.s32 $0x88, s3;
	s6 =	simm.s32 @!p1 $0x1082;
	[sflag:s4] =	ssyncset.s32 $0xFFFFF086  }
0x25: {  	[simem:s6], [sflag:s4] =	dma.local [hbm:s3], $0xF7A  }
0x26: {  	[smem:$0x3F97] =	sst s1;
	(tag) =	ssettag s2;
	_ =	strace s9  }
0x27: {  	s1 =	sld [smem:$0x3FA7]  }
0x28: {  	s2 =	sld [smem:$0x3FA8]  }
0x29: {  	s4 =	sld [smem:$0x3FAA]  }
0x2a: {  	p0 =	seq.s32 s5, $0x0;
	s5 =	sld [smem:$0x3FAB]  }
0x2b: {  	s6 =	sld [smem:$0x3FAC]  }
0x2c: {  	s7 =	sld [smem:$0x3FAD]  }
0x2d: {  	s3 =	simm.s32 $0x108;
	s8 =	sld [smem:$0x3FAE]  }
0x2e: {  	s3 =	simm.s32 @!p0 $0x1082;
	s9 =	sld [smem:$0x3FAF]  }
0x2f: {  	lr =	sadd.s32 s0, s3;
	s0 =	sld [smem:$0x3FA6]  }
0x30: {  	s3 =	sld [smem:$0x3FA9]  }
0x31: {  	[smem:$0x3FB2] =	sst s10  }
0x32: {  	s10 =	sld [smem:$0x3FB0];
	_ =	sdelay $0x3  }
0x33: {  	p0 =	seq.s32 s10, $0x1;
	s10 =	sld [smem:$0x3FB2];
	_ =	sdelay $0x3  }
0x34: {  	[smem:$0x3FB2] =	sst s10  }
0x35: {  	s10 =	sld [smem:$0x3FB1];
	_ =	sdelay $0x3  }
0x36: {  	p1 =	seq.s32 s10, $0x1;
	s10 =	sld [smem:$0x3FB2];
	_ =	sdelay $0x3  }
0x37: {  	[smem:$0x3FB2] =	sst s10  }
0x38: {  	s10 =	sld [smem:$0x3FB3]  }
0x39: {  	_ = 	snop;
	(pc) =	sbr.ind lr, $3  }
0x3a: {  	_ = 	snop  }
0x3b: {  	_ = 	snop  }
0x3c: {  	p2 =	seq.s32 s10, $0x1;
	s10 =	sld [smem:$0x3FB2]  }
0x3d: {  	_ =	shalt  }
0x3e: {  	_ =	shalt  }
0x3f: {  	_ =	shalt  }
0x40: {  	_ =	shalt  }
0x41: {  	_ =	shalt  }
0x42: {  	_ =	shalt  }
0x43: {  	_ =	shalt  }
0x44: {  	_ =	shalt  }
0x45: {  	_ =	shalt  }
0x46: {  	_ =	shalt  }
0x47: {  	_ =	shalt  }
0x48: {  	_ =	shalt  }
0x49: {  	_ =	shalt  }
0x4a: {  	_ =	shalt  }
0x4b: {  	_ =	shalt  }
0x4c: {  	_ =	shalt  }
0x4d: {  	_ =	shalt  }
0x4e: {  	_ =	shalt  }
0x4f: {  	_ =	shalt  }
0x50: {  	_ =	shalt  }
0x51: {  	_ =	shalt  }
0x52: {  	_ =	shalt  }
0x53: {  	_ =	shalt  }
0x54: {  	_ =	shalt  }
0x55: {  	_ =	shalt  }
0x56: {  	_ =	shalt  }
0x57: {  	_ =	shalt  }
0x58: {  	_ =	shalt  }
0x59: {  	_ =	shalt  }
0x5a: {  	_ =	shalt  }
0x5b: {  	_ =	shalt  }
0x5c: {  	_ =	shalt  }
0x5d: {  	_ =	shalt  }
0x5e: {  	_ =	shalt  }
0x5f: {  	_ =	shalt  }
0x60: {  	_ =	shalt  }
0x61: {  	_ =	shalt  }
0x62: {  	_ =	shalt  }
0x63: {  	_ =	shalt  }
0x64: {  	_ =	shalt  }
0x65: {  	_ =	shalt  }
0x66: {  	_ =	shalt  }
0x67: {  	_ =	shalt  }
0x68: {  	_ =	shalt  }
0x69: {  	_ =	shalt  }
0x6a: {  	_ =	shalt  }
0x6b: {  	_ =	shalt  }
0x6c: {  	_ =	shalt  }
0x6d: {  	_ =	shalt  }
0x6e: {  	_ =	shalt  }
0x6f: {  	_ =	shalt  }
0x70: {  	_ =	shalt  }
0x71: {  	_ =	shalt  }
0x72: {  	_ =	shalt  }
0x73: {  	_ =	shalt  }
0x74: {  	_ =	shalt  }
0x75: {  	_ =	shalt  }
0x76: {  	_ =	shalt  }
0x77: {  	_ =	shalt  }
0x78: {  	_ =	shalt  }
0x79: {  	_ =	shalt  }
0x7a: {  	_ =	shalt  }
0x7b: {  	_ =	shalt  }
0x7c: {  	_ =	shalt  }
0x7d: {  	_ =	shalt  }
0x7e: {  	_ =	shalt  }
0x7f: {  	_ =	shalt  }
0x80: {  	_ =	shalt  }
0x81: {  	_ =	shalt  }
0x82: {  	_ =	shalt  }
0x83: {  	_ =	shalt  }
0x84: {  	_ =	shalt  }
0x85: {  	_ =	shalt  }
0x86: {  	_ =	shalt  }
0x87: {  	_ =	shalt  }
.Lfunc_end0:
.L_simem_size_0:
called_computation.3_lowered:
.L_overlay_start_0:
0x88: {  	s2 =	sld [smem:$0x3FD9]  }
0x89: {  	s3 =	sld [smem:$0x3FFE];
	_ =	sdelay $0x1  }
0x8a: {  	s1 =	srdreg.scid  }
0x8b: {  	s0 =	sand.u32 $0x1, s1  }
0x8c: {  	s16 =	sshll.u32 s0, $0xA;
	s2 =	sadd.s32 s3, s2  }
0x8d: {  	s2 =	sadd.s32 s2, s16  }
0x8e: {  	[smem:$0x3FBE] =	sst s2  }
0x8f: {  	_ = 	snop  }
0x90: {  	(tm) =	ssettm $0x1  }
0x91: {  	s17 =	sld [smem:$0x3FFB];
	_ =	sdelay $0x3  }
0x92: {  	_ =	strace s17  }
0x93: {  	s2 =	sld [smem:$0x3FFC];
	_ =	sdelay $0x3  }
0x94: {  	_ =	strace s2  }
0x95: {  	s2 =	sld [smem:$0x3FFD];
	_ =	sdelay $0x3  }
0x96: {  	_ =	strace s2  }
0x97: {  	_ =	strace $0x8FFFFFFF  }
0x98: {  	s18 =	sld [smem:$0x3FDB];
	_ =	sdelay $0x1  }
0x99: {  	s19 =	simm.s32 $_scs_section_size  }
0x9a: {  	s4 =	simm.s32 $_size__tile_overlayer_lowered;
	s5 =	simm.s32 $_tile_overlayer_lowered  }
0x9b: {  	s22 =	simm.s32 $0x1BFF;
	s21 =	sshll.u32 s5, $0x1;
	s2 =	sadd.s32 s19, s18  }
0x9c: {  	s6 =	simm.s32 $0x0;
	s20 =	sshll.u32 s4, $0x1;
	s4 =	sadd.s32 s21, s2  }
0x9d: {  	[timem:s6], [sflag:s22] =	dma.local [hbm:s4], s20  }
0x9e: {  	_ =	swait.ge [sflag:s22], s20  }
0x9f: {  	s3 =	ssub.s32 $0x0, s20;
	[sflag:s22] =	ssyncset.done $0x0  }
0xa0: {  	[sflag:s22] =	ssyncadd.s32 s3;
	_ =	sdelay $0x1  }
0xa1: {  	s23 =	simm.s32 $0x1B8B  }
0xa2: {  	_ =	swait.ge [sflag:s23], $0x1  }
0xa3: {  	[sflag:s23] =	ssyncset.done $0x0  }
0xa4: {  	s25 =	simm.s32 $0x1B8E;
	s24 =	sld [smem:$0x3FFE];
	[sflag:s23] =	ssyncadd.s32 $0xFFFFFFFF  }
0xa5: {  	s26 =	simm.s32 $execute0_lowered;
	[smem:$0x3FD2] =	sst s25  }
0xa6: {  	s4 =	sshll.u32 s26, $0x1;
	_ =	strace $0x8000004F;
	[dreg:$0x1] =	wrdreg $0xFFFFFFFF  }
0xa7: {  	s28 =	simm.s32 $_size_execute0_lowered;
	s2 =	sadd.s32 s2, s4;
	[dreg:$0x0] =	wrdreg $0x0  }
0xa8: {  	s4 =	sshll.u32 s28, $0x1;
	[dreg:$0x2] =	wrdreg s2  }
0xa9: {  	[dreg:$0x3] =	wrdreg s4  }
0xaa: {  	[dreg:$0x4] =	wrdreg $0xC0  }
0xab: {  	_ =	task [dreg:s6], $0x5FFFF  }
0xac: {  	[dreg:$0x1] =	wrdreg $0xFFFFFFFF  }
0xad: {  	[dreg:$0x0] =	wrdreg $0x60  }
0xae: {  	[dreg:$0x2] =	wrdreg s24  }
0xaf: {  	[dreg:$0x3] =	wrdreg $0xA9800  }
0xb0: {  	[dreg:$0x4] =	wrdreg $0x9  }
0xb1: {  	_ =	task.clear_ibuf [dreg:s6], $0x5FFFF;
	_ =	strace $0x9000004F  }
0xb2: {  	s29 =	simm.s32 $0x9;
	_ =	strace $0x80000051  }
0xb3: {  	_ =	swait.ge [sflag:s29], $0x1  }
0xb4: {  	[sflag:s29] =	ssyncadd.s32 $0xFFFFFFFF  }
0xb5: {  	_ =	strace $0x90000051  }
0xb6: {  	_ =	sfence  }
0xb7: {  	s30 =	sld [smem:$0x0];
	_ =	sdelay $0x2  }
0xb8: {  	s31 =	sshll.u32 s1, $0xD;
	s1 =	sshrl.u32 s1, $0x2  }
0xb9: {  	s3 =	sand.u32 $0x4000, s31;
	s1 =	sadd.s32 s1, s30  }
0xba: {  	s0 =	sor.u32 s3, s0;
	s1 =	sshll.u32 s1, $0x11  }
0xbb: {  	s0 =	sor.u32 s1, s0  }
0xbc: {  	s0 =	sadd.s32 $0x8F2B, s0  }
0xbd: {  	[sflag:s0] =	ssyncadd.remote.s32 $0x1  }
0xbe: {  	_ =	sfence.sel $0xFFFF  }
0xbf: {  	[dreg:$0x0] =	wrdreg $0xFFFFFFFF;
	(pc) =	sbr.abs _section_cstart, $3  }
0xc0: {  	[dreg:$0x1] =	wrdreg $0xFFFFFFFF  }
0xc1: {  	_ =	task.clear_ibuf [dreg:s6], $0x2FFFF;
	_ =	strace $0x9FFFFFFF  }
0xc2: {  	(tm) =	ssettm $0x7FFFFFFF  }
0xc3: {  	_ =	shalt  }
tec
execute0_lowered:
.L_overlay_start_1:
0x0: {  	(tag) =	ssettag $0x1  }
0x1: {  	s0 =	rddreg [dreg:$0x0]  }
0x2: {  	s1 =	rddreg [dreg:$0x1];
	s2 =	simm.s32 $0x0;
	s3 =	srdreg.scid  }
0x3: {  	s13 =	stileid.u32;
	s15 =	simm.s32 $0x3;
	s16 =	simm.s32 $0x1400  }
0x4: {  	s17 =	simm.s32 $0x80;
	s18 =	simm.s32 $0x2800;
	s19 =	simm.s32 $0x2980  }
0x5: {  	s20 =	simm.s32 $0x2880;
	s21 =	simm.s32 $0x6980;
	s22 =	simm.s32 $0x1  }
0x6: {  	s23 =	simm.s32 $0x2900;
	s24 =	simm.s32 $0x2;
	s28 =	simm.s32 $0x0  }
0x7: {  	[smem:$0x7FF] =	sst s2;
	s4 =	sadd.s32 $0x42400, s0;
	s5 =	sand.u32 $0x1, s3  }
0x8: {  	s6 =	sadd.s32 $0xDC00, s0;
	s7 =	sadd.s32 $0x3C00, s0;
	s11 =	smul.u32 $0x50000, s13  }
0x9: {  	s8 =	sadd.s32 $0x3FC00, s0;
	s9 =	sadd.s32 $0x2C2400, s0;
	s3 =	ssub.s32 $0x2, s5  }
0xa: {  	s12 =	sshll.u32 s13, $0x6;
	_ =	strace $0x80000050;
	s10 =	sshrl.u32 s3, $0x1  }
0xb: {  	s12 =	sor.u32 $0x1C03, s12;
	s31 =	sshrl.u32 s11, $0x2;
	s30 =	ssub.s32 s3, s10  }
0xc: {  	s11 =	smul.u32 $0x280, s13;
	s3 =	sadd.s32 s31, s1;
	s0 =	smax.u32 s30, $0x1  }
0xd: {  	s10 =	smul.u32 $0xA0, s13;
	s14 =	sshrl.u32 s3, $0x3;
	[dreg:$0x4] =	wrdreg s0  }
.LBB2_1:
0xe: {  	[dreg:$0x3] =	wrdreg s2;
	s25 =	simm.s32 $0x0  }
.LBB2_2:
0xf: {  	s0 =	sshll.u32 s25, $0x1  }
0x10: {  	[spmem:s14], [sflag:s12] =	dma.local [hbm:s8], $0x2800  }
0x11: {  	s0 =	sor.u32 s5, s0;
	_ =	swait.ge [sflag:s15], $0x2800  }
0x12: {  	s26 =	smul.u32 $0x2800, s0;
	[sflag:s15] =	ssyncset.done $0x0  }
0x13: {  	[sflag:s15] =	ssyncadd.s32 $0xFFFFD800  }
0x14: {  	s29 =	simm.s32 $0x0;
	[bflag:$0x0] =	sbarrier.arrive $0xFFFF;
	v0 =	vmov s26  }
.LBB2_3:
0x15: {  	s0 =	smul.u32 $0x28, s29;
	_ =	sdelay $0x1  }
0x16: {  	s0 =	sadd.s32 s10, s0  }
0x17: {  	s0 =	sshll.u32 s0, $0x4  }
0x18: {  	s3 =	sadd.s32 s6, s0  }
0x19: {  	[tilespmem:s28], [sflag:$0x3] =	stream.linear.gather [hbm4b:s3+s28], $0x1400, $0x38;
	[tilespmem:$0x1E980] =	vst v63  }
0x1a: {  	_ =	swait.ge [sflag:s15], $0x1400  }
0x1b: {  	[sflag:s15] =	ssyncset.done $0x0  }
0x1c: {  	s0 =	sadd.s32 s7, s0;
	[sflag:s15] =	ssyncadd.s32 $0xFFFFEC00  }
0x1d: {  	[tilespmem:s16], [sflag:$0x3] =	stream.linear.gather [hbm4b:s0+s28], $0x1400, $0x38;
	[tilespmem:$0x1E980] =	vst v63  }
0x1e: {  	_ =	swait.ge [sflag:s15], $0x1400  }
0x1f: {  	[sflag:s15] =	ssyncset.done $0x0  }
0x20: {  	[sflag:s15] =	ssyncadd.s32 $0xFFFFEC00  }
0x21: {  	v1 =	vld [tilespmem:$0x0]  }
0x22: {  	v2 =	vld [tilespmem:$0x10]  }
0x23: {  	v3 =	vld [tilespmem:$0x20]  }
0x24: {  	v4 =	vld [tilespmem:$0x30]  }
0x25: {  	v5 =	vld [tilespmem:$0x40]  }
0x26: {  	v6 =	vld [tilespmem:$0x50];
	v1 =	vadd.s32 v0, v1  }
0x27: {  	[tilespmem:$0x2800] =	vst v1;
	v1 =	vadd.s32 v0, v2;
	v2 =	vld [tilespmem:$0x60]  }
0x28: {  	[tilespmem:$0x2810] =	vst v1;
	v1 =	vadd.s32 v0, v3;
	v3 =	vld [tilespmem:$0x70]  }
0x29: {  	[tilespmem:$0x2820] =	vst v1;
	v1 =	vadd.s32 v0, v4  }
0x2a: {  	[tilespmem:$0x2830] =	vst v1;
	v1 =	vadd.s32 v0, v5  }
0x2b: {  	[tilespmem:$0x2840] =	vst v1;
	v1 =	vadd.s32 v0, v6  }
0x2c: {  	[tilespmem:$0x2850] =	vst v1;
	v1 =	vadd.s32 v0, v2  }
0x2d: {  	[tilespmem:$0x2860] =	vst v1;
	v1 =	vadd.s32 v0, v3  }
0x2e: {  	s2 =	simm.s32 $0x0;
	[tilespmem:$0x2870] =	vst v1  }
0x2f: {  	[tilespmem:s19], [sflag:$0x1] =	stream.indirect.gather [hbm4b:s4+s17], $0x80, s18, s17, $0xb8;
	[tilespmem:$0x1E980] =	vst v63  }
0x30: {  	v1 =	vld [tilespmem:s2+$0x80];
	_ =	sdelay $0x4  }
0x31: {  	v1 =	vadd.s32 v0, v1  }
0x32: {  	[tilespmem:$0x2880] =	vst v1  }
0x33: {  	v1 =	vld [tilespmem:s2+$0x90];
	_ =	sdelay $0x4  }
0x34: {  	v1 =	vadd.s32 v0, v1  }
0x35: {  	[tilespmem:$0x2890] =	vst v1  }
0x36: {  	v1 =	vld [tilespmem:s2+$0xA0];
	_ =	sdelay $0x4  }
0x37: {  	v1 =	vadd.s32 v0, v1  }
0x38: {  	[tilespmem:$0x28A0] =	vst v1  }
0x39: {  	v1 =	vld [tilespmem:s2+$0xB0];
	_ =	sdelay $0x4  }
0x3a: {  	v1 =	vadd.s32 v0, v1  }
0x3b: {  	[tilespmem:$0x28B0] =	vst v1  }
0x3c: {  	v1 =	vld [tilespmem:s2+$0xC0];
	_ =	sdelay $0x4  }
0x3d: {  	v1 =	vadd.s32 v0, v1  }
0x3e: {  	[tilespmem:$0x28C0] =	vst v1  }
0x3f: {  	v1 =	vld [tilespmem:s2+$0xD0];
	_ =	sdelay $0x4  }
0x40: {  	v1 =	vadd.s32 v0, v1  }
0x41: {  	[tilespmem:$0x28D0] =	vst v1  }
0x42: {  	v1 =	vld [tilespmem:s2+$0xE0];
	_ =	sdelay $0x4  }
0x43: {  	v1 =	vadd.s32 v0, v1  }
0x44: {  	[tilespmem:$0x28E0] =	vst v1  }
0x45: {  	v1 =	vld [tilespmem:s2+$0xF0];
	_ =	sdelay $0x4  }
0x46: {  	v1 =	vadd.s32 v0, v1  }
0x47: {  	[tilespmem:$0x28F0] =	vst v1  }
0x48: {  	[tilespmem:s21], [sflag:$0x2] =	stream.indirect.gather [hbm4b:s4+s17], $0x80, s20, s17, $0xb8;
	[tilespmem:$0x1E980] =	vst v63  }
0x49: {  	v1 =	vld [tilespmem:s2+$0x1400];
	_ =	sdelay $0x4  }
0x4a: {  	[tilespmem:$0x2900] =	vst v1  }
0x4b: {  	v1 =	vld [tilespmem:s2+$0x1410];
	_ =	sdelay $0x4  }
0x4c: {  	[tilespmem:$0x2910] =	vst v1  }
0x4d: {  	v1 =	vld [tilespmem:s2+$0x1420];
	_ =	sdelay $0x4  }
0x4e: {  	[tilespmem:$0x2920] =	vst v1  }
0x4f: {  	v1 =	vld [tilespmem:s2+$0x1430];
	_ =	sdelay $0x4  }
0x50: {  	[tilespmem:$0x2930] =	vst v1  }
0x51: {  	v1 =	vld [tilespmem:s2+$0x1440];
	_ =	sdelay $0x4  }
0x52: {  	[tilespmem:$0x2940] =	vst v1  }
0x53: {  	v1 =	vld [tilespmem:s2+$0x1450];
	_ =	sdelay $0x4  }
0x54: {  	[tilespmem:$0x2950] =	vst v1  }
0x55: {  	v1 =	vld [tilespmem:s2+$0x1460];
	_ =	sdelay $0x4  }
0x56: {  	[tilespmem:$0x2960] =	vst v1  }
0x57: {  	v1 =	vld [tilespmem:s2+$0x1470];
	_ =	sdelay $0x4  }
0x58: {  	[tilespmem:$0x2970] =	vst v1  }
0x59: {  	_ =	swait.ge [sflag:s22], $0x4000  }
0x5a: {  	[sflag:s22] =	ssyncset.done $0x0  }
0x5b: {  	[sflag:s22] =	ssyncadd.s32 $0xFFFFC000  }
0x5c: {  	[spmem:s1] =	stream.indirect.scatter.add.f32 [tilespmem:s19], [sflag:$0x3], $0x80, s23, s17, $0xb8;
	[tilespmem:$0x1E980] =	vst v63  }
0x5d: {  	_ =	swait.ge [sflag:s15], $0x4000  }
0x5e: {  	p0 =	por $0x0, $0x0;
	[sflag:s15] =	ssyncset.done $0x0  }
0x5f: {  	s3 =	simm.s32 @!p0 $0x0;
	[sflag:s15] =	ssyncadd.s32 $0xFFFFC000  }
0x60: {  	v1 =	vld @!p0 [tilespmem:s3+$0x100];
	_ =	sdelay $0x4  }
0x61: {  	v1 =	vadd.s32 @!p0 v0, v1  }
0x62: {  	[tilespmem:$0x2800] =	vst @!p0 v1  }
0x63: {  	v1 =	vld @!p0 [tilespmem:s3+$0x110];
	_ =	sdelay $0x4  }
0x64: {  	v1 =	vadd.s32 @!p0 v0, v1  }
0x65: {  	[tilespmem:$0x2810] =	vst @!p0 v1  }
0x66: {  	v1 =	vld @!p0 [tilespmem:s3+$0x120];
	_ =	sdelay $0x4  }
0x67: {  	v1 =	vadd.s32 @!p0 v0, v1  }
0x68: {  	[tilespmem:$0x2820] =	vst @!p0 v1  }
0x69: {  	v1 =	vld @!p0 [tilespmem:s3+$0x130];
	_ =	sdelay $0x4  }
0x6a: {  	v1 =	vadd.s32 @!p0 v0, v1  }
0x6b: {  	[tilespmem:$0x2830] =	vst @!p0 v1  }
0x6c: {  	v1 =	vld @!p0 [tilespmem:s3+$0x140];
	_ =	sdelay $0x4  }
0x6d: {  	v1 =	vadd.s32 @!p0 v0, v1  }
0x6e: {  	[tilespmem:$0x2840] =	vst @!p0 v1  }
0x6f: {  	v1 =	vld @!p0 [tilespmem:s3+$0x150];
	_ =	sdelay $0x4  }
0x70: {  	v1 =	vadd.s32 @!p0 v0, v1  }
0x71: {  	[tilespmem:$0x2850] =	vst @!p0 v1  }
0x72: {  	v1 =	vld @!p0 [tilespmem:s3+$0x160];
	_ =	sdelay $0x4  }
0x73: {  	v1 =	vadd.s32 @!p0 v0, v1  }
0x74: {  	[tilespmem:$0x2860] =	vst @!p0 v1  }
0x75: {  	v1 =	vld @!p0 [tilespmem:s3+$0x170];
	_ =	sdelay $0x4  }
0x76: {  	v1 =	vadd.s32 @!p0 v0, v1  }
0x77: {  	s13 =	simm.s32 @!p0 $0x2800;
	s30 =	simm.s32 @!p0 $0x2980;
	s3 =	simm.s32 @!p0 $0x80;
	[tilespmem:$0x2870] =	vst @!p0 v1  }
0x78: {  	[tilespmem:s30], [sflag:$0x1] =	stream.indirect.gather @!p0 [hbm4b:s4+s3], $0x80, s13, s3, $0xb8;
	[tilespmem:$0x1E980] =	vst v63  }
0x79: {  	v1 =	vld [tilespmem:s2+$0x1480];
	_ =	sdelay $0x4  }
0x7a: {  	[tilespmem:$0x2900] =	vst v1  }
0x7b: {  	v1 =	vld [tilespmem:s2+$0x1490];
	_ =	sdelay $0x4  }
0x7c: {  	[tilespmem:$0x2910] =	vst v1  }
0x7d: {  	v1 =	vld [tilespmem:s2+$0x14A0];
	_ =	sdelay $0x4  }
0x7e: {  	[tilespmem:$0x2920] =	vst v1  }
0x7f: {  	v1 =	vld [tilespmem:s2+$0x14B0];
	_ =	sdelay $0x4  }
0x80: {  	[tilespmem:$0x2930] =	vst v1  }
0x81: {  	v1 =	vld [tilespmem:s2+$0x14C0];
	_ =	sdelay $0x4  }
0x82: {  	[tilespmem:$0x2940] =	vst v1  }
0x83: {  	v1 =	vld [tilespmem:s2+$0x14D0];
	_ =	sdelay $0x4  }
0x84: {  	[tilespmem:$0x2950] =	vst v1  }
0x85: {  	v1 =	vld [tilespmem:s2+$0x14E0];
	_ =	sdelay $0x4  }
0x86: {  	[tilespmem:$0x2960] =	vst v1  }
0x87: {  	v1 =	vld [tilespmem:s2+$0x14F0];
	_ =	sdelay $0x4  }
0x88: {  	[tilespmem:$0x2970] =	vst v1  }
0x89: {  	_ =	swait.ge [sflag:s24], $0x4000  }
0x8a: {  	[sflag:s24] =	ssyncset.done $0x0  }
0x8b: {  	[sflag:s24] =	ssyncadd.s32 $0xFFFFC000  }
0x8c: {  	[spmem:s1] =	stream.indirect.scatter.add.f32 [tilespmem:s21], [sflag:$0x3], $0x80, s23, s17, $0xb8;
	[tilespmem:$0x1E980] =	vst v63  }
0x8d: {  	_ =	swait.ge [sflag:s15], $0x4000  }
0x8e: {  	s31 =	simm.s32 $0x800;
	s30 =	simm.s32 $0x400;
	[sflag:s15] =	ssyncset.done $0x0  }
.LBB2_4:
0x8f: {  	s0 =	sshra.s32 s30, $0x2  }
0x90: {  	[sflag:s15] =	ssyncadd.s32 $0xFFFFC000;
	s3 =	smov.u32 s31;
	s31 =	sadd.s32 $0x400, s31  }
0x91: {  	p0 =	sne.s32 s31, $0x5000;
	v1 =	vld [tilespmem:s0+$0x80];
	_ =	sdelay $0x4  }
0x92: {  	v1 =	vadd.s32 v0, v1  }
0x93: {  	[tilespmem:$0x2880] =	vst v1  }
0x94: {  	v1 =	vld [tilespmem:s0+$0x90];
	_ =	sdelay $0x4  }
0x95: {  	v1 =	vadd.s32 v0, v1  }
0x96: {  	[tilespmem:$0x2890] =	vst v1  }
0x97: {  	v1 =	vld [tilespmem:s0+$0xA0];
	_ =	sdelay $0x4  }
0x98: {  	v1 =	vadd.s32 v0, v1  }
0x99: {  	[tilespmem:$0x28A0] =	vst v1  }
0x9a: {  	v1 =	vld [tilespmem:s0+$0xB0];
	_ =	sdelay $0x4  }
0x9b: {  	v1 =	vadd.s32 v0, v1  }
0x9c: {  	[tilespmem:$0x28B0] =	vst v1  }
0x9d: {  	v1 =	vld [tilespmem:s0+$0xC0];
	_ =	sdelay $0x4  }
0x9e: {  	v1 =	vadd.s32 v0, v1  }
0x9f: {  	[tilespmem:$0x28C0] =	vst v1  }
0xa0: {  	v1 =	vld [tilespmem:s0+$0xD0];
	_ =	sdelay $0x4  }
0xa1: {  	v1 =	vadd.s32 v0, v1  }
0xa2: {  	[tilespmem:$0x28D0] =	vst v1  }
0xa3: {  	v1 =	vld [tilespmem:s0+$0xE0];
	_ =	sdelay $0x4  }
0xa4: {  	v1 =	vadd.s32 v0, v1  }
0xa5: {  	[tilespmem:$0x28E0] =	vst v1  }
0xa6: {  	v1 =	vld [tilespmem:s0+$0xF0];
	_ =	sdelay $0x4  }
0xa7: {  	v1 =	vadd.s32 v0, v1  }
0xa8: {  	[tilespmem:$0x28F0] =	vst v1  }
0xa9: {  	[tilespmem:s21], [sflag:$0x2] =	stream.indirect.gather [hbm4b:s4+s17], $0x80, s20, s17, $0xb8;
	[tilespmem:$0x1E980] =	vst v63  }
0xaa: {  	v1 =	vld [tilespmem:s0+$0x1400];
	_ =	sdelay $0x4  }
0xab: {  	[tilespmem:$0x2900] =	vst v1  }
0xac: {  	v1 =	vld [tilespmem:s0+$0x1410];
	_ =	sdelay $0x4  }
0xad: {  	[tilespmem:$0x2910] =	vst v1  }
0xae: {  	v1 =	vld [tilespmem:s0+$0x1420];
	_ =	sdelay $0x4  }
0xaf: {  	[tilespmem:$0x2920] =	vst v1  }
0xb0: {  	v1 =	vld [tilespmem:s0+$0x1430];
	_ =	sdelay $0x4  }
0xb1: {  	[tilespmem:$0x2930] =	vst v1  }
0xb2: {  	v1 =	vld [tilespmem:s0+$0x1440];
	_ =	sdelay $0x4  }
0xb3: {  	[tilespmem:$0x2940] =	vst v1  }
0xb4: {  	v1 =	vld [tilespmem:s0+$0x1450];
	_ =	sdelay $0x4  }
0xb5: {  	[tilespmem:$0x2950] =	vst v1  }
0xb6: {  	v1 =	vld [tilespmem:s0+$0x1460];
	_ =	sdelay $0x4  }
0xb7: {  	[tilespmem:$0x2960] =	vst v1  }
0xb8: {  	v1 =	vld [tilespmem:s0+$0x1470];
	_ =	sdelay $0x4  }
0xb9: {  	[tilespmem:$0x2970] =	vst v1  }
0xba: {  	_ =	swait.ge [sflag:s22], $0x4000  }
0xbb: {  	[sflag:s22] =	ssyncset.done $0x0  }
0xbc: {  	[sflag:s22] =	ssyncadd.s32 $0xFFFFC000  }
0xbd: {  	[spmem:s1] =	stream.indirect.scatter.add.f32 [tilespmem:s19], [sflag:$0x3], $0x80, s23, s17, $0xb8;
	[tilespmem:$0x1E980] =	vst v63  }
0xbe: {  	_ =	swait.ge [sflag:s15], $0x4000  }
0xbf: {  	p1 =	seq.s32 s30, $0x4C00;
	[sflag:s15] =	ssyncset.done $0x0  }
0xc0: {  	s13 =	sshra.s32 @!p1 s30, $0x2;
	s30 =	smov.u32 s3;
	[sflag:s15] =	ssyncadd.s32 $0xFFFFC000  }
0xc1: {  	v1 =	vld @!p1 [tilespmem:s13+$0x100];
	_ =	sdelay $0x4  }
0xc2: {  	v1 =	vadd.s32 @!p1 v0, v1  }
0xc3: {  	[tilespmem:$0x2800] =	vst @!p1 v1  }
0xc4: {  	v1 =	vld @!p1 [tilespmem:s13+$0x110];
	_ =	sdelay $0x4  }
0xc5: {  	v1 =	vadd.s32 @!p1 v0, v1  }
0xc6: {  	[tilespmem:$0x2810] =	vst @!p1 v1  }
0xc7: {  	v1 =	vld @!p1 [tilespmem:s13+$0x120];
	_ =	sdelay $0x4  }
0xc8: {  	v1 =	vadd.s32 @!p1 v0, v1  }
0xc9: {  	[tilespmem:$0x2820] =	vst @!p1 v1  }
0xca: {  	v1 =	vld @!p1 [tilespmem:s13+$0x130];
	_ =	sdelay $0x4  }
0xcb: {  	v1 =	vadd.s32 @!p1 v0, v1  }
0xcc: {  	[tilespmem:$0x2830] =	vst @!p1 v1  }
0xcd: {  	v1 =	vld @!p1 [tilespmem:s13+$0x140];
	_ =	sdelay $0x4  }
0xce: {  	v1 =	vadd.s32 @!p1 v0, v1  }
0xcf: {  	[tilespmem:$0x2840] =	vst @!p1 v1  }
0xd0: {  	v1 =	vld @!p1 [tilespmem:s13+$0x150];
	_ =	sdelay $0x4  }
0xd1: {  	v1 =	vadd.s32 @!p1 v0, v1  }
0xd2: {  	[tilespmem:$0x2850] =	vst @!p1 v1  }
0xd3: {  	v1 =	vld @!p1 [tilespmem:s13+$0x160];
	_ =	sdelay $0x4  }
0xd4: {  	v1 =	vadd.s32 @!p1 v0, v1  }
0xd5: {  	[tilespmem:$0x2860] =	vst @!p1 v1  }
0xd6: {  	v1 =	vld @!p1 [tilespmem:s13+$0x170];
	_ =	sdelay $0x4  }
0xd7: {  	v1 =	vadd.s32 @!p1 v0, v1  }
0xd8: {  	s3 =	simm.s32 @!p1 $0x80;
	s2 =	simm.s32 @!p1 $0x2980;
	s13 =	simm.s32 @!p1 $0x2800;
	[tilespmem:$0x2870] =	vst @!p1 v1  }
0xd9: {  	[tilespmem:s2], [sflag:$0x1] =	stream.indirect.gather @!p1 [hbm4b:s4+s3], $0x80, s13, s3, $0xb8;
	[tilespmem:$0x1E980] =	vst v63  }
0xda: {  	v1 =	vld [tilespmem:s0+$0x1480];
	_ =	sdelay $0x4  }
0xdb: {  	[tilespmem:$0x2900] =	vst v1  }
0xdc: {  	v1 =	vld [tilespmem:s0+$0x1490];
	_ =	sdelay $0x4  }
0xdd: {  	[tilespmem:$0x2910] =	vst v1  }
0xde: {  	v1 =	vld [tilespmem:s0+$0x14A0];
	_ =	sdelay $0x4  }
0xdf: {  	[tilespmem:$0x2920] =	vst v1  }
0xe0: {  	v1 =	vld [tilespmem:s0+$0x14B0];
	_ =	sdelay $0x4  }
0xe1: {  	[tilespmem:$0x2930] =	vst v1  }
0xe2: {  	v1 =	vld [tilespmem:s0+$0x14C0];
	_ =	sdelay $0x4  }
0xe3: {  	[tilespmem:$0x2940] =	vst v1  }
0xe4: {  	v1 =	vld [tilespmem:s0+$0x14D0];
	_ =	sdelay $0x4  }
0xe5: {  	[tilespmem:$0x2950] =	vst v1  }
0xe6: {  	v1 =	vld [tilespmem:s0+$0x14E0];
	_ =	sdelay $0x4  }
0xe7: {  	[tilespmem:$0x2960] =	vst v1  }
0xe8: {  	v1 =	vld [tilespmem:s0+$0x14F0];
	_ =	sdelay $0x4  }
0xe9: {  	[tilespmem:$0x2970] =	vst v1  }
0xea: {  	_ =	swait.ge [sflag:s24], $0x4000  }
.Ltmp0:
0xeb: {  	[sflag:s24] =	ssyncset.done $0x0;
	(pc) =	sbr.rel @p0 .LBB2_4-.Ltmp0, $4  }
0xec: {  	[sflag:s24] =	ssyncadd.s32 $0xFFFFC000  }
0xed: {  	[spmem:s1] =	stream.indirect.scatter.add.f32 [tilespmem:s21], [sflag:$0x3], $0x80, s23, s17, $0xb8;
	[tilespmem:$0x1E980] =	vst v63  }
0xee: {  	_ =	swait.ge [sflag:s15], $0x4000  }
0xef: {  	[sflag:s15] =	ssyncset.done $0x0  }
0xf0: {  	s0 =	sshra.s32 s30, $0x2;
	[sflag:s15] =	ssyncadd.s32 $0xFFFFC000  }
0xf1: {  	v1 =	vld [tilespmem:s0+$0x80];
	_ =	sdelay $0x4  }
0xf2: {  	v1 =	vadd.s32 v0, v1  }
0xf3: {  	[tilespmem:$0x2880] =	vst v1  }
0xf4: {  	v1 =	vld [tilespmem:s0+$0x90];
	_ =	sdelay $0x4  }
0xf5: {  	v1 =	vadd.s32 v0, v1  }
0xf6: {  	[tilespmem:$0x2890] =	vst v1  }
0xf7: {  	v1 =	vld [tilespmem:s0+$0xA0];
	_ =	sdelay $0x4  }
0xf8: {  	v1 =	vadd.s32 v0, v1  }
0xf9: {  	[tilespmem:$0x28A0] =	vst v1  }
0xfa: {  	v1 =	vld [tilespmem:s0+$0xB0];
	_ =	sdelay $0x4  }
0xfb: {  	v1 =	vadd.s32 v0, v1  }
0xfc: {  	[tilespmem:$0x28B0] =	vst v1  }
0xfd: {  	v1 =	vld [tilespmem:s0+$0xC0];
	_ =	sdelay $0x4  }
0xfe: {  	v1 =	vadd.s32 v0, v1  }
0xff: {  	[tilespmem:$0x28C0] =	vst v1  }
0x100: {  	v1 =	vld [tilespmem:s0+$0xD0];
	_ =	sdelay $0x4  }
0x101: {  	v1 =	vadd.s32 v0, v1  }
0x102: {  	[tilespmem:$0x28D0] =	vst v1  }
0x103: {  	v1 =	vld [tilespmem:s0+$0xE0];
	_ =	sdelay $0x4  }
0x104: {  	v1 =	vadd.s32 v0, v1  }
0x105: {  	[tilespmem:$0x28E0] =	vst v1  }
0x106: {  	v1 =	vld [tilespmem:s0+$0xF0];
	_ =	sdelay $0x4  }
0x107: {  	v1 =	vadd.s32 v0, v1  }
0x108: {  	[tilespmem:$0x28F0] =	vst v1  }
0x109: {  	[tilespmem:s21], [sflag:$0x2] =	stream.indirect.gather [hbm4b:s4+s17], $0x80, s20, s17, $0xb8;
	[tilespmem:$0x1E980] =	vst v63  }
0x10a: {  	v1 =	vld [tilespmem:s0+$0x1400];
	_ =	sdelay $0x4  }
0x10b: {  	[tilespmem:$0x2900] =	vst v1  }
0x10c: {  	v1 =	vld [tilespmem:s0+$0x1410];
	_ =	sdelay $0x4  }
0x10d: {  	[tilespmem:$0x2910] =	vst v1  }
0x10e: {  	v1 =	vld [tilespmem:s0+$0x1420];
	_ =	sdelay $0x4  }
0x10f: {  	[tilespmem:$0x2920] =	vst v1  }
0x110: {  	v1 =	vld [tilespmem:s0+$0x1430];
	_ =	sdelay $0x4  }
0x111: {  	[tilespmem:$0x2930] =	vst v1  }
0x112: {  	v1 =	vld [tilespmem:s0+$0x1440];
	_ =	sdelay $0x4  }
0x113: {  	[tilespmem:$0x2940] =	vst v1  }
0x114: {  	v1 =	vld [tilespmem:s0+$0x1450];
	_ =	sdelay $0x4  }
0x115: {  	[tilespmem:$0x2950] =	vst v1  }
0x116: {  	v1 =	vld [tilespmem:s0+$0x1460];
	_ =	sdelay $0x4  }
0x117: {  	[tilespmem:$0x2960] =	vst v1  }
0x118: {  	v1 =	vld [tilespmem:s0+$0x1470];
	_ =	sdelay $0x4  }
0x119: {  	[tilespmem:$0x2970] =	vst v1  }
0x11a: {  	_ =	swait.ge [sflag:s22], $0x4000  }
0x11b: {  	[sflag:s22] =	ssyncset.done $0x0  }
0x11c: {  	[sflag:s22] =	ssyncadd.s32 $0xFFFFC000  }
0x11d: {  	[spmem:s1] =	stream.indirect.scatter.add.f32 [tilespmem:s19], [sflag:$0x3], $0x80, s23, s17, $0xb8;
	[tilespmem:$0x1E980] =	vst v63  }
0x11e: {  	_ =	swait.ge [sflag:s15], $0x4000  }
0x11f: {  	p0 =	seq.s32 s30, $0x4C00;
	[sflag:s15] =	ssyncset.done $0x0  }
0x120: {  	s2 =	sshra.s32 @!p0 s30, $0x2;
	[sflag:s15] =	ssyncadd.s32 $0xFFFFC000  }
0x121: {  	v1 =	vld @!p0 [tilespmem:s2+$0x100];
	_ =	sdelay $0x4  }
0x122: {  	v1 =	vadd.s32 @!p0 v0, v1  }
0x123: {  	[tilespmem:$0x2800] =	vst @!p0 v1  }
0x124: {  	v1 =	vld @!p0 [tilespmem:s2+$0x110];
	_ =	sdelay $0x4  }
0x125: {  	v1 =	vadd.s32 @!p0 v0, v1  }
0x126: {  	[tilespmem:$0x2810] =	vst @!p0 v1  }
0x127: {  	v1 =	vld @!p0 [tilespmem:s2+$0x120];
	_ =	sdelay $0x4  }
0x128: {  	v1 =	vadd.s32 @!p0 v0, v1  }
0x129: {  	[tilespmem:$0x2820] =	vst @!p0 v1  }
0x12a: {  	v1 =	vld @!p0 [tilespmem:s2+$0x130];
	_ =	sdelay $0x4  }
0x12b: {  	v1 =	vadd.s32 @!p0 v0, v1  }
0x12c: {  	[tilespmem:$0x2830] =	vst @!p0 v1  }
0x12d: {  	v1 =	vld @!p0 [tilespmem:s2+$0x140];
	_ =	sdelay $0x4  }
0x12e: {  	v1 =	vadd.s32 @!p0 v0, v1  }
0x12f: {  	[tilespmem:$0x2840] =	vst @!p0 v1  }
0x130: {  	v1 =	vld @!p0 [tilespmem:s2+$0x150];
	_ =	sdelay $0x4  }
0x131: {  	v1 =	vadd.s32 @!p0 v0, v1  }
0x132: {  	[tilespmem:$0x2850] =	vst @!p0 v1  }
0x133: {  	v1 =	vld @!p0 [tilespmem:s2+$0x160];
	_ =	sdelay $0x4  }
0x134: {  	v1 =	vadd.s32 @!p0 v0, v1  }
0x135: {  	[tilespmem:$0x2860] =	vst @!p0 v1  }
0x136: {  	v1 =	vld @!p0 [tilespmem:s2+$0x170];
	_ =	sdelay $0x4  }
0x137: {  	v1 =	vadd.s32 @!p0 v0, v1  }
0x138: {  	s3 =	simm.s32 @!p0 $0x2800;
	s13 =	simm.s32 @!p0 $0x2980;
	s2 =	simm.s32 @!p0 $0x80;
	[tilespmem:$0x2870] =	vst @!p0 v1  }
0x139: {  	[tilespmem:s13], [sflag:$0x1] =	stream.indirect.gather @!p0 [hbm4b:s4+s2], $0x80, s3, s2, $0xb8;
	[tilespmem:$0x1E980] =	vst v63  }
0x13a: {  	v1 =	vld [tilespmem:s0+$0x1480];
	_ =	sdelay $0x4  }
0x13b: {  	[tilespmem:$0x2900] =	vst v1  }
0x13c: {  	v1 =	vld [tilespmem:s0+$0x1490];
	_ =	sdelay $0x4  }
0x13d: {  	[tilespmem:$0x2910] =	vst v1  }
0x13e: {  	v1 =	vld [tilespmem:s0+$0x14A0];
	_ =	sdelay $0x4  }
0x13f: {  	[tilespmem:$0x2920] =	vst v1  }
0x140: {  	v1 =	vld [tilespmem:s0+$0x14B0];
	_ =	sdelay $0x4  }
0x141: {  	[tilespmem:$0x2930] =	vst v1  }
0x142: {  	v1 =	vld [tilespmem:s0+$0x14C0];
	_ =	sdelay $0x4  }
0x143: {  	[tilespmem:$0x2940] =	vst v1  }
0x144: {  	v1 =	vld [tilespmem:s0+$0x14D0];
	_ =	sdelay $0x4  }
0x145: {  	[tilespmem:$0x2950] =	vst v1  }
0x146: {  	v1 =	vld [tilespmem:s0+$0x14E0];
	_ =	sdelay $0x4  }
0x147: {  	[tilespmem:$0x2960] =	vst v1  }
0x148: {  	v1 =	vld [tilespmem:s0+$0x14F0];
	_ =	sdelay $0x4  }
0x149: {  	[tilespmem:$0x2970] =	vst v1  }
0x14a: {  	s29 =	sadd.s32 $0x1, s29;
	_ =	swait.ge [sflag:s24], $0x4000  }
0x14b: {  	p0 =	sne.s32 s29, $0x4;
	[sflag:s24] =	ssyncset.done $0x0  }
.Ltmp1:
0x14c: {  	[sflag:s24] =	ssyncadd.s32 $0xFFFFC000;
	(pc) =	sbr.rel @p0 .LBB2_3-.Ltmp1, $4  }
0x14d: {  	[spmem:s1] =	stream.indirect.scatter.add.f32 [tilespmem:s21], [sflag:$0x3], $0x80, s23, s17, $0xb8;
	[tilespmem:$0x1E980] =	vst v63  }
0x14e: {  	_ =	swait.ge [sflag:s15], $0x4000  }
0x14f: {  	[sflag:s15] =	ssyncset.done $0x0  }
0x150: {  	[sflag:s15] =	ssyncadd.s32 $0xFFFFC000  }
0x151: {  	s0 =	sadd.s32 s11, s26  }
0x152: {  	s25 =	sadd.s32 $0x1, s25;
	s0 =	sshll.u32 s0, $0x4  }
0x153: {  	[bflag:$0x0] =	sbarrier.arrive $0xFFFF;
	p0 =	sne.s32 s25, $0x8;
	s0 =	sadd.s32 s9, s0  }
0x154: {  	[hbm:s0], [sflag:s12] =	dma.local [spmem:s14], $0x2800  }
.Ltmp2:
0x155: {  	_ =	swait.ge [sflag:s15], $0x2800;
	(pc) =	sbr.rel @p0 .LBB2_2-.Ltmp2, $3  }
0x156: {  	[sflag:s15] =	ssyncset.done $0x0  }
0x157: {  	[sflag:s15] =	ssyncadd.s32 $0xFFFFD800  }
0x158: {  	[bflag:$0x0] =	sbarrier.arrive $0xFFFF;
	_ =	sdelay $0x1  }
0x159: {  	s2 =	rddreg [dreg:$0x3]  }
0x15a: {  	s0 =	rddreg [dreg:$0x4];
	s2 =	sadd.s32 $0x1, s2  }
0x15b: {  	p0 =	sne.s32 s2, s0  }
.Ltmp3:
0x15c: {  	_ = 	snop;
	(pc) =	sbr.rel @p0 .LBB2_1-.Ltmp3, $1  }
0x15d: {  	_ =	sdelay $0x3  }
0x15e: {  	_ =	sfence.sel $0x180000  }
0x15f: {  	[bflag:$0x0] =	sbarrier.arrive $0xFFFF  }
0x160: {  	_ =	strace $0x90000050  }
0x161: {  	s0 =	stileid.u32;
	[bflag:$0x2] =	sbarrier.arrive $0xFFFF  }
0x162: {  	p0 =	sne.s32 s0, $0x0;
	s0 =	rddreg [dreg:$0x2]  }
0x163: {  	s0 =	sadd.s32 @!p0 $0x100000, s0  }
0x164: {  	[sflag:s0] =	ssyncadd.tile.s32 @!p0 $0x1;
	_ =	shalt  }
.Lfunc_end2:
_tile_overlayer_lowered:
.L_overlay_start_2:
0x165: {  	(tag) =	ssettag $0x2  }
0x166: {  	s0 =	rddreg [dreg:$0x0];
	s2 =	stileid.u32  }
0x167: {  	s1 =	rddreg [dreg:$0x1];
	p0 =	sne.s32 s2, $0x0  }
0x168: {  	s3 =	rddreg [dreg:$0x2];
	[bflag:$0x3] =	sbarrier.arrive $0xFFFF;
	s2 =	simm.s32 @!p0 $0x1C03  }
0x169: {  	[timem:s3], [sflag:s2] =	dma.local @!p0 [hbm:s0], s1  }
0x16a: {  	s0 =	simm.s32 @!p0 $0x3  }
0x16b: {  	_ =	swait.ge @!p0 [sflag:s0], s1  }
0x16c: {  	s1 =	ssub.s32 @!p0 $0x0, s1;
	[sflag:s0] =	ssyncset.done @!p0 $0x0  }
0x16d: {  	[sflag:s0] =	ssyncadd.s32 @!p0 s1  }
0x16e: {  	[bflag:$0x3] =	sbarrier.arrive $0xFFFF  }
0x16f: {  	_ =	shalt  }

</sc_bundles>
